<compile_context>
chip_gen: v7x
topology: tpu7x:2x2x1
jax: 0.10.2.dev20260603
libtpu: 0.0.44.dev20260713+nightly
codegen_flags: <defaults>
</compile_context>

<pallas_src>
import functools

import jax
import jax.numpy as jnp
from jax import lax
from jax.experimental import pallas as pl
from jax.experimental.pallas import tpu as pltpu
from jax.experimental.pallas import tpu_sc as plsc

B = 4
SEG = 256
TOTAL = B * SEG
SRC_LEN = 128
CAT_D = 32
LEM_D = 128
RNN_D = 128
REL_D = 256
AMR_D = CAT_D + LEM_D
IN_D = AMR_D + RNN_D

NC = 2
NS = 16
NW = NC * NS

_MESH = plsc.VectorSubcoreMesh(core_axis_name="c", subcore_axis_name="s")


def _wid():
    return lax.axis_index("s") * NC + lax.axis_index("c")


TOK_PER_W = TOTAL // NW


@functools.partial(
    pl.kernel,
    out_type=(
        jax.ShapeDtypeStruct((TOTAL, 128), jnp.float32),
        jax.ShapeDtypeStruct((TOTAL, LEM_D), jnp.float32),
        jax.ShapeDtypeStruct((TOTAL, RNN_D), jnp.float32),
    ),
    mesh=_MESH,
    scratch_types=[
        pltpu.VMEM((TOK_PER_W,), jnp.int32),
        pltpu.VMEM((TOK_PER_W,), jnp.int32),
        pltpu.VMEM((TOK_PER_W,), jnp.int32),
        pltpu.VMEM((TOK_PER_W, 128), jnp.float32),
        pltpu.VMEM((TOK_PER_W, LEM_D), jnp.float32),
        pltpu.VMEM((TOK_PER_W, RNN_D), jnp.float32),
        pltpu.SemaphoreType.DMA,
    ],
)
def _sc_gather(cat_ids, lem_ids, head_idx, cat_table, lemma_table, src_flat,
               cat_out, lem_out, head_out,
               cidx_v, lidx_v, hidx_v, crows_v, lrows_v, hrows_v, sem):
    base = _wid() * TOK_PER_W
    pltpu.sync_copy(cat_ids.at[pl.ds(base, TOK_PER_W)], cidx_v)
    pltpu.sync_copy(lem_ids.at[pl.ds(base, TOK_PER_W)], lidx_v)
    pltpu.sync_copy(head_idx.at[pl.ds(base, TOK_PER_W)], hidx_v)
    pltpu.async_copy(cat_table.at[cidx_v], crows_v, sem).wait()
    pltpu.sync_copy(crows_v, cat_out.at[pl.ds(base, TOK_PER_W)])
    pltpu.async_copy(lemma_table.at[lidx_v], lrows_v, sem).wait()
    pltpu.sync_copy(lrows_v, lem_out.at[pl.ds(base, TOK_PER_W)])
    pltpu.async_copy(src_flat.at[hidx_v], hrows_v, sem).wait()
    pltpu.sync_copy(hrows_v, head_out.at[pl.ds(base, TOK_PER_W)])


I_PER_W = SEG // 8
JH = SEG // 2


@functools.partial(
    pl.kernel,
    out_type=jax.ShapeDtypeStruct((B * SEG * SEG, REL_D), jnp.float32),
    mesh=_MESH,
    scratch_types=[
        pltpu.VMEM((SEG,), jnp.int32),
        pltpu.VMEM((JH,), jnp.int32),
        pltpu.VMEM((JH,), jnp.int32),
        pltpu.VMEM((JH, REL_D), jnp.float32),
        pltpu.VMEM((JH, REL_D), jnp.float32),
        pltpu.VMEM((JH, REL_D), jnp.float32),
        pltpu.SemaphoreType.DMA,
        pltpu.SemaphoreType.DMA,
        pltpu.SemaphoreType.DMA,
        pltpu.SemaphoreType.DMA,
    ],
)
def _sc_assemble(p_hbm, a_hbm, idx_hbm, out_hbm,
                 idx_v, gidx0, gidx1, a_v, g0, g1,
                 gsem0, gsem1, osem0, osem1):
    w = _wid()
    b = w // 8
    iblk = w % 8
    gidx = (gidx0, gidx1)
    g = (g0, g1)
    gsem = (gsem0, gsem1)
    osem = (osem0, osem1)
    pltpu.sync_copy(idx_hbm.at[pl.ds(b * SEG, SEG)], idx_v)

    def build_gidx(buf, h, i):
        i_g = iblk * I_PER_W + i
        off = (b * SEG + i_g) * SRC_LEN
        for c in range(JH // 16):
            buf[pl.ds(c * 16, 16)] = idx_v[pl.ds(h * JH + c * 16, 16)] + off

    def start_gather(bsel, h, i):
        build_gidx(gidx[bsel], h, i)
        pltpu.async_copy(p_hbm.at[gidx[bsel]], g[bsel], gsem[bsel])

    def wait_gather(bsel):
        pltpu.make_async_copy(p_hbm.at[gidx[bsel]], g[bsel], gsem[bsel]).wait()

    def start_out(bsel, h, i):
        i_g = iblk * I_PER_W + i
        row0 = b * SEG * SEG + i_g * SEG + h * JH
        pltpu.async_copy(g[bsel], out_hbm.at[pl.ds(row0, JH)], osem[bsel])

    def wait_out(bsel):
        pltpu.make_async_copy(g[bsel], out_hbm.at[pl.ds(0, JH)],
                              osem[bsel]).wait()

    def do_half(h, _):
        pltpu.sync_copy(a_hbm.at[pl.ds(b * SEG + h * JH, JH)], a_v)
        start_gather(0, h, 0)

        def pair(p, _):
            for bsel in (0, 1):
                i = 2 * p + bsel
                nb = 1 - bsel

                @pl.when(i + 1 < I_PER_W)
                def _():
                    pl.when(i >= 1)(lambda: wait_out(nb))
                    start_gather(nb, h, i + 1)

                wait_gather(bsel)

                @plsc.parallel_loop(0, JH, step=1, unroll=4)
                def _(r):
                    gb = g[bsel]
                    for c in range(REL_D // 16):
                        gb[r, pl.ds(c * 16, 16)] = (
                            gb[r, pl.ds(c * 16, 16)] + a_v[r, pl.ds(c * 16, 16)]
                        )

                start_out(bsel, h, i)
            return 0

        lax.fori_loop(0, I_PER_W // 2, pair, 0)
        wait_out(0)
        wait_out(1)
        return 0

    lax.fori_loop(0, 2, do_half, 0)


def _mm_body(x_ref, w_ref, o_ref):
    o_ref[...] = jnp.dot(x_ref[...], w_ref[...],
                         preferred_element_type=jnp.float32)


def _mm_bias_body(x_ref, w_ref, b_ref, o_ref):
    o_ref[...] = jnp.dot(x_ref[...], w_ref[...],
                         preferred_element_type=jnp.float32) + b_ref[...]


_P_ROWS = TOTAL * SRC_LEN
_P_BLK = 4096

_p_matmul = pl.pallas_call(
    _mm_body,
    grid=(_P_ROWS // _P_BLK,),
    in_specs=[
        pl.BlockSpec((_P_BLK, RNN_D), lambda i: (i, 0)),
        pl.BlockSpec((RNN_D, REL_D), lambda i: (0, 0)),
    ],
    out_specs=pl.BlockSpec((_P_BLK, REL_D), lambda i: (i, 0)),
    out_shape=jax.ShapeDtypeStruct((_P_ROWS, REL_D), jnp.float32),
)

_small_matmul = pl.pallas_call(
    _mm_bias_body,
    in_specs=[
        pl.BlockSpec((TOTAL, IN_D), lambda: (0, 0)),
        pl.BlockSpec((IN_D, 2 * REL_D), lambda: (0, 0)),
        pl.BlockSpec((1, 2 * REL_D), lambda: (0, 0)),
    ],
    out_specs=pl.BlockSpec((TOTAL, 2 * REL_D), lambda: (0, 0)),
    out_shape=jax.ShapeDtypeStruct((TOTAL, 2 * REL_D), jnp.float32),
)


def kernel(input_tokens, index, src_enc, cu_seqlens, cat_table, lemma_table,
           head_W, head_b, dep_W, dep_b):
    del cu_seqlens
    cat_ids = input_tokens[:, 0]
    lem_ids = input_tokens[:, 1]
    src_flat = src_enc.reshape(TOTAL * SRC_LEN, RNN_D)
    head_idx = jnp.arange(TOTAL, dtype=jnp.int32) * SRC_LEN + index

    cat_pad = jnp.pad(cat_table, ((0, 0), (0, 128 - CAT_D)))
    cat_rows, lem_rows, head_rows = _sc_gather(
        cat_ids, lem_ids, head_idx, cat_pad, lemma_table, src_flat)
    amr_emb = jnp.concatenate([cat_rows[:, :CAT_D], lem_rows], axis=1)

    x = jnp.concatenate([amr_emb, head_rows], axis=1)
    w_cat = jnp.concatenate([
        head_W,
        jnp.concatenate([dep_W[:AMR_D],
                         jnp.zeros((RNN_D, REL_D), jnp.float32)], axis=0),
    ], axis=1)
    b_cat = jnp.concatenate([head_b, dep_b])[None, :]
    y = _small_matmul(x, w_cat, b_cat)
    head_out = y[:, :REL_D]
    a_term = y[:, REL_D:]

    p_rows = _p_matmul(src_flat, dep_W[AMR_D:])
    dep_flat = _sc_assemble(p_rows, a_term, index)
    return (amr_emb, head_out, dep_flat)

# --- scband reference (transcript-rebuilt; emitter-appended) ---
"""Pipeline reference for scband-rel-encoder-33809982554719 (READ-ONLY COPY).

The authoritative reference and input builder live on the scoring server;
editing this copy changes nothing except your own understanding.
"""

import jax, jax.numpy as jnp
import numpy as np
from jax import lax

B = 4
SEG = 256
TOTAL = B * SEG
SRC_LEN = 128
CAT_V, CAT_D = 200, 32
LEM_V, LEM_D = 40000, 128
RNN_D = 128
REL_D = 256
IN_D = CAT_D + LEM_D + RNN_D


def setup_inputs(seed: int = 0) -> dict:
    key = jax.random.key(seed)
    ks = jax.random.split(key, 10)
    input_tokens = jnp.stack([
        jax.random.randint(ks[0], (TOTAL,), 0, CAT_V),
        jax.random.randint(ks[1], (TOTAL,), 0, LEM_V),
    ], axis=1).astype(jnp.int32)
    index = jax.random.randint(ks[2], (TOTAL,), 0, SRC_LEN).astype(jnp.int32)
    src_enc = jax.random.normal(ks[3], (TOTAL, SRC_LEN, RNN_D), dtype=jnp.float32)
    cu_seqlens = np.arange(B + 1, dtype=np.int32) * SEG
    cat_table = jax.random.normal(ks[4], (CAT_V, CAT_D), dtype=jnp.float32) * 0.02
    lemma_table = jax.random.normal(ks[5], (LEM_V, LEM_D), dtype=jnp.float32) * 0.02
    head_W = jax.random.normal(ks[6], (IN_D, REL_D), dtype=jnp.float32) / np.sqrt(IN_D)
    head_b = jnp.zeros((REL_D,), dtype=jnp.float32)
    dep_W = jax.random.normal(ks[7], (IN_D, REL_D), dtype=jnp.float32) / np.sqrt(IN_D)
    dep_b = jnp.zeros((REL_D,), dtype=jnp.float32)
    return {"input_tokens": input_tokens, "index": index, "src_enc": src_enc,
            "cu_seqlens": cu_seqlens, "cat_table": cat_table, "lemma_table": lemma_table,
            "head_W": head_W, "head_b": head_b, "dep_W": dep_W, "dep_b": dep_b}


def reference(input_tokens, index, src_enc, cu_seqlens, cat_table, lemma_table,
              head_W, head_b, dep_W, dep_b):
    # Embedding lookups (cat_lut, lemma_lut); dropout is identity in eval mode.
    cat_embed = jnp.take(cat_table, input_tokens[:, 0], axis=0)
    lemma_embed = jnp.take(lemma_table, input_tokens[:, 1], axis=0)
    amr_emb = jnp.concatenate([cat_embed, lemma_embed], axis=1)  # [TOTAL, CAT_D+LEM_D]

    total = index.shape[0]

    # getEmb head part: per-token gather src_enc[t, index[t], :]
    head_emb_t = src_enc[jnp.arange(total), index]  # [TOTAL, RNN_D]
    head_in = jnp.concatenate([amr_emb, head_emb_t], axis=1)  # [TOTAL, IN_D]
    head_out = head_in @ head_W + head_b  # head nn.Linear

    # getEmb dep part + pairwise dep projection, per ragged segment
    n_seg = cu_seqlens.shape[0] - 1
    n = total // n_seg
    deps = []
    for i in range(n_seg):
        s = cu_seqlens[i]
        enc_i = lax.dynamic_slice_in_dim(src_enc, s, n, axis=0)   # [n, SRC_LEN, RNN_D]
        idx_i = lax.dynamic_slice_in_dim(index, s, n, axis=0)     # [n]
        dep_emb_i = enc_i[:, idx_i, :]       # index_select dim 1 -> [n, n, RNN_D]
        amr_i = lax.dynamic_slice_in_dim(amr_emb, s, n, axis=0)   # [n, CAT_D+LEM_D]
        dep_amr_i = jnp.broadcast_to(amr_i[None, :, :], (n, n, amr_i.shape[-1]))
        dep_in = jnp.concatenate([dep_amr_i, dep_emb_i], axis=-1)  # [n, n, IN_D]
        dep_out = (dep_in.reshape(-1, IN_D) @ dep_W + dep_b).reshape(n, n, REL_D)
        deps.append(dep_out.reshape(n * n, REL_D))
    dep_flat = jnp.concatenate(deps, axis=0)  # [sum n_i^2, REL_D]

    # (head_amr_packed.data, head_packed.data, dep_packed.data)
    return (amr_emb, head_out, dep_flat)

if __name__ == "__main__":
    import jax
    _d = setup_inputs()
    print(jax.jit(kernel)(*tuple(_d.values())))

</pallas_src>

<mosaic_0001>
#map = affine_map<(d0, d1) -> (0)>
#map1 = affine_map<(d0, d1) -> (0, 0)>
module attributes {stable_mosaic.version = 14 : i64} {
  func.func @_sc_gather(%arg0: i32, %arg1: i32, %arg2: memref<1024xi32, #tpu.memory_space<hbm>>, %arg3: memref<1024xi32, #tpu.memory_space<hbm>>, %arg4: memref<1024xi32, #tpu.memory_space<hbm>>, %arg5: memref<200x128xf32, #tpu.memory_space<hbm>>, %arg6: memref<40000x128xf32, #tpu.memory_space<hbm>>, %arg7: memref<131072x128xf32, #tpu.memory_space<hbm>>, %arg8: memref<1024x128xf32, #tpu.memory_space<hbm>>, %arg9: memref<1024x128xf32, #tpu.memory_space<hbm>>, %arg10: memref<1024x128xf32, #tpu.memory_space<hbm>>, %arg11: memref<32xi32, #tpu.memory_space<vmem>>, %arg12: memref<32xi32, #tpu.memory_space<vmem>>, %arg13: memref<32xi32, #tpu.memory_space<vmem>>, %arg14: memref<32x128xf32, #tpu.memory_space<vmem>>, %arg15: memref<32x128xf32, #tpu.memory_space<vmem>>, %arg16: memref<32x128xf32, #tpu.memory_space<vmem>>, %arg17: memref<!tpu.dma_semaphore, #tpu.memory_space<semaphore_mem>>) attributes {dimension_semantics = [#tpu.dimension_semantics<core_parallel>, #tpu.dimension_semantics<subcore_parallel>], iteration_bounds = array<i64: 2, 16>, scalar_prefetch = 0 : i64, scratch_operands = 7 : i64, tpu.core_type = #tpu.core_type<sc_vector_subcore>, window_params = [{transform_indices = #map}, {transform_indices = #map}, {transform_indices = #map}, {transform_indices = #map1}, {transform_indices = #map1}, {transform_indices = #map1}, {transform_indices = #map1}, {transform_indices = #map1}, {transform_indices = #map1}]} {
    %mul3A = arith.constant 2 : i32
    %mul3A_0 = arith.muli %arg1, %mul3A : i32
    %add3A = arith.addi %mul3A_0, %arg0 : i32
    %mul3A_1 = arith.constant 32 : i32
    %mul3A_2 = arith.muli %add3A, %mul3A_1 : i32
    "tpu.region"() ({
      %run_scoped3A = tpu.sem_alloc : memref<!tpu.dma_semaphore, #tpu.memory_space<semaphore_mem>>
      %dma_start3A_19 = tpu.memref_slice %arg2[%mul3A_2] : memref<1024xi32, #tpu.memory_space<hbm>> -> memref<32xi32, #tpu.memory_space<hbm>>
      %dma_start3A_20 = tpu.memref_slice %arg2[%mul3A_2] : memref<1024xi32, #tpu.memory_space<hbm>> -> memref<32xi32, #tpu.memory_space<hbm>>
      tpu.enqueue_dma source(%dma_start3A_20 : memref<32xi32, #tpu.memory_space<hbm>>) target(%arg11 : memref<32xi32, #tpu.memory_space<vmem>>) target_semaphore(%run_scoped3A : memref<!tpu.dma_semaphore, #tpu.memory_space<semaphore_mem>>)
      %dma_wait3A_21 = tpu.memref_slice %arg2[%mul3A_2] : memref<1024xi32, #tpu.memory_space<hbm>> -> memref<32xi32, #tpu.memory_space<hbm>>
      %dma_wait3A_22 = tpu.memref_slice %arg2[%mul3A_2] : memref<1024xi32, #tpu.memory_space<hbm>> -> memref<32xi32, #tpu.memory_space<hbm>>
      tpu.wait_dma2 semaphore(%run_scoped3A : memref<!tpu.dma_semaphore, #tpu.memory_space<semaphore_mem>>) src(%dma_wait3A_22 : memref<32xi32, #tpu.memory_space<hbm>>) dst(%arg11 : memref<32xi32, #tpu.memory_space<vmem>>)
      tpu.yield
    }) : () -> ()
    "tpu.region"() ({
      %run_scoped3A = tpu.sem_alloc : memref<!tpu.dma_semaphore, #tpu.memory_space<semaphore_mem>>
      %dma_start3A_19 = tpu.memref_slice %arg3[%mul3A_2] : memref<1024xi32, #tpu.memory_space<hbm>> -> memref<32xi32, #tpu.memory_space<hbm>>
      %dma_start3A_20 = tpu.memref_slice %arg3[%mul3A_2] : memref<1024xi32, #tpu.memory_space<hbm>> -> memref<32xi32, #tpu.memory_space<hbm>>
      tpu.enqueue_dma source(%dma_start3A_20 : memref<32xi32, #tpu.memory_space<hbm>>) target(%arg12 : memref<32xi32, #tpu.memory_space<vmem>>) target_semaphore(%run_scoped3A : memref<!tpu.dma_semaphore, #tpu.memory_space<semaphore_mem>>)
      %dma_wait3A_21 = tpu.memref_slice %arg3[%mul3A_2] : memref<1024xi32, #tpu.memory_space<hbm>> -> memref<32xi32, #tpu.memory_space<hbm>>
      %dma_wait3A_22 = tpu.memref_slice %arg3[%mul3A_2] : memref<1024xi32, #tpu.memory_space<hbm>> -> memref<32xi32, #tpu.memory_space<hbm>>
      tpu.wait_dma2 semaphore(%run_scoped3A : memref<!tpu.dma_semaphore, #tpu.memory_space<semaphore_mem>>) src(%dma_wait3A_22 : memref<32xi32, #tpu.memory_space<hbm>>) dst(%arg12 : memref<32xi32, #tpu.memory_space<vmem>>)
      tpu.yield
    }) : () -> ()
    "tpu.region"() ({
      %run_scoped3A = tpu.sem_alloc : memref<!tpu.dma_semaphore, #tpu.memory_space<semaphore_mem>>
      %dma_start3A_19 = tpu.memref_slice %arg4[%mul3A_2] : memref<1024xi32, #tpu.memory_space<hbm>> -> memref<32xi32, #tpu.memory_space<hbm>>
      %dma_start3A_20 = tpu.memref_slice %arg4[%mul3A_2] : memref<1024xi32, #tpu.memory_space<hbm>> -> memref<32xi32, #tpu.memory_space<hbm>>
      tpu.enqueue_dma source(%dma_start3A_20 : memref<32xi32, #tpu.memory_space<hbm>>) target(%arg13 : memref<32xi32, #tpu.memory_space<vmem>>) target_semaphore(%run_scoped3A : memref<!tpu.dma_semaphore, #tpu.memory_space<semaphore_mem>>)
      %dma_wait3A_21 = tpu.memref_slice %arg4[%mul3A_2] : memref<1024xi32, #tpu.memory_space<hbm>> -> memref<32xi32, #tpu.memory_space<hbm>>
      %dma_wait3A_22 = tpu.memref_slice %arg4[%mul3A_2] : memref<1024xi32, #tpu.memory_space<hbm>> -> memref<32xi32, #tpu.memory_space<hbm>>
      tpu.wait_dma2 semaphore(%run_scoped3A : memref<!tpu.dma_semaphore, #tpu.memory_space<semaphore_mem>>) src(%dma_wait3A_22 : memref<32xi32, #tpu.memory_space<hbm>>) dst(%arg13 : memref<32xi32, #tpu.memory_space<vmem>>)
      tpu.yield
    }) : () -> ()
    %dma_start3A = arith.constant 0 : i32
    %dma_start3A_3 = arith.constant 0 : i32
    %dma_start3A_4 = tpu.memref_slice %arg5[%dma_start3A, %dma_start3A_3] : memref<200x128xf32, #tpu.memory_space<hbm>> -> memref<200x128xf32, #tpu.memory_space<hbm>>
    tpu.enqueue_indirect_dma source(%dma_start3A_4 : memref<200x128xf32, #tpu.memory_space<hbm>>) target(%arg14 : memref<32x128xf32, #tpu.memory_space<vmem>>) offsets(%arg11 : memref<32xi32, #tpu.memory_space<vmem>>) semaphore(%arg17 : memref<!tpu.dma_semaphore, #tpu.memory_space<semaphore_mem>>)
    %dma_wait3A = arith.constant 0 : i32
    %dma_wait3A_5 = arith.constant 0 : i32
    %dma_wait3A_6 = tpu.memref_slice %arg5[%dma_wait3A, %dma_wait3A_5] : memref<200x128xf32, #tpu.memory_space<hbm>> -> memref<200x128xf32, #tpu.memory_space<hbm>>
    tpu.wait_indirect_dma semaphore(%arg17 : memref<!tpu.dma_semaphore, #tpu.memory_space<semaphore_mem>>) src(%dma_wait3A_6 : memref<200x128xf32, #tpu.memory_space<hbm>>) dst(%arg14 : memref<32x128xf32, #tpu.memory_space<vmem>>)
    "tpu.region"() ({
      %run_scoped3A = tpu.sem_alloc : memref<!tpu.dma_semaphore, #tpu.memory_space<semaphore_mem>>
      %dma_start3A_19 = arith.constant 0 : i32
      %dma_start3A_20 = tpu.memref_slice %arg8[%mul3A_2, %dma_start3A_19] : memref<1024x128xf32, #tpu.memory_space<hbm>> -> memref<32x128xf32, #tpu.memory_space<hbm>>
      %dma_start3A_21 = arith.constant 0 : i32
      %dma_start3A_22 = tpu.memref_slice %arg8[%mul3A_2, %dma_start3A_21] : memref<1024x128xf32, #tpu.memory_space<hbm>> -> memref<32x128xf32, #tpu.memory_space<hbm>>
      tpu.enqueue_dma source(%arg14 : memref<32x128xf32, #tpu.memory_space<vmem>>) target(%dma_start3A_22 : memref<32x128xf32, #tpu.memory_space<hbm>>) target_semaphore(%run_scoped3A : memref<!tpu.dma_semaphore, #tpu.memory_space<semaphore_mem>>)
      %dma_wait3A_23 = arith.constant 0 : i32
      %dma_wait3A_24 = tpu.memref_slice %arg8[%mul3A_2, %dma_wait3A_23] : memref<1024x128xf32, #tpu.memory_space<hbm>> -> memref<32x128xf32, #tpu.memory_space<hbm>>
      %dma_wait3A_25 = arith.constant 0 : i32
      %dma_wait3A_26 = tpu.memref_slice %arg8[%mul3A_2, %dma_wait3A_25] : memref<1024x128xf32, #tpu.memory_space<hbm>> -> memref<32x128xf32, #tpu.memory_space<hbm>>
      tpu.wait_dma2 semaphore(%run_scoped3A : memref<!tpu.dma_semaphore, #tpu.memory_space<semaphore_mem>>) src(%arg14 : memref<32x128xf32, #tpu.memory_space<vmem>>) dst(%dma_wait3A_26 : memref<32x128xf32, #tpu.memory_space<hbm>>)
      tpu.yield
    }) : () -> ()
    %dma_start3A_7 = arith.constant 0 : i32
    %dma_start3A_8 = arith.constant 0 : i32
    %dma_start3A_9 = tpu.memref_slice %arg6[%dma_start3A_7, %dma_start3A_8] : memref<40000x128xf32, #tpu.memory_space<hbm>> -> memref<40000x128xf32, #tpu.memory_space<hbm>>
    tpu.enqueue_indirect_dma source(%dma_start3A_9 : memref<40000x128xf32, #tpu.memory_space<hbm>>) target(%arg15 : memref<32x128xf32, #tpu.memory_space<vmem>>) offsets(%arg12 : memref<32xi32, #tpu.memory_space<vmem>>) semaphore(%arg17 : memref<!tpu.dma_semaphore, #tpu.memory_space<semaphore_mem>>)
    %dma_wait3A_10 = arith.constant 0 : i32
    %dma_wait3A_11 = arith.constant 0 : i32
    %dma_wait3A_12 = tpu.memref_slice %arg6[%dma_wait3A_10, %dma_wait3A_11] : memref<40000x128xf32, #tpu.memory_space<hbm>> -> memref<40000x128xf32, #tpu.memory_space<hbm>>
    tpu.wait_indirect_dma semaphore(%arg17 : memref<!tpu.dma_semaphore, #tpu.memory_space<semaphore_mem>>) src(%dma_wait3A_12 : memref<40000x128xf32, #tpu.memory_space<hbm>>) dst(%arg15 : memref<32x128xf32, #tpu.memory_space<vmem>>)
    "tpu.region"() ({
      %run_scoped3A = tpu.sem_alloc : memref<!tpu.dma_semaphore, #tpu.memory_space<semaphore_mem>>
      %dma_start3A_19 = arith.constant 0 : i32
      %dma_start3A_20 = tpu.memref_slice %arg9[%mul3A_2, %dma_start3A_19] : memref<1024x128xf32, #tpu.memory_space<hbm>> -> memref<32x128xf32, #tpu.memory_space<hbm>>
      %dma_start3A_21 = arith.constant 0 : i32
      %dma_start3A_22 = tpu.memref_slice %arg9[%mul3A_2, %dma_start3A_21] : memref<1024x128xf32, #tpu.memory_space<hbm>> -> memref<32x128xf32, #tpu.memory_space<hbm>>
      tpu.enqueue_dma source(%arg15 : memref<32x128xf32, #tpu.memory_space<vmem>>) target(%dma_start3A_22 : memref<32x128xf32, #tpu.memory_space<hbm>>) target_semaphore(%run_scoped3A : memref<!tpu.dma_semaphore, #tpu.memory_space<semaphore_mem>>)
      %dma_wait3A_23 = arith.constant 0 : i32
      %dma_wait3A_24 = tpu.memref_slice %arg9[%mul3A_2, %dma_wait3A_23] : memref<1024x128xf32, #tpu.memory_space<hbm>> -> memref<32x128xf32, #tpu.memory_space<hbm>>
      %dma_wait3A_25 = arith.constant 0 : i32
      %dma_wait3A_26 = tpu.memref_slice %arg9[%mul3A_2, %dma_wait3A_25] : memref<1024x128xf32, #tpu.memory_space<hbm>> -> memref<32x128xf32, #tpu.memory_space<hbm>>
      tpu.wait_dma2 semaphore(%run_scoped3A : memref<!tpu.dma_semaphore, #tpu.memory_space<semaphore_mem>>) src(%arg15 : memref<32x128xf32, #tpu.memory_space<vmem>>) dst(%dma_wait3A_26 : memref<32x128xf32, #tpu.memory_space<hbm>>)
      tpu.yield
    }) : () -> ()
    %dma_start3A_13 = arith.constant 0 : i32
    %dma_start3A_14 = arith.constant 0 : i32
    %dma_start3A_15 = tpu.memref_slice %arg7[%dma_start3A_13, %dma_start3A_14] : memref<131072x128xf32, #tpu.memory_space<hbm>> -> memref<131072x128xf32, #tpu.memory_space<hbm>>
    tpu.enqueue_indirect_dma source(%dma_start3A_15 : memref<131072x128xf32, #tpu.memory_space<hbm>>) target(%arg16 : memref<32x128xf32, #tpu.memory_space<vmem>>) offsets(%arg13 : memref<32xi32, #tpu.memory_space<vmem>>) semaphore(%arg17 : memref<!tpu.dma_semaphore, #tpu.memory_space<semaphore_mem>>)
    %dma_wait3A_16 = arith.constant 0 : i32
    %dma_wait3A_17 = arith.constant 0 : i32
    %dma_wait3A_18 = tpu.memref_slice %arg7[%dma_wait3A_16, %dma_wait3A_17] : memref<131072x128xf32, #tpu.memory_space<hbm>> -> memref<131072x128xf32, #tpu.memory_space<hbm>>
    tpu.wait_indirect_dma semaphore(%arg17 : memref<!tpu.dma_semaphore, #tpu.memory_space<semaphore_mem>>) src(%dma_wait3A_18 : memref<131072x128xf32, #tpu.memory_space<hbm>>) dst(%arg16 : memref<32x128xf32, #tpu.memory_space<vmem>>)
    "tpu.region"() ({
      %run_scoped3A = tpu.sem_alloc : memref<!tpu.dma_semaphore, #tpu.memory_space<semaphore_mem>>
      %dma_start3A_19 = arith.constant 0 : i32
      %dma_start3A_20 = tpu.memref_slice %arg10[%mul3A_2, %dma_start3A_19] : memref<1024x128xf32, #tpu.memory_space<hbm>> -> memref<32x128xf32, #tpu.memory_space<hbm>>
      %dma_start3A_21 = arith.constant 0 : i32
      %dma_start3A_22 = tpu.memref_slice %arg10[%mul3A_2, %dma_start3A_21] : memref<1024x128xf32, #tpu.memory_space<hbm>> -> memref<32x128xf32, #tpu.memory_space<hbm>>
      tpu.enqueue_dma source(%arg16 : memref<32x128xf32, #tpu.memory_space<vmem>>) target(%dma_start3A_22 : memref<32x128xf32, #tpu.memory_space<hbm>>) target_semaphore(%run_scoped3A : memref<!tpu.dma_semaphore, #tpu.memory_space<semaphore_mem>>)
      %dma_wait3A_23 = arith.constant 0 : i32
      %dma_wait3A_24 = tpu.memref_slice %arg10[%mul3A_2, %dma_wait3A_23] : memref<1024x128xf32, #tpu.memory_space<hbm>> -> memref<32x128xf32, #tpu.memory_space<hbm>>
      %dma_wait3A_25 = arith.constant 0 : i32
      %dma_wait3A_26 = tpu.memref_slice %arg10[%mul3A_2, %dma_wait3A_25] : memref<1024x128xf32, #tpu.memory_space<hbm>> -> memref<32x128xf32, #tpu.memory_space<hbm>>
      tpu.wait_dma2 semaphore(%run_scoped3A : memref<!tpu.dma_semaphore, #tpu.memory_space<semaphore_mem>>) src(%arg16 : memref<32x128xf32, #tpu.memory_space<vmem>>) dst(%dma_wait3A_26 : memref<32x128xf32, #tpu.memory_space<hbm>>)
      tpu.yield
    }) : () -> ()
    return
  }
}

#map = affine_map<(d0, d1) -> (0, 0)>
#map1 = affine_map<(d0, d1) -> (0)>
module attributes {stable_mosaic.version = 14 : i64} {
  func.func @_sc_assemble(%arg0: i32, %arg1: i32, %arg2: memref<131072x256xf32, #tpu.memory_space<hbm>>, %arg3: memref<1024x256xf32, #tpu.memory_space<hbm>>, %arg4: memref<1024xi32, #tpu.memory_space<hbm>>, %arg5: memref<262144x256xf32, #tpu.memory_space<hbm>>, %arg6: memref<256xi32, #tpu.memory_space<vmem>>, %arg7: memref<128xi32, #tpu.memory_space<vmem>>, %arg8: memref<128xi32, #tpu.memory_space<vmem>>, %arg9: memref<128x256xf32, #tpu.memory_space<vmem>>, %arg10: memref<128x256xf32, #tpu.memory_space<vmem>>, %arg11: memref<128x256xf32, #tpu.memory_space<vmem>>, %arg12: memref<!tpu.dma_semaphore, #tpu.memory_space<semaphore_mem>>, %arg13: memref<!tpu.dma_semaphore, #tpu.memory_space<semaphore_mem>>, %arg14: memref<!tpu.dma_semaphore, #tpu.memory_space<semaphore_mem>>, %arg15: memref<!tpu.dma_semaphore, #tpu.memory_space<semaphore_mem>>) attributes {dimension_semantics = [#tpu.dimension_semantics<core_parallel>, #tpu.dimension_semantics<subcore_parallel>], iteration_bounds = array<i64: 2, 16>, scalar_prefetch = 0 : i64, scratch_operands = 10 : i64, tpu.core_type = #tpu.core_type<sc_vector_subcore>, window_params = [{transform_indices = #map}, {transform_indices = #map}, {transform_indices = #map1}, {transform_indices = #map}]} {
    %mul3A = arith.constant 2 : i32
    %mul3A_0 = arith.muli %arg1, %mul3A : i32
    %add3A = arith.addi %mul3A_0, %arg0 : i32
    %jit3A = arith.constant 8 : i32
    %div3A = arith.divsi %add3A, %jit3A : i32
    %sign3A = arith.constant 0 : i32
    %sign3A_1 = arith.cmpi sgt, %add3A, %sign3A : i32
    %sign3A_2 = arith.extui %sign3A_1 : i1 to i32
    %sign3A_3 = arith.constant 0 : i32
    %sign3A_4 = arith.cmpi slt, %add3A, %sign3A_3 : i32
    %sign3A_5 = arith.extui %sign3A_4 : i1 to i32
    %sign3A_6 = arith.subi %sign3A_2, %sign3A_5 : i32
    %sign3A_7 = arith.constant 0 : i32
    %sign3A_8 = arith.cmpi sgt, %jit3A, %sign3A_7 : i32
    %sign3A_9 = arith.extui %sign3A_8 : i1 to i32
    %sign3A_10 = arith.constant 0 : i32
    %sign3A_11 = arith.cmpi slt, %jit3A, %sign3A_10 : i32
    %sign3A_12 = arith.extui %sign3A_11 : i1 to i32
    %sign3A_13 = arith.subi %sign3A_9, %sign3A_12 : i32
    %ne3A = arith.cmpi ne, %sign3A_6, %sign3A_13 : i32
    %rem3A = arith.remsi %add3A, %jit3A : i32
    %ne3A_14 = arith.constant 0 : i32
    %ne3A_15 = arith.cmpi ne, %rem3A, %ne3A_14 : i32
    %and3A = arith.andi %ne3A, %ne3A_15 : i1
    %sub3A = arith.constant 1 : i32
    %sub3A_16 = arith.subi %div3A, %sub3A : i32
    %select_n3A = arith.select %and3A, %sub3A_16, %div3A : i32
    %jit3A_17 = arith.constant 8 : i32
    %eq3A = arith.constant 0 : i32
    %eq3A_18 = arith.cmpi eq, %jit3A_17, %eq3A : i32
    %jit3A_19 = arith.constant 1 : i32
    %select_n3A_20 = arith.select %eq3A_18, %jit3A_19, %jit3A_17 : i32
    %rem3A_21 = arith.remsi %add3A, %select_n3A_20 : i32
    %ne3A_22 = arith.constant 0 : i32
    %ne3A_23 = arith.cmpi ne, %rem3A_21, %ne3A_22 : i32
    %lt3A = arith.constant 0 : i32
    %lt3A_24 = arith.cmpi slt, %rem3A_21, %lt3A : i32
    %lt3A_25 = arith.constant 0 : i32
    %lt3A_26 = arith.cmpi slt, %select_n3A_20, %lt3A_25 : i32
    %ne3A_27 = arith.xori %lt3A_24, %lt3A_26 : i1
    %and3A_28 = arith.andi %ne3A_27, %ne3A_23 : i1
    %add3A_29 = arith.addi %rem3A_21, %select_n3A_20 : i32
    %select_n3A_30 = arith.select %and3A_28, %add3A_29, %rem3A_21 : i32
    %mul3A_31 = arith.constant 256 : i32
    %mul3A_32 = arith.muli %select_n3A, %mul3A_31 : i32
    "tpu.region"() ({
      %run_scoped3A = tpu.sem_alloc : memref<!tpu.dma_semaphore, #tpu.memory_space<semaphore_mem>>
      %dma_start3A = tpu.memref_slice %arg4[%mul3A_32] : memref<1024xi32, #tpu.memory_space<hbm>> -> memref<256xi32, #tpu.memory_space<hbm>>
      %dma_start3A_39 = tpu.memref_slice %arg4[%mul3A_32] : memref<1024xi32, #tpu.memory_space<hbm>> -> memref<256xi32, #tpu.memory_space<hbm>>
      tpu.enqueue_dma source(%dma_start3A_39 : memref<256xi32, #tpu.memory_space<hbm>>) target(%arg6 : memref<256xi32, #tpu.memory_space<vmem>>) target_semaphore(%run_scoped3A : memref<!tpu.dma_semaphore, #tpu.memory_space<semaphore_mem>>)
      %dma_wait3A = tpu.memref_slice %arg4[%mul3A_32] : memref<1024xi32, #tpu.memory_space<hbm>> -> memref<256xi32, #tpu.memory_space<hbm>>
      %dma_wait3A_40 = tpu.memref_slice %arg4[%mul3A_32] : memref<1024xi32, #tpu.memory_space<hbm>> -> memref<256xi32, #tpu.memory_space<hbm>>
      tpu.wait_dma2 semaphore(%run_scoped3A : memref<!tpu.dma_semaphore, #tpu.memory_space<semaphore_mem>>) src(%dma_wait3A_40 : memref<256xi32, #tpu.memory_space<hbm>>) dst(%arg6 : memref<256xi32, #tpu.memory_space<vmem>>)
      tpu.yield
    }) : () -> ()
    %scan3A = arith.constant 0 : i32
    %scan3A_33 = arith.constant 0 : i32
    %scan3A_34 = arith.constant 2 : i32
    %scan3A_35 = arith.addi %scan3A_33, %scan3A_34 : i32
    %scan3A_36 = arith.constant 1 : i32
    %scan3A_37 = scf.for %scan3A_39 = %scan3A_33 to %scan3A_35 step %scan3A_36 iter_args(%scan3A_40 = %scan3A) -> (i32)  : i32 {
      %mul3A_41 = arith.constant 256 : i32
      %mul3A_42 = arith.muli %select_n3A, %mul3A_41 : i32
      %mul3A_43 = arith.constant 128 : i32
      %mul3A_44 = arith.muli %scan3A_39, %mul3A_43 : i32
      %add3A_45 = arith.addi %mul3A_42, %mul3A_44 : i32
      "tpu.region"() ({
        %run_scoped3A = tpu.sem_alloc : memref<!tpu.dma_semaphore, #tpu.memory_space<semaphore_mem>>
        %dma_start3A_178 = arith.constant 0 : i32
        %dma_start3A_179 = tpu.memref_slice %arg3[%add3A_45, %dma_start3A_178] : memref<1024x256xf32, #tpu.memory_space<hbm>> -> memref<128x256xf32, #tpu.memory_space<hbm>>
        %dma_start3A_180 = arith.constant 0 : i32
        %dma_start3A_181 = tpu.memref_slice %arg3[%add3A_45, %dma_start3A_180] : memref<1024x256xf32, #tpu.memory_space<hbm>> -> memref<128x256xf32, #tpu.memory_space<hbm>>
        tpu.enqueue_dma source(%dma_start3A_181 : memref<128x256xf32, #tpu.memory_space<hbm>>) target(%arg9 : memref<128x256xf32, #tpu.memory_space<vmem>>) target_semaphore(%run_scoped3A : memref<!tpu.dma_semaphore, #tpu.memory_space<semaphore_mem>>)
        %dma_wait3A_182 = arith.constant 0 : i32
        %dma_wait3A_183 = tpu.memref_slice %arg3[%add3A_45, %dma_wait3A_182] : memref<1024x256xf32, #tpu.memory_space<hbm>> -> memref<128x256xf32, #tpu.memory_space<hbm>>
        %dma_wait3A_184 = arith.constant 0 : i32
        %dma_wait3A_185 = tpu.memref_slice %arg3[%add3A_45, %dma_wait3A_184] : memref<1024x256xf32, #tpu.memory_space<hbm>> -> memref<128x256xf32, #tpu.memory_space<hbm>>
        tpu.wait_dma2 semaphore(%run_scoped3A : memref<!tpu.dma_semaphore, #tpu.memory_space<semaphore_mem>>) src(%dma_wait3A_185 : memref<128x256xf32, #tpu.memory_space<hbm>>) dst(%arg9 : memref<128x256xf32, #tpu.memory_space<vmem>>)
        tpu.yield
      }) : () -> ()
      %mul3A_46 = arith.constant 32 : i32
      %mul3A_47 = arith.muli %select_n3A_30, %mul3A_46 : i32
      %add3A_48 = arith.constant 0 : i32
      %add3A_49 = arith.addi %mul3A_47, %add3A_48 : i32
      %mul3A_50 = arith.constant 256 : i32
      %mul3A_51 = arith.muli %select_n3A, %mul3A_50 : i32
      %add3A_52 = arith.addi %mul3A_51, %add3A_49 : i32
      %mul3A_53 = arith.constant 128 : i32
      %mul3A_54 = arith.muli %add3A_52, %mul3A_53 : i32
      %mul3A_55 = arith.constant 128 : i32
      %mul3A_56 = arith.muli %scan3A_39, %mul3A_55 : i32
      %add3A_57 = arith.constant 0 : i32
      %add3A_58 = arith.addi %mul3A_56, %add3A_57 : i32
      %get3A = arith.index_cast %add3A_58 : i32 to index
      %get3A_59 = tpu.vector_load %arg6[%get3A] {strides = array<i32>} : memref<256xi32, #tpu.memory_space<vmem>>, vector<16xi32>,
      %get3A_60 = vector.shape_cast %get3A_59 : vector<16xi32> to vector<16xi32>
      %add3A_61 = vector.broadcast %mul3A_54 : i32 to vector<16xi32>
      %add3A_62 = arith.addi %get3A_60, %add3A_61 : vector<16xi32>
      %swap3A = arith.constant 0 : index
      %swap3A_63 = tpu.vector_load %arg7[%swap3A] {strides = array<i32>} : memref<128xi32, #tpu.memory_space<vmem>>, vector<16xi32>,
      %swap3A_64 = vector.shape_cast %swap3A_63 : vector<16xi32> to vector<16xi32>
      %swap3A_65 = vector.shape_cast %add3A_62 : vector<16xi32> to vector<16xi32>
      tpu.vector_store %arg7[%swap3A], %swap3A_65 {strides = array<i32>} : memref<128xi32, #tpu.memory_space<vmem>>, vector<16xi32>,
      %mul3A_66 = arith.constant 128 : i32
      %mul3A_67 = arith.muli %scan3A_39, %mul3A_66 : i32
      %add3A_68 = arith.constant 16 : i32
      %add3A_69 = arith.addi %mul3A_67, %add3A_68 : i32
      %get3A_70 = arith.index_cast %add3A_69 : i32 to index
      %get3A_71 = tpu.vector_load %arg6[%get3A_70] {strides = array<i32>} : memref<256xi32, #tpu.memory_space<vmem>>, vector<16xi32>,
      %get3A_72 = vector.shape_cast %get3A_71 : vector<16xi32> to vector<16xi32>
      %add3A_73 = vector.broadcast %mul3A_54 : i32 to vector<16xi32>
      %add3A_74 = arith.addi %get3A_72, %add3A_73 : vector<16xi32>
      %swap3A_75 = arith.constant 16 : index
      %swap3A_76 = tpu.vector_load %arg7[%swap3A_75] {strides = array<i32>} : memref<128xi32, #tpu.memory_space<vmem>>, vector<16xi32>,
      %swap3A_77 = vector.shape_cast %swap3A_76 : vector<16xi32> to vector<16xi32>
      %swap3A_78 = vector.shape_cast %add3A_74 : vector<16xi32> to vector<16xi32>
      tpu.vector_store %arg7[%swap3A_75], %swap3A_78 {strides = array<i32>} : memref<128xi32, #tpu.memory_space<vmem>>, vector<16xi32>,
      %mul3A_79 = arith.constant 128 : i32
      %mul3A_80 = arith.muli %scan3A_39, %mul3A_79 : i32
      %add3A_81 = arith.constant 32 : i32
      %add3A_82 = arith.addi %mul3A_80, %add3A_81 : i32
      %get3A_83 = arith.index_cast %add3A_82 : i32 to index
      %get3A_84 = tpu.vector_load %arg6[%get3A_83] {strides = array<i32>} : memref<256xi32, #tpu.memory_space<vmem>>, vector<16xi32>,
      %get3A_85 = vector.shape_cast %get3A_84 : vector<16xi32> to vector<16xi32>
      %add3A_86 = vector.broadcast %mul3A_54 : i32 to vector<16xi32>
      %add3A_87 = arith.addi %get3A_85, %add3A_86 : vector<16xi32>
      %swap3A_88 = arith.constant 32 : index
      %swap3A_89 = tpu.vector_load %arg7[%swap3A_88] {strides = array<i32>} : memref<128xi32, #tpu.memory_space<vmem>>, vector<16xi32>,
      %swap3A_90 = vector.shape_cast %swap3A_89 : vector<16xi32> to vector<16xi32>
      %swap3A_91 = vector.shape_cast %add3A_87 : vector<16xi32> to vector<16xi32>
      tpu.vector_store %arg7[%swap3A_88], %swap3A_91 {strides = array<i32>} : memref<128xi32, #tpu.memory_space<vmem>>, vector<16xi32>,
      %mul3A_92 = arith.constant 128 : i32
      %mul3A_93 = arith.muli %scan3A_39, %mul3A_92 : i32
      %add3A_94 = arith.constant 48 : i32
      %add3A_95 = arith.addi %mul3A_93, %add3A_94 : i32
      %get3A_96 = arith.index_cast %add3A_95 : i32 to index
      %get3A_97 = tpu.vector_load %arg6[%get3A_96] {strides = array<i32>} : memref<256xi32, #tpu.memory_space<vmem>>, vector<16xi32>,
      %get3A_98 = vector.shape_cast %get3A_97 : vector<16xi32> to vector<16xi32>
      %add3A_99 = vector.broadcast %mul3A_54 : i32 to vector<16xi32>
      %add3A_100 = arith.addi %get3A_98, %add3A_99 : vector<16xi32>
      %swap3A_101 = arith.constant 48 : index
      %swap3A_102 = tpu.vector_load %arg7[%swap3A_101] {strides = array<i32>} : memref<128xi32, #tpu.memory_space<vmem>>, vector<16xi32>,
      %swap3A_103 = vector.shape_cast %swap3A_102 : vector<16xi32> to vector<16xi32>
      %swap3A_104 = vector.shape_cast %add3A_100 : vector<16xi32> to vector<16xi32>
      tpu.vector_store %arg7[%swap3A_101], %swap3A_104 {strides = array<i32>} : memref<128xi32, #tpu.memory_space<vmem>>, vector<16xi32>,
      %mul3A_105 = arith.constant 128 : i32
      %mul3A_106 = arith.muli %scan3A_39, %mul3A_105 : i32
      %add3A_107 = arith.constant 64 : i32
      %add3A_108 = arith.addi %mul3A_106, %add3A_107 : i32
      %get3A_109 = arith.index_cast %add3A_108 : i32 to index
      %get3A_110 = tpu.vector_load %arg6[%get3A_109] {strides = array<i32>} : memref<256xi32, #tpu.memory_space<vmem>>, vector<16xi32>,
      %get3A_111 = vector.shape_cast %get3A_110 : vector<16xi32> to vector<16xi32>
      %add3A_112 = vector.broadcast %mul3A_54 : i32 to vector<16xi32>
      %add3A_113 = arith.addi %get3A_111, %add3A_112 : vector<16xi32>
      %swap3A_114 = arith.constant 64 : index
      %swap3A_115 = tpu.vector_load %arg7[%swap3A_114] {strides = array<i32>} : memref<128xi32, #tpu.memory_space<vmem>>, vector<16xi32>,
      %swap3A_116 = vector.shape_cast %swap3A_115 : vector<16xi32> to vector<16xi32>
      %swap3A_117 = vector.shape_cast %add3A_113 : vector<16xi32> to vector<16xi32>
      tpu.vector_store %arg7[%swap3A_114], %swap3A_117 {strides = array<i32>} : memref<128xi32, #tpu.memory_space<vmem>>, vector<16xi32>,
      %mul3A_118 = arith.constant 128 : i32
      %mul3A_119 = arith.muli %scan3A_39, %mul3A_118 : i32
      %add3A_120 = arith.constant 80 : i32
      %add3A_121 = arith.addi %mul3A_119, %add3A_120 : i32
      %get3A_122 = arith.index_cast %add3A_121 : i32 to index
      %get3A_123 = tpu.vector_load %arg6[%get3A_122] {strides = array<i32>} : memref<256xi32, #tpu.memory_space<vmem>>, vector<16xi32>,
      %get3A_124 = vector.shape_cast %get3A_123 : vector<16xi32> to vector<16xi32>
      %add3A_125 = vector.broadcast %mul3A_54 : i32 to vector<16xi32>
      %add3A_126 = arith.addi %get3A_124, %add3A_125 : vector<16xi32>
      %swap3A_127 = arith.constant 80 : index
      %swap3A_128 = tpu.vector_load %arg7[%swap3A_127] {strides = array<i32>} : memref<128xi32, #tpu.memory_space<vmem>>, vector<16xi32>,
      %swap3A_129 = vector.shape_cast %swap3A_128 : vector<16xi32> to vector<16xi32>
      %swap3A_130 = vector.shape_cast %add3A_126 : vector<16xi32> to vector<16xi32>
      tpu.vector_store %arg7[%swap3A_127], %swap3A_130 {strides = array<i32>} : memref<128xi32, #tpu.memory_space<vmem>>, vector<16xi32>,
      %mul3A_131 = arith.constant 128 : i32
      %mul3A_132 = arith.muli %scan3A_39, %mul3A_131 : i32
      %add3A_133 = arith.constant 96 : i32
      %add3A_134 = arith.addi %mul3A_132, %add3A_133 : i32
      %get3A_135 = arith.index_cast %add3A_134 : i32 to index
      %get3A_136 = tpu.vector_load %arg6[%get3A_135] {strides = array<i32>} : memref<256xi32, #tpu.memory_space<vmem>>, vector<16xi32>,
      %get3A_137 = vector.shape_cast %get3A_136 : vector<16xi32> to vector<16xi32>
      %add3A_138 = vector.broadcast %mul3A_54 : i32 to vector<16xi32>
      %add3A_139 = arith.addi %get3A_137, %add3A_138 : vector<16xi32>
      %swap3A_140 = arith.constant 96 : index
      %swap3A_141 = tpu.vector_load %arg7[%swap3A_140] {strides = array<i32>} : memref<128xi32, #tpu.memory_space<vmem>>, vector<16xi32>,
      %swap3A_142 = vector.shape_cast %swap3A_141 : vector<16xi32> to vector<16xi32>
      %swap3A_143 = vector.shape_cast %add3A_139 : vector<16xi32> to vector<16xi32>
      tpu.vector_store %arg7[%swap3A_140], %swap3A_143 {strides = array<i32>} : memref<128xi32, #tpu.memory_space<vmem>>, vector<16xi32>,
      %mul3A_144 = arith.constant 128 : i32
      %mul3A_145 = arith.muli %scan3A_39, %mul3A_144 : i32
      %add3A_146 = arith.constant 112 : i32
      %add3A_147 = arith.addi %mul3A_145, %add3A_146 : i32
      %get3A_148 = arith.index_cast %add3A_147 : i32 to index
      %get3A_149 = tpu.vector_load %arg6[%get3A_148] {strides = array<i32>} : memref<256xi32, #tpu.memory_space<vmem>>, vector<16xi32>,
      %get3A_150 = vector.shape_cast %get3A_149 : vector<16xi32> to vector<16xi32>
      %add3A_151 = vector.broadcast %mul3A_54 : i32 to vector<16xi32>
      %add3A_152 = arith.addi %get3A_150, %add3A_151 : vector<16xi32>
      %swap3A_153 = arith.constant 112 : index
      %swap3A_154 = tpu.vector_load %arg7[%swap3A_153] {strides = array<i32>} : memref<128xi32, #tpu.memory_space<vmem>>, vector<16xi32>,
      %swap3A_155 = vector.shape_cast %swap3A_154 : vector<16xi32> to vector<16xi32>
      %swap3A_156 = vector.shape_cast %add3A_152 : vector<16xi32> to vector<16xi32>
      tpu.vector_store %arg7[%swap3A_153], %swap3A_156 {strides = array<i32>} : memref<128xi32, #tpu.memory_space<vmem>>, vector<16xi32>,
      %dma_start3A = arith.constant 0 : i32
      %dma_start3A_157 = arith.constant 0 : i32
      %dma_start3A_158 = tpu.memref_slice %arg2[%dma_start3A, %dma_start3A_157] : memref<131072x256xf32, #tpu.memory_space<hbm>> -> memref<131072x256xf32, #tpu.memory_space<hbm>>
      tpu.enqueue_indirect_dma source(%dma_start3A_158 : memref<131072x256xf32, #tpu.memory_space<hbm>>) target(%arg10 : memref<128x256xf32, #tpu.memory_space<vmem>>) offsets(%arg7 : memref<128xi32, #tpu.memory_space<vmem>>) semaphore(%arg12 : memref<!tpu.dma_semaphore, #tpu.memory_space<semaphore_mem>>)
      %scan3A_159 = arith.constant 0 : i32
      %scan3A_160 = arith.constant 0 : i32
      %scan3A_161 = arith.constant 16 : i32
      %scan3A_162 = arith.addi %scan3A_160, %scan3A_161 : i32
      %scan3A_163 = arith.constant 1 : i32
      %scan3A_164 = scf.for %scan3A_178 = %scan3A_160 to %scan3A_162 step %scan3A_163 iter_args(%scan3A_179 = %scan3A_159) -> (i32)  : i32 {
        %mul3A_180 = arith.constant 2 : i32
        %mul3A_181 = arith.muli %mul3A_180, %scan3A_178 : i32
        %add3A_182 = arith.constant 0 : i32
        %add3A_183 = arith.addi %mul3A_181, %add3A_182 : i32
        %add3A_184 = arith.constant 1 : i32
        %add3A_185 = arith.addi %add3A_183, %add3A_184 : i32
        %lt3A_186 = arith.constant 32 : i32
        %lt3A_187 = arith.cmpi slt, %add3A_185, %lt3A_186 : i32
        %convert_element_type3A = arith.extui %lt3A_187 : i1 to i32
        %cond3A = arith.constant 0 : i32
        %cond3A_188 = arith.cmpi ne, %convert_element_type3A, %cond3A : i32
        scf.if %cond3A_188 {
          %ge3A = arith.constant 1 : i32
          %ge3A_246 = arith.cmpi sge, %add3A_183, %ge3A : i32
          %convert_element_type3A_247 = arith.extui %ge3A_246 : i1 to i32
          %cond3A_248 = arith.constant 0 : i32
          %cond3A_249 = arith.cmpi ne, %convert_element_type3A_247, %cond3A_248 : i32
          scf.if %cond3A_249 {
            %dma_wait3A_367 = arith.constant 0 : i32
            %dma_wait3A_368 = arith.constant 0 : i32
            %dma_wait3A_369 = tpu.memref_slice %arg5[%dma_wait3A_367, %dma_wait3A_368] : memref<262144x256xf32, #tpu.memory_space<hbm>> -> memref<128x256xf32, #tpu.memory_space<hbm>>
            %dma_wait3A_370 = arith.constant 0 : i32
            %dma_wait3A_371 = arith.constant 0 : i32
            %dma_wait3A_372 = tpu.memref_slice %arg5[%dma_wait3A_370, %dma_wait3A_371] : memref<262144x256xf32, #tpu.memory_space<hbm>> -> memref<128x256xf32, #tpu.memory_space<hbm>>
            tpu.wait_dma2 semaphore(%arg15 : memref<!tpu.dma_semaphore, #tpu.memory_space<semaphore_mem>>) src(%arg11 : memref<128x256xf32, #tpu.memory_space<vmem>>) dst(%dma_wait3A_372 : memref<128x256xf32, #tpu.memory_space<hbm>>)
          } else {
          }
          %add3A_250 = arith.constant 1 : i32
          %add3A_251 = arith.addi %add3A_183, %add3A_250 : i32
          %mul3A_252 = arith.constant 32 : i32
          %mul3A_253 = arith.muli %select_n3A_30, %mul3A_252 : i32
          %add3A_254 = arith.addi %mul3A_253, %add3A_251 : i32
          %mul3A_255 = arith.constant 256 : i32
          %mul3A_256 = arith.muli %select_n3A, %mul3A_255 : i32
          %add3A_257 = arith.addi %mul3A_256, %add3A_254 : i32
          %mul3A_258 = arith.constant 128 : i32
          %mul3A_259 = arith.muli %add3A_257, %mul3A_258 : i32
          %mul3A_260 = arith.constant 128 : i32
          %mul3A_261 = arith.muli %scan3A_39, %mul3A_260 : i32
          %add3A_262 = arith.constant 0 : i32
          %add3A_263 = arith.addi %mul3A_261, %add3A_262 : i32
          %get3A_264 = arith.index_cast %add3A_263 : i32 to index
          %get3A_265 = tpu.vector_load %arg6[%get3A_264] {strides = array<i32>} : memref<256xi32, #tpu.memory_space<vmem>>, vector<16xi32>,
          %get3A_266 = vector.shape_cast %get3A_265 : vector<16xi32> to vector<16xi32>
          %add3A_267 = vector.broadcast %mul3A_259 : i32 to vector<16xi32>
          %add3A_268 = arith.addi %get3A_266, %add3A_267 : vector<16xi32>
          %swap3A_269 = arith.constant 0 : index
          %swap3A_270 = tpu.vector_load %arg8[%swap3A_269] {strides = array<i32>} : memref<128xi32, #tpu.memory_space<vmem>>, vector<16xi32>,
          %swap3A_271 = vector.shape_cast %swap3A_270 : vector<16xi32> to vector<16xi32>
          %swap3A_272 = vector.shape_cast %add3A_268 : vector<16xi32> to vector<16xi32>
          tpu.vector_store %arg8[%swap3A_269], %swap3A_272 {strides = array<i32>} : memref<128xi32, #tpu.memory_space<vmem>>, vector<16xi32>,
          %mul3A_273 = arith.constant 128 : i32
          %mul3A_274 = arith.muli %scan3A_39, %mul3A_273 : i32
          %add3A_275 = arith.constant 16 : i32
          %add3A_276 = arith.addi %mul3A_274, %add3A_275 : i32
          %get3A_277 = arith.index_cast %add3A_276 : i32 to index
          %get3A_278 = tpu.vector_load %arg6[%get3A_277] {strides = array<i32>} : memref<256xi32, #tpu.memory_space<vmem>>, vector<16xi32>,
          %get3A_279 = vector.shape_cast %get3A_278 : vector<16xi32> to vector<16xi32>
          %add3A_280 = vector.broadcast %mul3A_259 : i32 to vector<16xi32>
          %add3A_281 = arith.addi %get3A_279, %add3A_280 : vector<16xi32>
          %swap3A_282 = arith.constant 16 : index
          %swap3A_283 = tpu.vector_load %arg8[%swap3A_282] {strides = array<i32>} : memref<128xi32, #tpu.memory_space<vmem>>, vector<16xi32>,
          %swap3A_284 = vector.shape_cast %swap3A_283 : vector<16xi32> to vector<16xi32>
          %swap3A_285 = vector.shape_cast %add3A_281 : vector<16xi32> to vector<16xi32>
          tpu.vector_store %arg8[%swap3A_282], %swap3A_285 {strides = array<i32>} : memref<128xi32, #tpu.memory_space<vmem>>, vector<16xi32>,
          %mul3A_286 = arith.constant 128 : i32
          %mul3A_287 = arith.muli %scan3A_39, %mul3A_286 : i32
          %add3A_288 = arith.constant 32 : i32
          %add3A_289 = arith.addi %mul3A_287, %add3A_288 : i32
          %get3A_290 = arith.index_cast %add3A_289 : i32 to index
          %get3A_291 = tpu.vector_load %arg6[%get3A_290] {strides = array<i32>} : memref<256xi32, #tpu.memory_space<vmem>>, vector<16xi32>,
          %get3A_292 = vector.shape_cast %get3A_291 : vector<16xi32> to vector<16xi32>
          %add3A_293 = vector.broadcast %mul3A_259 : i32 to vector<16xi32>
          %add3A_294 = arith.addi %get3A_292, %add3A_293 : vector<16xi32>
          %swap3A_295 = arith.constant 32 : index
          %swap3A_296 = tpu.vector_load %arg8[%swap3A_295] {strides = array<i32>} : memref<128xi32, #tpu.memory_space<vmem>>, vector<16xi32>,
          %swap3A_297 = vector.shape_cast %swap3A_296 : vector<16xi32> to vector<16xi32>
          %swap3A_298 = vector.shape_cast %add3A_294 : vector<16xi32> to vector<16xi32>
          tpu.vector_store %arg8[%swap3A_295], %swap3A_298 {strides = array<i32>} : memref<128xi32, #tpu.memory_space<vmem>>, vector<16xi32>,
          %mul3A_299 = arith.constant 128 : i32
          %mul3A_300 = arith.muli %scan3A_39, %mul3A_299 : i32
          %add3A_301 = arith.constant 48 : i32
          %add3A_302 = arith.addi %mul3A_300, %add3A_301 : i32
          %get3A_303 = arith.index_cast %add3A_302 : i32 to index
          %get3A_304 = tpu.vector_load %arg6[%get3A_303] {strides = array<i32>} : memref<256xi32, #tpu.memory_space<vmem>>, vector<16xi32>,
          %get3A_305 = vector.shape_cast %get3A_304 : vector<16xi32> to vector<16xi32>
          %add3A_306 = vector.broadcast %mul3A_259 : i32 to vector<16xi32>
          %add3A_307 = arith.addi %get3A_305, %add3A_306 : vector<16xi32>
          %swap3A_308 = arith.constant 48 : index
          %swap3A_309 = tpu.vector_load %arg8[%swap3A_308] {strides = array<i32>} : memref<128xi32, #tpu.memory_space<vmem>>, vector<16xi32>,
          %swap3A_310 = vector.shape_cast %swap3A_309 : vector<16xi32> to vector<16xi32>
          %swap3A_311 = vector.shape_cast %add3A_307 : vector<16xi32> to vector<16xi32>
          tpu.vector_store %arg8[%swap3A_308], %swap3A_311 {strides = array<i32>} : memref<128xi32, #tpu.memory_space<vmem>>, vector<16xi32>,
          %mul3A_312 = arith.constant 128 : i32
          %mul3A_313 = arith.muli %scan3A_39, %mul3A_312 : i32
          %add3A_314 = arith.constant 64 : i32
          %add3A_315 = arith.addi %mul3A_313, %add3A_314 : i32
          %get3A_316 = arith.index_cast %add3A_315 : i32 to index
          %get3A_317 = tpu.vector_load %arg6[%get3A_316] {strides = array<i32>} : memref<256xi32, #tpu.memory_space<vmem>>, vector<16xi32>,
          %get3A_318 = vector.shape_cast %get3A_317 : vector<16xi32> to vector<16xi32>
          %add3A_319 = vector.broadcast %mul3A_259 : i32 to vector<16xi32>
          %add3A_320 = arith.addi %get3A_318, %add3A_319 : vector<16xi32>
          %swap3A_321 = arith.constant 64 : index
          %swap3A_322 = tpu.vector_load %arg8[%swap3A_321] {strides = array<i32>} : memref<128xi32, #tpu.memory_space<vmem>>, vector<16xi32>,
          %swap3A_323 = vector.shape_cast %swap3A_322 : vector<16xi32> to vector<16xi32>
          %swap3A_324 = vector.shape_cast %add3A_320 : vector<16xi32> to vector<16xi32>
          tpu.vector_store %arg8[%swap3A_321], %swap3A_324 {strides = array<i32>} : memref<128xi32, #tpu.memory_space<vmem>>, vector<16xi32>,
          %mul3A_325 = arith.constant 128 : i32
          %mul3A_326 = arith.muli %scan3A_39, %mul3A_325 : i32
          %add3A_327 = arith.constant 80 : i32
          %add3A_328 = arith.addi %mul3A_326, %add3A_327 : i32
          %get3A_329 = arith.index_cast %add3A_328 : i32 to index
          %get3A_330 = tpu.vector_load %arg6[%get3A_329] {strides = array<i32>} : memref<256xi32, #tpu.memory_space<vmem>>, vector<16xi32>,
          %get3A_331 = vector.shape_cast %get3A_330 : vector<16xi32> to vector<16xi32>
          %add3A_332 = vector.broadcast %mul3A_259 : i32 to vector<16xi32>
          %add3A_333 = arith.addi %get3A_331, %add3A_332 : vector<16xi32>
          %swap3A_334 = arith.constant 80 : index
          %swap3A_335 = tpu.vector_load %arg8[%swap3A_334] {strides = array<i32>} : memref<128xi32, #tpu.memory_space<vmem>>, vector<16xi32>,
          %swap3A_336 = vector.shape_cast %swap3A_335 : vector<16xi32> to vector<16xi32>
          %swap3A_337 = vector.shape_cast %add3A_333 : vector<16xi32> to vector<16xi32>
          tpu.vector_store %arg8[%swap3A_334], %swap3A_337 {strides = array<i32>} : memref<128xi32, #tpu.memory_space<vmem>>, vector<16xi32>,
          %mul3A_338 = arith.constant 128 : i32
          %mul3A_339 = arith.muli %scan3A_39, %mul3A_338 : i32
          %add3A_340 = arith.constant 96 : i32
          %add3A_341 = arith.addi %mul3A_339, %add3A_340 : i32
          %get3A_342 = arith.index_cast %add3A_341 : i32 to index
          %get3A_343 = tpu.vector_load %arg6[%get3A_342] {strides = array<i32>} : memref<256xi32, #tpu.memory_space<vmem>>, vector<16xi32>,
          %get3A_344 = vector.shape_cast %get3A_343 : vector<16xi32> to vector<16xi32>
          %add3A_345 = vector.broadcast %mul3A_259 : i32 to vector<16xi32>
          %add3A_346 = arith.addi %get3A_344, %add3A_345 : vector<16xi32>
          %swap3A_347 = arith.constant 96 : index
          %swap3A_348 = tpu.vector_load %arg8[%swap3A_347] {strides = array<i32>} : memref<128xi32, #tpu.memory_space<vmem>>, vector<16xi32>,
          %swap3A_349 = vector.shape_cast %swap3A_348 : vector<16xi32> to vector<16xi32>
          %swap3A_350 = vector.shape_cast %add3A_346 : vector<16xi32> to vector<16xi32>
          tpu.vector_store %arg8[%swap3A_347], %swap3A_350 {strides = array<i32>} : memref<128xi32, #tpu.memory_space<vmem>>, vector<16xi32>,
          %mul3A_351 = arith.constant 128 : i32
          %mul3A_352 = arith.muli %scan3A_39, %mul3A_351 : i32
          %add3A_353 = arith.constant 112 : i32
          %add3A_354 = arith.addi %mul3A_352, %add3A_353 : i32
          %get3A_355 = arith.index_cast %add3A_354 : i32 to index
          %get3A_356 = tpu.vector_load %arg6[%get3A_355] {strides = array<i32>} : memref<256xi32, #tpu.memory_space<vmem>>, vector<16xi32>,
          %get3A_357 = vector.shape_cast %get3A_356 : vector<16xi32> to vector<16xi32>
          %add3A_358 = vector.broadcast %mul3A_259 : i32 to vector<16xi32>
          %add3A_359 = arith.addi %get3A_357, %add3A_358 : vector<16xi32>
          %swap3A_360 = arith.constant 112 : index
          %swap3A_361 = tpu.vector_load %arg8[%swap3A_360] {strides = array<i32>} : memref<128xi32, #tpu.memory_space<vmem>>, vector<16xi32>,
          %swap3A_362 = vector.shape_cast %swap3A_361 : vector<16xi32> to vector<16xi32>
          %swap3A_363 = vector.shape_cast %add3A_359 : vector<16xi32> to vector<16xi32>
          tpu.vector_store %arg8[%swap3A_360], %swap3A_363 {strides = array<i32>} : memref<128xi32, #tpu.memory_space<vmem>>, vector<16xi32>,
          %dma_start3A_364 = arith.constant 0 : i32
          %dma_start3A_365 = arith.constant 0 : i32
          %dma_start3A_366 = tpu.memref_slice %arg2[%dma_start3A_364, %dma_start3A_365] : memref<131072x256xf32, #tpu.memory_space<hbm>> -> memref<131072x256xf32, #tpu.memory_space<hbm>>
          tpu.enqueue_indirect_dma source(%dma_start3A_366 : memref<131072x256xf32, #tpu.memory_space<hbm>>) target(%arg11 : memref<128x256xf32, #tpu.memory_space<vmem>>) offsets(%arg8 : memref<128xi32, #tpu.memory_space<vmem>>) semaphore(%arg13 : memref<!tpu.dma_semaphore, #tpu.memory_space<semaphore_mem>>)
        } else {
        }
        %dma_wait3A_189 = arith.constant 0 : i32
        %dma_wait3A_190 = arith.constant 0 : i32
        %dma_wait3A_191 = tpu.memref_slice %arg2[%dma_wait3A_189, %dma_wait3A_190] : memref<131072x256xf32, #tpu.memory_space<hbm>> -> memref<131072x256xf32, #tpu.memory_space<hbm>>
        tpu.wait_indirect_dma semaphore(%arg12 : memref<!tpu.dma_semaphore, #tpu.memory_space<semaphore_mem>>) src(%dma_wait3A_191 : memref<131072x256xf32, #tpu.memory_space<hbm>>) dst(%arg10 : memref<128x256xf32, #tpu.memory_space<vmem>>)
        %parallel_loop3A = arith.constant 0 : i32
        %parallel_loop3A_192 = arith.constant 128 : i32
        %parallel_loop3A_193 = arith.constant 1 : i32
        scf.for %parallel_loop3A_246 = %parallel_loop3A to %parallel_loop3A_192 step %parallel_loop3A_193  : i32 {
          %parallel_loop3A_247 = arith.index_cast %parallel_loop3A_246 : i32 to index
          %parallel_loop3A_248 = arith.constant 0 : index
          %parallel_loop3A_249 = tpu.vector_load %arg10[%parallel_loop3A_247, %parallel_loop3A_248] {strides = array<i32>} : memref<128x256xf32, #tpu.memory_space<vmem>>, vector<1x16xf32>,
          %parallel_loop3A_250 = vector.shape_cast %parallel_loop3A_249 : vector<1x16xf32> to vector<16xf32>
          %parallel_loop3A_251 = arith.index_cast %parallel_loop3A_246 : i32 to index
          %parallel_loop3A_252 = arith.constant 0 : index
          %parallel_loop3A_253 = tpu.vector_load %arg9[%parallel_loop3A_251, %parallel_loop3A_252] {strides = array<i32>} : memref<128x256xf32, #tpu.memory_space<vmem>>, vector<1x16xf32>,
          %parallel_loop3A_254 = vector.shape_cast %parallel_loop3A_253 : vector<1x16xf32> to vector<16xf32>
          %parallel_loop3A_255 = arith.addf %parallel_loop3A_250, %parallel_loop3A_254 : vector<16xf32>
          %parallel_loop3A_256 = arith.index_cast %parallel_loop3A_246 : i32 to index
          %parallel_loop3A_257 = arith.constant 0 : index
          %parallel_loop3A_258 = tpu.vector_load %arg10[%parallel_loop3A_256, %parallel_loop3A_257] {strides = array<i32>} : memref<128x256xf32, #tpu.memory_space<vmem>>, vector<1x16xf32>,
          %parallel_loop3A_259 = vector.shape_cast %parallel_loop3A_258 : vector<1x16xf32> to vector<16xf32>
          %parallel_loop3A_260 = vector.shape_cast %parallel_loop3A_255 : vector<16xf32> to vector<1x16xf32>
          tpu.vector_store %arg10[%parallel_loop3A_256, %parallel_loop3A_257], %parallel_loop3A_260 {strides = array<i32>} : memref<128x256xf32, #tpu.memory_space<vmem>>, vector<1x16xf32>,
          %parallel_loop3A_261 = arith.index_cast %parallel_loop3A_246 : i32 to index
          %parallel_loop3A_262 = arith.constant 16 : index
          %parallel_loop3A_263 = tpu.vector_load %arg10[%parallel_loop3A_261, %parallel_loop3A_262] {strides = array<i32>} : memref<128x256xf32, #tpu.memory_space<vmem>>, vector<1x16xf32>,
          %parallel_loop3A_264 = vector.shape_cast %parallel_loop3A_263 : vector<1x16xf32> to vector<16xf32>
          %parallel_loop3A_265 = arith.index_cast %parallel_loop3A_246 : i32 to index
          %parallel_loop3A_266 = arith.constant 16 : index
          %parallel_loop3A_267 = tpu.vector_load %arg9[%parallel_loop3A_265, %parallel_loop3A_266] {strides = array<i32>} : memref<128x256xf32, #tpu.memory_space<vmem>>, vector<1x16xf32>,
          %parallel_loop3A_268 = vector.shape_cast %parallel_loop3A_267 : vector<1x16xf32> to vector<16xf32>
          %parallel_loop3A_269 = arith.addf %parallel_loop3A_264, %parallel_loop3A_268 : vector<16xf32>
          %parallel_loop3A_270 = arith.index_cast %parallel_loop3A_246 : i32 to index
          %parallel_loop3A_271 = arith.constant 16 : index
          %parallel_loop3A_272 = tpu.vector_load %arg10[%parallel_loop3A_270, %parallel_loop3A_271] {strides = array<i32>} : memref<128x256xf32, #tpu.memory_space<vmem>>, vector<1x16xf32>,
          %parallel_loop3A_273 = vector.shape_cast %parallel_loop3A_272 : vector<1x16xf32> to vector<16xf32>
          %parallel_loop3A_274 = vector.shape_cast %parallel_loop3A_269 : vector<16xf32> to vector<1x16xf32>
          tpu.vector_store %arg10[%parallel_loop3A_270, %parallel_loop3A_271], %parallel_loop3A_274 {strides = array<i32>} : memref<128x256xf32, #tpu.memory_space<vmem>>, vector<1x16xf32>,
          %parallel_loop3A_275 = arith.index_cast %parallel_loop3A_246 : i32 to index
          %parallel_loop3A_276 = arith.constant 32 : index
          %parallel_loop3A_277 = tpu.vector_load %arg10[%parallel_loop3A_275, %parallel_loop3A_276] {strides = array<i32>} : memref<128x256xf32, #tpu.memory_space<vmem>>, vector<1x16xf32>,
          %parallel_loop3A_278 = vector.shape_cast %parallel_loop3A_277 : vector<1x16xf32> to vector<16xf32>
          %parallel_loop3A_279 = arith.index_cast %parallel_loop3A_246 : i32 to index
          %parallel_loop3A_280 = arith.constant 32 : index
          %parallel_loop3A_281 = tpu.vector_load %arg9[%parallel_loop3A_279, %parallel_loop3A_280] {strides = array<i32>} : memref<128x256xf32, #tpu.memory_space<vmem>>, vector<1x16xf32>,
          %parallel_loop3A_282 = vector.shape_cast %parallel_loop3A_281 : vector<1x16xf32> to vector<16xf32>
          %parallel_loop3A_283 = arith.addf %parallel_loop3A_278, %parallel_loop3A_282 : vector<16xf32>
          %parallel_loop3A_284 = arith.index_cast %parallel_loop3A_246 : i32 to index
          %parallel_loop3A_285 = arith.constant 32 : index
          %parallel_loop3A_286 = tpu.vector_load %arg10[%parallel_loop3A_284, %parallel_loop3A_285] {strides = array<i32>} : memref<128x256xf32, #tpu.memory_space<vmem>>, vector<1x16xf32>,
          %parallel_loop3A_287 = vector.shape_cast %parallel_loop3A_286 : vector<1x16xf32> to vector<16xf32>
          %parallel_loop3A_288 = vector.shape_cast %parallel_loop3A_283 : vector<16xf32> to vector<1x16xf32>
          tpu.vector_store %arg10[%parallel_loop3A_284, %parallel_loop3A_285], %parallel_loop3A_288 {strides = array<i32>} : memref<128x256xf32, #tpu.memory_space<vmem>>, vector<1x16xf32>,
          %parallel_loop3A_289 = arith.index_cast %parallel_loop3A_246 : i32 to index
          %parallel_loop3A_290 = arith.constant 48 : index
          %parallel_loop3A_291 = tpu.vector_load %arg10[%parallel_loop3A_289, %parallel_loop3A_290] {strides = array<i32>} : memref<128x256xf32, #tpu.memory_space<vmem>>, vector<1x16xf32>,
          %parallel_loop3A_292 = vector.shape_cast %parallel_loop3A_291 : vector<1x16xf32> to vector<16xf32>
          %parallel_loop3A_293 = arith.index_cast %parallel_loop3A_246 : i32 to index
          %parallel_loop3A_294 = arith.constant 48 : index
          %parallel_loop3A_295 = tpu.vector_load %arg9[%parallel_loop3A_293, %parallel_loop3A_294] {strides = array<i32>} : memref<128x256xf32, #tpu.memory_space<vmem>>, vector<1x16xf32>,
          %parallel_loop3A_296 = vector.shape_cast %parallel_loop3A_295 : vector<1x16xf32> to vector<16xf32>
          %parallel_loop3A_297 = arith.addf %parallel_loop3A_292, %parallel_loop3A_296 : vector<16xf32>
          %parallel_loop3A_298 = arith.index_cast %parallel_loop3A_246 : i32 to index
          %parallel_loop3A_299 = arith.constant 48 : index
          %parallel_loop3A_300 = tpu.vector_load %arg10[%parallel_loop3A_298, %parallel_loop3A_299] {strides = array<i32>} : memref<128x256xf32, #tpu.memory_space<vmem>>, vector<1x16xf32>,
          %parallel_loop3A_301 = vector.shape_cast %parallel_loop3A_300 : vector<1x16xf32> to vector<16xf32>
          %parallel_loop3A_302 = vector.shape_cast %parallel_loop3A_297 : vector<16xf32> to vector<1x16xf32>
          tpu.vector_store %arg10[%parallel_loop3A_298, %parallel_loop3A_299], %parallel_loop3A_302 {strides = array<i32>} : memref<128x256xf32, #tpu.memory_space<vmem>>, vector<1x16xf32>,
          %parallel_loop3A_303 = arith.index_cast %parallel_loop3A_246 : i32 to index
          %parallel_loop3A_304 = arith.constant 64 : index
          %parallel_loop3A_305 = tpu.vector_load %arg10[%parallel_loop3A_303, %parallel_loop3A_304] {strides = array<i32>} : memref<128x256xf32, #tpu.memory_space<vmem>>, vector<1x16xf32>,
          %parallel_loop3A_306 = vector.shape_cast %parallel_loop3A_305 : vector<1x16xf32> to vector<16xf32>
          %parallel_loop3A_307 = arith.index_cast %parallel_loop3A_246 : i32 to index
          %parallel_loop3A_308 = arith.constant 64 : index
          %parallel_loop3A_309 = tpu.vector_load %arg9[%parallel_loop3A_307, %parallel_loop3A_308] {strides = array<i32>} : memref<128x256xf32, #tpu.memory_space<vmem>>, vector<1x16xf32>,
          %parallel_loop3A_310 = vector.shape_cast %parallel_loop3A_309 : vector<1x16xf32> to vector<16xf32>
          %parallel_loop3A_311 = arith.addf %parallel_loop3A_306, %parallel_loop3A_310 : vector<16xf32>
          %parallel_loop3A_312 = arith.index_cast %parallel_loop3A_246 : i32 to index
          %parallel_loop3A_313 = arith.constant 64 : index
          %parallel_loop3A_314 = tpu.vector_load %arg10[%parallel_loop3A_312, %parallel_loop3A_313] {strides = array<i32>} : memref<128x256xf32, #tpu.memory_space<vmem>>, vector<1x16xf32>,
          %parallel_loop3A_315 = vector.shape_cast %parallel_loop3A_314 : vector<1x16xf32> to vector<16xf32>
          %parallel_loop3A_316 = vector.shape_cast %parallel_loop3A_311 : vector<16xf32> to vector<1x16xf32>
          tpu.vector_store %arg10[%parallel_loop3A_312, %parallel_loop3A_313], %parallel_loop3A_316 {strides = array<i32>} : memref<128x256xf32, #tpu.memory_space<vmem>>, vector<1x16xf32>,
          %parallel_loop3A_317 = arith.index_cast %parallel_loop3A_246 : i32 to index
          %parallel_loop3A_318 = arith.constant 80 : index
          %parallel_loop3A_319 = tpu.vector_load %arg10[%parallel_loop3A_317, %parallel_loop3A_318] {strides = array<i32>} : memref<128x256xf32, #tpu.memory_space<vmem>>, vector<1x16xf32>,
          %parallel_loop3A_320 = vector.shape_cast %parallel_loop3A_319 : vector<1x16xf32> to vector<16xf32>
          %parallel_loop3A_321 = arith.index_cast %parallel_loop3A_246 : i32 to index
          %parallel_loop3A_322 = arith.constant 80 : index
          %parallel_loop3A_323 = tpu.vector_load %arg9[%parallel_loop3A_321, %parallel_loop3A_322] {strides = array<i32>} : memref<128x256xf32, #tpu.memory_space<vmem>>, vector<1x16xf32>,
          %parallel_loop3A_324 = vector.shape_cast %parallel_loop3A_323 : vector<1x16xf32> to vector<16xf32>
          %parallel_loop3A_325 = arith.addf %parallel_loop3A_320, %parallel_loop3A_324 : vector<16xf32>
          %parallel_loop3A_326 = arith.index_cast %parallel_loop3A_246 : i32 to index
          %parallel_loop3A_327 = arith.constant 80 : index
          %parallel_loop3A_328 = tpu.vector_load %arg10[%parallel_loop3A_326, %parallel_loop3A_327] {strides = array<i32>} : memref<128x256xf32, #tpu.memory_space<vmem>>, vector<1x16xf32>,
          %parallel_loop3A_329 = vector.shape_cast %parallel_loop3A_328 : vector<1x16xf32> to vector<16xf32>
          %parallel_loop3A_330 = vector.shape_cast %parallel_loop3A_325 : vector<16xf32> to vector<1x16xf32>
          tpu.vector_store %arg10[%parallel_loop3A_326, %parallel_loop3A_327], %parallel_loop3A_330 {strides = array<i32>} : memref<128x256xf32, #tpu.memory_space<vmem>>, vector<1x16xf32>,
          %parallel_loop3A_331 = arith.index_cast %parallel_loop3A_246 : i32 to index
          %parallel_loop3A_332 = arith.constant 96 : index
          %parallel_loop3A_333 = tpu.vector_load %arg10[%parallel_loop3A_331, %parallel_loop3A_332] {strides = array<i32>} : memref<128x256xf32, #tpu.memory_space<vmem>>, vector<1x16xf32>,
          %parallel_loop3A_334 = vector.shape_cast %parallel_loop3A_333 : vector<1x16xf32> to vector<16xf32>
          %parallel_loop3A_335 = arith.index_cast %parallel_loop3A_246 : i32 to index
          %parallel_loop3A_336 = arith.constant 96 : index
          %parallel_loop3A_337 = tpu.vector_load %arg9[%parallel_loop3A_335, %parallel_loop3A_336] {strides = array<i32>} : memref<128x256xf32, #tpu.memory_space<vmem>>, vector<1x16xf32>,
          %parallel_loop3A_338 = vector.shape_cast %parallel_loop3A_337 : vector<1x16xf32> to vector<16xf32>
          %parallel_loop3A_339 = arith.addf %parallel_loop3A_334, %parallel_loop3A_338 : vector<16xf32>
          %parallel_loop3A_340 = arith.index_cast %parallel_loop3A_246 : i32 to index
          %parallel_loop3A_341 = arith.constant 96 : index
          %parallel_loop3A_342 = tpu.vector_load %arg10[%parallel_loop3A_340, %parallel_loop3A_341] {strides = array<i32>} : memref<128x256xf32, #tpu.memory_space<vmem>>, vector<1x16xf32>,
          %parallel_loop3A_343 = vector.shape_cast %parallel_loop3A_342 : vector<1x16xf32> to vector<16xf32>
          %parallel_loop3A_344 = vector.shape_cast %parallel_loop3A_339 : vector<16xf32> to vector<1x16xf32>
          tpu.vector_store %arg10[%parallel_loop3A_340, %parallel_loop3A_341], %parallel_loop3A_344 {strides = array<i32>} : memref<128x256xf32, #tpu.memory_space<vmem>>, vector<1x16xf32>,
          %parallel_loop3A_345 = arith.index_cast %parallel_loop3A_246 : i32 to index
          %parallel_loop3A_346 = arith.constant 112 : index
          %parallel_loop3A_347 = tpu.vector_load %arg10[%parallel_loop3A_345, %parallel_loop3A_346] {strides = array<i32>} : memref<128x256xf32, #tpu.memory_space<vmem>>, vector<1x16xf32>,
          %parallel_loop3A_348 = vector.shape_cast %parallel_loop3A_347 : vector<1x16xf32> to vector<16xf32>
          %parallel_loop3A_349 = arith.index_cast %parallel_loop3A_246 : i32 to index
          %parallel_loop3A_350 = arith.constant 112 : index
          %parallel_loop3A_351 = tpu.vector_load %arg9[%parallel_loop3A_349, %parallel_loop3A_350] {strides = array<i32>} : memref<128x256xf32, #tpu.memory_space<vmem>>, vector<1x16xf32>,
          %parallel_loop3A_352 = vector.shape_cast %parallel_loop3A_351 : vector<1x16xf32> to vector<16xf32>
          %parallel_loop3A_353 = arith.addf %parallel_loop3A_348, %parallel_loop3A_352 : vector<16xf32>
          %parallel_loop3A_354 = arith.index_cast %parallel_loop3A_246 : i32 to index
          %parallel_loop3A_355 = arith.constant 112 : index
          %parallel_loop3A_356 = tpu.vector_load %arg10[%parallel_loop3A_354, %parallel_loop3A_355] {strides = array<i32>} : memref<128x256xf32, #tpu.memory_space<vmem>>, vector<1x16xf32>,
          %parallel_loop3A_357 = vector.shape_cast %parallel_loop3A_356 : vector<1x16xf32> to vector<16xf32>
          %parallel_loop3A_358 = vector.shape_cast %parallel_loop3A_353 : vector<16xf32> to vector<1x16xf32>
          tpu.vector_store %arg10[%parallel_loop3A_354, %parallel_loop3A_355], %parallel_loop3A_358 {strides = array<i32>} : memref<128x256xf32, #tpu.memory_space<vmem>>, vector<1x16xf32>,
          %parallel_loop3A_359 = arith.index_cast %parallel_loop3A_246 : i32 to index
          %parallel_loop3A_360 = arith.constant 128 : index
          %parallel_loop3A_361 = tpu.vector_load %arg10[%parallel_loop3A_359, %parallel_loop3A_360] {strides = array<i32>} : memref<128x256xf32, #tpu.memory_space<vmem>>, vector<1x16xf32>,
          %parallel_loop3A_362 = vector.shape_cast %parallel_loop3A_361 : vector<1x16xf32> to vector<16xf32>
          %parallel_loop3A_363 = arith.index_cast %parallel_loop3A_246 : i32 to index
          %parallel_loop3A_364 = arith.constant 128 : index
          %parallel_loop3A_365 = tpu.vector_load %arg9[%parallel_loop3A_363, %parallel_loop3A_364] {strides = array<i32>} : memref<128x256xf32, #tpu.memory_space<vmem>>, vector<1x16xf32>,
          %parallel_loop3A_366 = vector.shape_cast %parallel_loop3A_365 : vector<1x16xf32> to vector<16xf32>
          %parallel_loop3A_367 = arith.addf %parallel_loop3A_362, %parallel_loop3A_366 : vector<16xf32>
          %parallel_loop3A_368 = arith.index_cast %parallel_loop3A_246 : i32 to index
          %parallel_loop3A_369 = arith.constant 128 : index
          %parallel_loop3A_370 = tpu.vector_load %arg10[%parallel_loop3A_368, %parallel_loop3A_369] {strides = array<i32>} : memref<128x256xf32, #tpu.memory_space<vmem>>, vector<1x16xf32>,
          %parallel_loop3A_371 = vector.shape_cast %parallel_loop3A_370 : vector<1x16xf32> to vector<16xf32>
          %parallel_loop3A_372 = vector.shape_cast %parallel_loop3A_367 : vector<16xf32> to vector<1x16xf32>
          tpu.vector_store %arg10[%parallel_loop3A_368, %parallel_loop3A_369], %parallel_loop3A_372 {strides = array<i32>} : memref<128x256xf32, #tpu.memory_space<vmem>>, vector<1x16xf32>,
          %parallel_loop3A_373 = arith.index_cast %parallel_loop3A_246 : i32 to index
          %parallel_loop3A_374 = arith.constant 144 : index
          %parallel_loop3A_375 = tpu.vector_load %arg10[%parallel_loop3A_373, %parallel_loop3A_374] {strides = array<i32>} : memref<128x256xf32, #tpu.memory_space<vmem>>, vector<1x16xf32>,
          %parallel_loop3A_376 = vector.shape_cast %parallel_loop3A_375 : vector<1x16xf32> to vector<16xf32>
          %parallel_loop3A_377 = arith.index_cast %parallel_loop3A_246 : i32 to index
          %parallel_loop3A_378 = arith.constant 144 : index
          %parallel_loop3A_379 = tpu.vector_load %arg9[%parallel_loop3A_377, %parallel_loop3A_378] {strides = array<i32>} : memref<128x256xf32, #tpu.memory_space<vmem>>, vector<1x16xf32>,
          %parallel_loop3A_380 = vector.shape_cast %parallel_loop3A_379 : vector<1x16xf32> to vector<16xf32>
          %parallel_loop3A_381 = arith.addf %parallel_loop3A_376, %parallel_loop3A_380 : vector<16xf32>
          %parallel_loop3A_382 = arith.index_cast %parallel_loop3A_246 : i32 to index
          %parallel_loop3A_383 = arith.constant 144 : index
          %parallel_loop3A_384 = tpu.vector_load %arg10[%parallel_loop3A_382, %parallel_loop3A_383] {strides = array<i32>} : memref<128x256xf32, #tpu.memory_space<vmem>>, vector<1x16xf32>,
          %parallel_loop3A_385 = vector.shape_cast %parallel_loop3A_384 : vector<1x16xf32> to vector<16xf32>
          %parallel_loop3A_386 = vector.shape_cast %parallel_loop3A_381 : vector<16xf32> to vector<1x16xf32>
          tpu.vector_store %arg10[%parallel_loop3A_382, %parallel_loop3A_383], %parallel_loop3A_386 {strides = array<i32>} : memref<128x256xf32, #tpu.memory_space<vmem>>, vector<1x16xf32>,
          %parallel_loop3A_387 = arith.index_cast %parallel_loop3A_246 : i32 to index
          %parallel_loop3A_388 = arith.constant 160 : index
          %parallel_loop3A_389 = tpu.vector_load %arg10[%parallel_loop3A_387, %parallel_loop3A_388] {strides = array<i32>} : memref<128x256xf32, #tpu.memory_space<vmem>>, vector<1x16xf32>,
          %parallel_loop3A_390 = vector.shape_cast %parallel_loop3A_389 : vector<1x16xf32> to vector<16xf32>
          %parallel_loop3A_391 = arith.index_cast %parallel_loop3A_246 : i32 to index
          %parallel_loop3A_392 = arith.constant 160 : index
          %parallel_loop3A_393 = tpu.vector_load %arg9[%parallel_loop3A_391, %parallel_loop3A_392] {strides = array<i32>} : memref<128x256xf32, #tpu.memory_space<vmem>>, vector<1x16xf32>,
          %parallel_loop3A_394 = vector.shape_cast %parallel_loop3A_393 : vector<1x16xf32> to vector<16xf32>
          %parallel_loop3A_395 = arith.addf %parallel_loop3A_390, %parallel_loop3A_394 : vector<16xf32>
          %parallel_loop3A_396 = arith.index_cast %parallel_loop3A_246 : i32 to index
          %parallel_loop3A_397 = arith.constant 160 : index
          %parallel_loop3A_398 = tpu.vector_load %arg10[%parallel_loop3A_396, %parallel_loop3A_397] {strides = array<i32>} : memref<128x256xf32, #tpu.memory_space<vmem>>, vector<1x16xf32>,
          %parallel_loop3A_399 = vector.shape_cast %parallel_loop3A_398 : vector<1x16xf32> to vector<16xf32>
          %parallel_loop3A_400 = vector.shape_cast %parallel_loop3A_395 : vector<16xf32> to vector<1x16xf32>
          tpu.vector_store %arg10[%parallel_loop3A_396, %parallel_loop3A_397], %parallel_loop3A_400 {strides = array<i32>} : memref<128x256xf32, #tpu.memory_space<vmem>>, vector<1x16xf32>,
          %parallel_loop3A_401 = arith.index_cast %parallel_loop3A_246 : i32 to index
          %parallel_loop3A_402 = arith.constant 176 : index
          %parallel_loop3A_403 = tpu.vector_load %arg10[%parallel_loop3A_401, %parallel_loop3A_402] {strides = array<i32>} : memref<128x256xf32, #tpu.memory_space<vmem>>, vector<1x16xf32>,
          %parallel_loop3A_404 = vector.shape_cast %parallel_loop3A_403 : vector<1x16xf32> to vector<16xf32>
          %parallel_loop3A_405 = arith.index_cast %parallel_loop3A_246 : i32 to index
          %parallel_loop3A_406 = arith.constant 176 : index
          %parallel_loop3A_407 = tpu.vector_load %arg9[%parallel_loop3A_405, %parallel_loop3A_406] {strides = array<i32>} : memref<128x256xf32, #tpu.memory_space<vmem>>, vector<1x16xf32>,
          %parallel_loop3A_408 = vector.shape_cast %parallel_loop3A_407 : vector<1x16xf32> to vector<16xf32>
          %parallel_loop3A_409 = arith.addf %parallel_loop3A_404, %parallel_loop3A_408 : vector<16xf32>
          %parallel_loop3A_410 = arith.index_cast %parallel_loop3A_246 : i32 to index
          %parallel_loop3A_411 = arith.constant 176 : index
          %parallel_loop3A_412 = tpu.vector_load %arg10[%parallel_loop3A_410, %parallel_loop3A_411] {strides = array<i32>} : memref<128x256xf32, #tpu.memory_space<vmem>>, vector<1x16xf32>,
          %parallel_loop3A_413 = vector.shape_cast %parallel_loop3A_412 : vector<1x16xf32> to vector<16xf32>
          %parallel_loop3A_414 = vector.shape_cast %parallel_loop3A_409 : vector<16xf32> to vector<1x16xf32>
          tpu.vector_store %arg10[%parallel_loop3A_410, %parallel_loop3A_411], %parallel_loop3A_414 {strides = array<i32>} : memref<128x256xf32, #tpu.memory_space<vmem>>, vector<1x16xf32>,
          %parallel_loop3A_415 = arith.index_cast %parallel_loop3A_246 : i32 to index
          %parallel_loop3A_416 = arith.constant 192 : index
          %parallel_loop3A_417 = tpu.vector_load %arg10[%parallel_loop3A_415, %parallel_loop3A_416] {strides = array<i32>} : memref<128x256xf32, #tpu.memory_space<vmem>>, vector<1x16xf32>,
          %parallel_loop3A_418 = vector.shape_cast %parallel_loop3A_417 : vector<1x16xf32> to vector<16xf32>
          %parallel_loop3A_419 = arith.index_cast %parallel_loop3A_246 : i32 to index
          %parallel_loop3A_420 = arith.constant 192 : index
          %parallel_loop3A_421 = tpu.vector_load %arg9[%parallel_loop3A_419, %parallel_loop3A_420] {strides = array<i32>} : memref<128x256xf32, #tpu.memory_space<vmem>>, vector<1x16xf32>,
          %parallel_loop3A_422 = vector.shape_cast %parallel_loop3A_421 : vector<1x16xf32> to vector<16xf32>
          %parallel_loop3A_423 = arith.addf %parallel_loop3A_418, %parallel_loop3A_422 : vector<16xf32>
          %parallel_loop3A_424 = arith.index_cast %parallel_loop3A_246 : i32 to index
          %parallel_loop3A_425 = arith.constant 192 : index
          %parallel_loop3A_426 = tpu.vector_load %arg10[%parallel_loop3A_424, %parallel_loop3A_425] {strides = array<i32>} : memref<128x256xf32, #tpu.memory_space<vmem>>, vector<1x16xf32>,
          %parallel_loop3A_427 = vector.shape_cast %parallel_loop3A_426 : vector<1x16xf32> to vector<16xf32>
          %parallel_loop3A_428 = vector.shape_cast %parallel_loop3A_423 : vector<16xf32> to vector<1x16xf32>
          tpu.vector_store %arg10[%parallel_loop3A_424, %parallel_loop3A_425], %parallel_loop3A_428 {strides = array<i32>} : memref<128x256xf32, #tpu.memory_space<vmem>>, vector<1x16xf32>,
          %parallel_loop3A_429 = arith.index_cast %parallel_loop3A_246 : i32 to index
          %parallel_loop3A_430 = arith.constant 208 : index
          %parallel_loop3A_431 = tpu.vector_load %arg10[%parallel_loop3A_429, %parallel_loop3A_430] {strides = array<i32>} : memref<128x256xf32, #tpu.memory_space<vmem>>, vector<1x16xf32>,
          %parallel_loop3A_432 = vector.shape_cast %parallel_loop3A_431 : vector<1x16xf32> to vector<16xf32>
          %parallel_loop3A_433 = arith.index_cast %parallel_loop3A_246 : i32 to index
          %parallel_loop3A_434 = arith.constant 208 : index
          %parallel_loop3A_435 = tpu.vector_load %arg9[%parallel_loop3A_433, %parallel_loop3A_434] {strides = array<i32>} : memref<128x256xf32, #tpu.memory_space<vmem>>, vector<1x16xf32>,
          %parallel_loop3A_436 = vector.shape_cast %parallel_loop3A_435 : vector<1x16xf32> to vector<16xf32>
          %parallel_loop3A_437 = arith.addf %parallel_loop3A_432, %parallel_loop3A_436 : vector<16xf32>
          %parallel_loop3A_438 = arith.index_cast %parallel_loop3A_246 : i32 to index
          %parallel_loop3A_439 = arith.constant 208 : index
          %parallel_loop3A_440 = tpu.vector_load %arg10[%parallel_loop3A_438, %parallel_loop3A_439] {strides = array<i32>} : memref<128x256xf32, #tpu.memory_space<vmem>>, vector<1x16xf32>,
          %parallel_loop3A_441 = vector.shape_cast %parallel_loop3A_440 : vector<1x16xf32> to vector<16xf32>
          %parallel_loop3A_442 = vector.shape_cast %parallel_loop3A_437 : vector<16xf32> to vector<1x16xf32>
          tpu.vector_store %arg10[%parallel_loop3A_438, %parallel_loop3A_439], %parallel_loop3A_442 {strides = array<i32>} : memref<128x256xf32, #tpu.memory_space<vmem>>, vector<1x16xf32>,
          %parallel_loop3A_443 = arith.index_cast %parallel_loop3A_246 : i32 to index
          %parallel_loop3A_444 = arith.constant 224 : index
          %parallel_loop3A_445 = tpu.vector_load %arg10[%parallel_loop3A_443, %parallel_loop3A_444] {strides = array<i32>} : memref<128x256xf32, #tpu.memory_space<vmem>>, vector<1x16xf32>,
          %parallel_loop3A_446 = vector.shape_cast %parallel_loop3A_445 : vector<1x16xf32> to vector<16xf32>
          %parallel_loop3A_447 = arith.index_cast %parallel_loop3A_246 : i32 to index
          %parallel_loop3A_448 = arith.constant 224 : index
          %parallel_loop3A_449 = tpu.vector_load %arg9[%parallel_loop3A_447, %parallel_loop3A_448] {strides = array<i32>} : memref<128x256xf32, #tpu.memory_space<vmem>>, vector<1x16xf32>,
          %parallel_loop3A_450 = vector.shape_cast %parallel_loop3A_449 : vector<1x16xf32> to vector<16xf32>
          %parallel_loop3A_451 = arith.addf %parallel_loop3A_446, %parallel_loop3A_450 : vector<16xf32>
          %parallel_loop3A_452 = arith.index_cast %parallel_loop3A_246 : i32 to index
          %parallel_loop3A_453 = arith.constant 224 : index
          %parallel_loop3A_454 = tpu.vector_load %arg10[%parallel_loop3A_452, %parallel_loop3A_453] {strides = array<i32>} : memref<128x256xf32, #tpu.memory_space<vmem>>, vector<1x16xf32>,
          %parallel_loop3A_455 = vector.shape_cast %parallel_loop3A_454 : vector<1x16xf32> to vector<16xf32>
          %parallel_loop3A_456 = vector.shape_cast %parallel_loop3A_451 : vector<16xf32> to vector<1x16xf32>
          tpu.vector_store %arg10[%parallel_loop3A_452, %parallel_loop3A_453], %parallel_loop3A_456 {strides = array<i32>} : memref<128x256xf32, #tpu.memory_space<vmem>>, vector<1x16xf32>,
          %parallel_loop3A_457 = arith.index_cast %parallel_loop3A_246 : i32 to index
          %parallel_loop3A_458 = arith.constant 240 : index
          %parallel_loop3A_459 = tpu.vector_load %arg10[%parallel_loop3A_457, %parallel_loop3A_458] {strides = array<i32>} : memref<128x256xf32, #tpu.memory_space<vmem>>, vector<1x16xf32>,
          %parallel_loop3A_460 = vector.shape_cast %parallel_loop3A_459 : vector<1x16xf32> to vector<16xf32>
          %parallel_loop3A_461 = arith.index_cast %parallel_loop3A_246 : i32 to index
          %parallel_loop3A_462 = arith.constant 240 : index
          %parallel_loop3A_463 = tpu.vector_load %arg9[%parallel_loop3A_461, %parallel_loop3A_462] {strides = array<i32>} : memref<128x256xf32, #tpu.memory_space<vmem>>, vector<1x16xf32>,
          %parallel_loop3A_464 = vector.shape_cast %parallel_loop3A_463 : vector<1x16xf32> to vector<16xf32>
          %parallel_loop3A_465 = arith.addf %parallel_loop3A_460, %parallel_loop3A_464 : vector<16xf32>
          %parallel_loop3A_466 = arith.index_cast %parallel_loop3A_246 : i32 to index
          %parallel_loop3A_467 = arith.constant 240 : index
          %parallel_loop3A_468 = tpu.vector_load %arg10[%parallel_loop3A_466, %parallel_loop3A_467] {strides = array<i32>} : memref<128x256xf32, #tpu.memory_space<vmem>>, vector<1x16xf32>,
          %parallel_loop3A_469 = vector.shape_cast %parallel_loop3A_468 : vector<1x16xf32> to vector<16xf32>
          %parallel_loop3A_470 = vector.shape_cast %parallel_loop3A_465 : vector<16xf32> to vector<1x16xf32>
          tpu.vector_store %arg10[%parallel_loop3A_466, %parallel_loop3A_467], %parallel_loop3A_470 {strides = array<i32>} : memref<128x256xf32, #tpu.memory_space<vmem>>, vector<1x16xf32>,
        } {sc.loop_unroll_factor = 4 : i64, sc.parallel_access}
        %mul3A_194 = arith.constant 32 : i32
        %mul3A_195 = arith.muli %select_n3A_30, %mul3A_194 : i32
        %add3A_196 = arith.addi %mul3A_195, %add3A_183 : i32
        %mul3A_197 = arith.constant 256 : i32
        %mul3A_198 = arith.muli %select_n3A, %mul3A_197 : i32
        %mul3A_199 = arith.constant 256 : i32
        %mul3A_200 = arith.muli %mul3A_198, %mul3A_199 : i32
        %mul3A_201 = arith.constant 256 : i32
        %mul3A_202 = arith.muli %add3A_196, %mul3A_201 : i32
        %add3A_203 = arith.addi %mul3A_200, %mul3A_202 : i32
        %mul3A_204 = arith.constant 128 : i32
        %mul3A_205 = arith.muli %scan3A_39, %mul3A_204 : i32
        %add3A_206 = arith.addi %add3A_203, %mul3A_205 : i32
        %dma_start3A_207 = arith.constant 0 : i32
        %dma_start3A_208 = tpu.memref_slice %arg5[%add3A_206, %dma_start3A_207] : memref<262144x256xf32, #tpu.memory_space<hbm>> -> memref<128x256xf32, #tpu.memory_space<hbm>>
        %dma_start3A_209 = arith.constant 0 : i32
        %dma_start3A_210 = tpu.memref_slice %arg5[%add3A_206, %dma_start3A_209] : memref<262144x256xf32, #tpu.memory_space<hbm>> -> memref<128x256xf32, #tpu.memory_space<hbm>>
        tpu.enqueue_dma source(%arg10 : memref<128x256xf32, #tpu.memory_space<vmem>>) target(%dma_start3A_210 : memref<128x256xf32, #tpu.memory_space<hbm>>) target_semaphore(%arg14 : memref<!tpu.dma_semaphore, #tpu.memory_space<semaphore_mem>>)
        %mul3A_211 = arith.constant 2 : i32
        %mul3A_212 = arith.muli %mul3A_211, %scan3A_178 : i32
        %add3A_213 = arith.constant 1 : i32
        %add3A_214 = arith.addi %mul3A_212, %add3A_213 : i32
        %add3A_215 = arith.constant 1 : i32
        %add3A_216 = arith.addi %add3A_214, %add3A_215 : i32
        %lt3A_217 = arith.constant 32 : i32
        %lt3A_218 = arith.cmpi slt, %add3A_216, %lt3A_217 : i32
        %convert_element_type3A_219 = arith.extui %lt3A_218 : i1 to i32
        %cond3A_220 = arith.constant 0 : i32
        %cond3A_221 = arith.cmpi ne, %convert_element_type3A_219, %cond3A_220 : i32
        scf.if %cond3A_221 {
          %ge3A = arith.constant 1 : i32
          %ge3A_246 = arith.cmpi sge, %add3A_214, %ge3A : i32
          %convert_element_type3A_247 = arith.extui %ge3A_246 : i1 to i32
          %cond3A_248 = arith.constant 0 : i32
          %cond3A_249 = arith.cmpi ne, %convert_element_type3A_247, %cond3A_248 : i32
          scf.if %cond3A_249 {
            %dma_wait3A_367 = arith.constant 0 : i32
            %dma_wait3A_368 = arith.constant 0 : i32
            %dma_wait3A_369 = tpu.memref_slice %arg5[%dma_wait3A_367, %dma_wait3A_368] : memref<262144x256xf32, #tpu.memory_space<hbm>> -> memref<128x256xf32, #tpu.memory_space<hbm>>
            %dma_wait3A_370 = arith.constant 0 : i32
            %dma_wait3A_371 = arith.constant 0 : i32
            %dma_wait3A_372 = tpu.memref_slice %arg5[%dma_wait3A_370, %dma_wait3A_371] : memref<262144x256xf32, #tpu.memory_space<hbm>> -> memref<128x256xf32, #tpu.memory_space<hbm>>
            tpu.wait_dma2 semaphore(%arg14 : memref<!tpu.dma_semaphore, #tpu.memory_space<semaphore_mem>>) src(%arg10 : memref<128x256xf32, #tpu.memory_space<vmem>>) dst(%dma_wait3A_372 : memref<128x256xf32, #tpu.memory_space<hbm>>)
          } else {
          }
          %add3A_250 = arith.constant 1 : i32
          %add3A_251 = arith.addi %add3A_214, %add3A_250 : i32
          %mul3A_252 = arith.constant 32 : i32
          %mul3A_253 = arith.muli %select_n3A_30, %mul3A_252 : i32
          %add3A_254 = arith.addi %mul3A_253, %add3A_251 : i32
          %mul3A_255 = arith.constant 256 : i32
          %mul3A_256 = arith.muli %select_n3A, %mul3A_255 : i32
          %add3A_257 = arith.addi %mul3A_256, %add3A_254 : i32
          %mul3A_258 = arith.constant 128 : i32
          %mul3A_259 = arith.muli %add3A_257, %mul3A_258 : i32
          %mul3A_260 = arith.constant 128 : i32
          %mul3A_261 = arith.muli %scan3A_39, %mul3A_260 : i32
          %add3A_262 = arith.constant 0 : i32
          %add3A_263 = arith.addi %mul3A_261, %add3A_262 : i32
          %get3A_264 = arith.index_cast %add3A_263 : i32 to index
          %get3A_265 = tpu.vector_load %arg6[%get3A_264] {strides = array<i32>} : memref<256xi32, #tpu.memory_space<vmem>>, vector<16xi32>,
          %get3A_266 = vector.shape_cast %get3A_265 : vector<16xi32> to vector<16xi32>
          %add3A_267 = vector.broadcast %mul3A_259 : i32 to vector<16xi32>
          %add3A_268 = arith.addi %get3A_266, %add3A_267 : vector<16xi32>
          %swap3A_269 = arith.constant 0 : index
          %swap3A_270 = tpu.vector_load %arg7[%swap3A_269] {strides = array<i32>} : memref<128xi32, #tpu.memory_space<vmem>>, vector<16xi32>,
          %swap3A_271 = vector.shape_cast %swap3A_270 : vector<16xi32> to vector<16xi32>
          %swap3A_272 = vector.shape_cast %add3A_268 : vector<16xi32> to vector<16xi32>
          tpu.vector_store %arg7[%swap3A_269], %swap3A_272 {strides = array<i32>} : memref<128xi32, #tpu.memory_space<vmem>>, vector<16xi32>,
          %mul3A_273 = arith.constant 128 : i32
          %mul3A_274 = arith.muli %scan3A_39, %mul3A_273 : i32
          %add3A_275 = arith.constant 16 : i32
          %add3A_276 = arith.addi %mul3A_274, %add3A_275 : i32
          %get3A_277 = arith.index_cast %add3A_276 : i32 to index
          %get3A_278 = tpu.vector_load %arg6[%get3A_277] {strides = array<i32>} : memref<256xi32, #tpu.memory_space<vmem>>, vector<16xi32>,
          %get3A_279 = vector.shape_cast %get3A_278 : vector<16xi32> to vector<16xi32>
          %add3A_280 = vector.broadcast %mul3A_259 : i32 to vector<16xi32>
          %add3A_281 = arith.addi %get3A_279, %add3A_280 : vector<16xi32>
          %swap3A_282 = arith.constant 16 : index
          %swap3A_283 = tpu.vector_load %arg7[%swap3A_282] {strides = array<i32>} : memref<128xi32, #tpu.memory_space<vmem>>, vector<16xi32>,
          %swap3A_284 = vector.shape_cast %swap3A_283 : vector<16xi32> to vector<16xi32>
          %swap3A_285 = vector.shape_cast %add3A_281 : vector<16xi32> to vector<16xi32>
          tpu.vector_store %arg7[%swap3A_282], %swap3A_285 {strides = array<i32>} : memref<128xi32, #tpu.memory_space<vmem>>, vector<16xi32>,
          %mul3A_286 = arith.constant 128 : i32
          %mul3A_287 = arith.muli %scan3A_39, %mul3A_286 : i32
          %add3A_288 = arith.constant 32 : i32
          %add3A_289 = arith.addi %mul3A_287, %add3A_288 : i32
          %get3A_290 = arith.index_cast %add3A_289 : i32 to index
          %get3A_291 = tpu.vector_load %arg6[%get3A_290] {strides = array<i32>} : memref<256xi32, #tpu.memory_space<vmem>>, vector<16xi32>,
          %get3A_292 = vector.shape_cast %get3A_291 : vector<16xi32> to vector<16xi32>
          %add3A_293 = vector.broadcast %mul3A_259 : i32 to vector<16xi32>
          %add3A_294 = arith.addi %get3A_292, %add3A_293 : vector<16xi32>
          %swap3A_295 = arith.constant 32 : index
          %swap3A_296 = tpu.vector_load %arg7[%swap3A_295] {strides = array<i32>} : memref<128xi32, #tpu.memory_space<vmem>>, vector<16xi32>,
          %swap3A_297 = vector.shape_cast %swap3A_296 : vector<16xi32> to vector<16xi32>
          %swap3A_298 = vector.shape_cast %add3A_294 : vector<16xi32> to vector<16xi32>
          tpu.vector_store %arg7[%swap3A_295], %swap3A_298 {strides = array<i32>} : memref<128xi32, #tpu.memory_space<vmem>>, vector<16xi32>,
          %mul3A_299 = arith.constant 128 : i32
          %mul3A_300 = arith.muli %scan3A_39, %mul3A_299 : i32
          %add3A_301 = arith.constant 48 : i32
          %add3A_302 = arith.addi %mul3A_300, %add3A_301 : i32
          %get3A_303 = arith.index_cast %add3A_302 : i32 to index
          %get3A_304 = tpu.vector_load %arg6[%get3A_303] {strides = array<i32>} : memref<256xi32, #tpu.memory_space<vmem>>, vector<16xi32>,
          %get3A_305 = vector.shape_cast %get3A_304 : vector<16xi32> to vector<16xi32>
          %add3A_306 = vector.broadcast %mul3A_259 : i32 to vector<16xi32>
          %add3A_307 = arith.addi %get3A_305, %add3A_306 : vector<16xi32>
          %swap3A_308 = arith.constant 48 : index
          %swap3A_309 = tpu.vector_load %arg7[%swap3A_308] {strides = array<i32>} : memref<128xi32, #tpu.memory_space<vmem>>, vector<16xi32>,
          %swap3A_310 = vector.shape_cast %swap3A_309 : vector<16xi32> to vector<16xi32>
          %swap3A_311 = vector.shape_cast %add3A_307 : vector<16xi32> to vector<16xi32>
          tpu.vector_store %arg7[%swap3A_308], %swap3A_311 {strides = array<i32>} : memref<128xi32, #tpu.memory_space<vmem>>, vector<16xi32>,
          %mul3A_312 = arith.constant 128 : i32
          %mul3A_313 = arith.muli %scan3A_39, %mul3A_312 : i32
          %add3A_314 = arith.constant 64 : i32
          %add3A_315 = arith.addi %mul3A_313, %add3A_314 : i32
          %get3A_316 = arith.index_cast %add3A_315 : i32 to index
          %get3A_317 = tpu.vector_load %arg6[%get3A_316] {strides = array<i32>} : memref<256xi32, #tpu.memory_space<vmem>>, vector<16xi32>,
          %get3A_318 = vector.shape_cast %get3A_317 : vector<16xi32> to vector<16xi32>
          %add3A_319 = vector.broadcast %mul3A_259 : i32 to vector<16xi32>
          %add3A_320 = arith.addi %get3A_318, %add3A_319 : vector<16xi32>
          %swap3A_321 = arith.constant 64 : index
          %swap3A_322 = tpu.vector_load %arg7[%swap3A_321] {strides = array<i32>} : memref<128xi32, #tpu.memory_space<vmem>>, vector<16xi32>,
          %swap3A_323 = vector.shape_cast %swap3A_322 : vector<16xi32> to vector<16xi32>
          %swap3A_324 = vector.shape_cast %add3A_320 : vector<16xi32> to vector<16xi32>
          tpu.vector_store %arg7[%swap3A_321], %swap3A_324 {strides = array<i32>} : memref<128xi32, #tpu.memory_space<vmem>>, vector<16xi32>,
          %mul3A_325 = arith.constant 128 : i32
          %mul3A_326 = arith.muli %scan3A_39, %mul3A_325 : i32
          %add3A_327 = arith.constant 80 : i32
          %add3A_328 = arith.addi %mul3A_326, %add3A_327 : i32
          %get3A_329 = arith.index_cast %add3A_328 : i32 to index
          %get3A_330 = tpu.vector_load %arg6[%get3A_329] {strides = array<i32>} : memref<256xi32, #tpu.memory_space<vmem>>, vector<16xi32>,
          %get3A_331 = vector.shape_cast %get3A_330 : vector<16xi32> to vector<16xi32>
          %add3A_332 = vector.broadcast %mul3A_259 : i32 to vector<16xi32>
          %add3A_333 = arith.addi %get3A_331, %add3A_332 : vector<16xi32>
          %swap3A_334 = arith.constant 80 : index
          %swap3A_335 = tpu.vector_load %arg7[%swap3A_334] {strides = array<i32>} : memref<128xi32, #tpu.memory_space<vmem>>, vector<16xi32>,
          %swap3A_336 = vector.shape_cast %swap3A_335 : vector<16xi32> to vector<16xi32>
          %swap3A_337 = vector.shape_cast %add3A_333 : vector<16xi32> to vector<16xi32>
          tpu.vector_store %arg7[%swap3A_334], %swap3A_337 {strides = array<i32>} : memref<128xi32, #tpu.memory_space<vmem>>, vector<16xi32>,
          %mul3A_338 = arith.constant 128 : i32
          %mul3A_339 = arith.muli %scan3A_39, %mul3A_338 : i32
          %add3A_340 = arith.constant 96 : i32
          %add3A_341 = arith.addi %mul3A_339, %add3A_340 : i32
          %get3A_342 = arith.index_cast %add3A_341 : i32 to index
          %get3A_343 = tpu.vector_load %arg6[%get3A_342] {strides = array<i32>} : memref<256xi32, #tpu.memory_space<vmem>>, vector<16xi32>,
          %get3A_344 = vector.shape_cast %get3A_343 : vector<16xi32> to vector<16xi32>
          %add3A_345 = vector.broadcast %mul3A_259 : i32 to vector<16xi32>
          %add3A_346 = arith.addi %get3A_344, %add3A_345 : vector<16xi32>
          %swap3A_347 = arith.constant 96 : index
          %swap3A_348 = tpu.vector_load %arg7[%swap3A_347] {strides = array<i32>} : memref<128xi32, #tpu.memory_space<vmem>>, vector<16xi32>,
          %swap3A_349 = vector.shape_cast %swap3A_348 : vector<16xi32> to vector<16xi32>
          %swap3A_350 = vector.shape_cast %add3A_346 : vector<16xi32> to vector<16xi32>
          tpu.vector_store %arg7[%swap3A_347], %swap3A_350 {strides = array<i32>} : memref<128xi32, #tpu.memory_space<vmem>>, vector<16xi32>,
          %mul3A_351 = arith.constant 128 : i32
          %mul3A_352 = arith.muli %scan3A_39, %mul3A_351 : i32
          %add3A_353 = arith.constant 112 : i32
          %add3A_354 = arith.addi %mul3A_352, %add3A_353 : i32
          %get3A_355 = arith.index_cast %add3A_354 : i32 to index
          %get3A_356 = tpu.vector_load %arg6[%get3A_355] {strides = array<i32>} : memref<256xi32, #tpu.memory_space<vmem>>, vector<16xi32>,
          %get3A_357 = vector.shape_cast %get3A_356 : vector<16xi32> to vector<16xi32>
          %add3A_358 = vector.broadcast %mul3A_259 : i32 to vector<16xi32>
          %add3A_359 = arith.addi %get3A_357, %add3A_358 : vector<16xi32>
          %swap3A_360 = arith.constant 112 : index
          %swap3A_361 = tpu.vector_load %arg7[%swap3A_360] {strides = array<i32>} : memref<128xi32, #tpu.memory_space<vmem>>, vector<16xi32>,
          %swap3A_362 = vector.shape_cast %swap3A_361 : vector<16xi32> to vector<16xi32>
          %swap3A_363 = vector.shape_cast %add3A_359 : vector<16xi32> to vector<16xi32>
          tpu.vector_store %arg7[%swap3A_360], %swap3A_363 {strides = array<i32>} : memref<128xi32, #tpu.memory_space<vmem>>, vector<16xi32>,
          %dma_start3A_364 = arith.constant 0 : i32
          %dma_start3A_365 = arith.constant 0 : i32
          %dma_start3A_366 = tpu.memref_slice %arg2[%dma_start3A_364, %dma_start3A_365] : memref<131072x256xf32, #tpu.memory_space<hbm>> -> memref<131072x256xf32, #tpu.memory_space<hbm>>
          tpu.enqueue_indirect_dma source(%dma_start3A_366 : memref<131072x256xf32, #tpu.memory_space<hbm>>) target(%arg10 : memref<128x256xf32, #tpu.memory_space<vmem>>) offsets(%arg7 : memref<128xi32, #tpu.memory_space<vmem>>) semaphore(%arg12 : memref<!tpu.dma_semaphore, #tpu.memory_space<semaphore_mem>>)
        } else {
        }
        %dma_wait3A_222 = arith.constant 0 : i32
        %dma_wait3A_223 = arith.constant 0 : i32
        %dma_wait3A_224 = tpu.memref_slice %arg2[%dma_wait3A_222, %dma_wait3A_223] : memref<131072x256xf32, #tpu.memory_space<hbm>> -> memref<131072x256xf32, #tpu.memory_space<hbm>>
        tpu.wait_indirect_dma semaphore(%arg13 : memref<!tpu.dma_semaphore, #tpu.memory_space<semaphore_mem>>) src(%dma_wait3A_224 : memref<131072x256xf32, #tpu.memory_space<hbm>>) dst(%arg11 : memref<128x256xf32, #tpu.memory_space<vmem>>)
        %parallel_loop3A_225 = arith.constant 0 : i32
        %parallel_loop3A_226 = arith.constant 128 : i32
        %parallel_loop3A_227 = arith.constant 1 : i32
        scf.for %parallel_loop3A_246 = %parallel_loop3A_225 to %parallel_loop3A_226 step %parallel_loop3A_227  : i32 {
          %parallel_loop3A_247 = arith.index_cast %parallel_loop3A_246 : i32 to index
          %parallel_loop3A_248 = arith.constant 0 : index
          %parallel_loop3A_249 = tpu.vector_load %arg11[%parallel_loop3A_247, %parallel_loop3A_248] {strides = array<i32>} : memref<128x256xf32, #tpu.memory_space<vmem>>, vector<1x16xf32>,
          %parallel_loop3A_250 = vector.shape_cast %parallel_loop3A_249 : vector<1x16xf32> to vector<16xf32>
          %parallel_loop3A_251 = arith.index_cast %parallel_loop3A_246 : i32 to index
          %parallel_loop3A_252 = arith.constant 0 : index
          %parallel_loop3A_253 = tpu.vector_load %arg9[%parallel_loop3A_251, %parallel_loop3A_252] {strides = array<i32>} : memref<128x256xf32, #tpu.memory_space<vmem>>, vector<1x16xf32>,
          %parallel_loop3A_254 = vector.shape_cast %parallel_loop3A_253 : vector<1x16xf32> to vector<16xf32>
          %parallel_loop3A_255 = arith.addf %parallel_loop3A_250, %parallel_loop3A_254 : vector<16xf32>
          %parallel_loop3A_256 = arith.index_cast %parallel_loop3A_246 : i32 to index
          %parallel_loop3A_257 = arith.constant 0 : index
          %parallel_loop3A_258 = tpu.vector_load %arg11[%parallel_loop3A_256, %parallel_loop3A_257] {strides = array<i32>} : memref<128x256xf32, #tpu.memory_space<vmem>>, vector<1x16xf32>,
          %parallel_loop3A_259 = vector.shape_cast %parallel_loop3A_258 : vector<1x16xf32> to vector<16xf32>
          %parallel_loop3A_260 = vector.shape_cast %parallel_loop3A_255 : vector<16xf32> to vector<1x16xf32>
          tpu.vector_store %arg11[%parallel_loop3A_256, %parallel_loop3A_257], %parallel_loop3A_260 {strides = array<i32>} : memref<128x256xf32, #tpu.memory_space<vmem>>, vector<1x16xf32>,
          %parallel_loop3A_261 = arith.index_cast %parallel_loop3A_246 : i32 to index
          %parallel_loop3A_262 = arith.constant 16 : index
          %parallel_loop3A_263 = tpu.vector_load %arg11[%parallel_loop3A_261, %parallel_loop3A_262] {strides = array<i32>} : memref<128x256xf32, #tpu.memory_space<vmem>>, vector<1x16xf32>,
          %parallel_loop3A_264 = vector.shape_cast %parallel_loop3A_263 : vector<1x16xf32> to vector<16xf32>
          %parallel_loop3A_265 = arith.index_cast %parallel_loop3A_246 : i32 to index
          %parallel_loop3A_266 = arith.constant 16 : index
          %parallel_loop3A_267 = tpu.vector_load %arg9[%parallel_loop3A_265, %parallel_loop3A_266] {strides = array<i32>} : memref<128x256xf32, #tpu.memory_space<vmem>>, vector<1x16xf32>,
          %parallel_loop3A_268 = vector.shape_cast %parallel_loop3A_267 : vector<1x16xf32> to vector<16xf32>
          %parallel_loop3A_269 = arith.addf %parallel_loop3A_264, %parallel_loop3A_268 : vector<16xf32>
          %parallel_loop3A_270 = arith.index_cast %parallel_loop3A_246 : i32 to index
          %parallel_loop3A_271 = arith.constant 16 : index
          %parallel_loop3A_272 = tpu.vector_load %arg11[%parallel_loop3A_270, %parallel_loop3A_271] {strides = array<i32>} : memref<128x256xf32, #tpu.memory_space<vmem>>, vector<1x16xf32>,
          %parallel_loop3A_273 = vector.shape_cast %parallel_loop3A_272 : vector<1x16xf32> to vector<16xf32>
          %parallel_loop3A_274 = vector.shape_cast %parallel_loop3A_269 : vector<16xf32> to vector<1x16xf32>
          tpu.vector_store %arg11[%parallel_loop3A_270, %parallel_loop3A_271], %parallel_loop3A_274 {strides = array<i32>} : memref<128x256xf32, #tpu.memory_space<vmem>>, vector<1x16xf32>,
          %parallel_loop3A_275 = arith.index_cast %parallel_loop3A_246 : i32 to index
          %parallel_loop3A_276 = arith.constant 32 : index
          %parallel_loop3A_277 = tpu.vector_load %arg11[%parallel_loop3A_275, %parallel_loop3A_276] {strides = array<i32>} : memref<128x256xf32, #tpu.memory_space<vmem>>, vector<1x16xf32>,
          %parallel_loop3A_278 = vector.shape_cast %parallel_loop3A_277 : vector<1x16xf32> to vector<16xf32>
          %parallel_loop3A_279 = arith.index_cast %parallel_loop3A_246 : i32 to index
          %parallel_loop3A_280 = arith.constant 32 : index
          %parallel_loop3A_281 = tpu.vector_load %arg9[%parallel_loop3A_279, %parallel_loop3A_280] {strides = array<i32>} : memref<128x256xf32, #tpu.memory_space<vmem>>, vector<1x16xf32>,
          %parallel_loop3A_282 = vector.shape_cast %parallel_loop3A_281 : vector<1x16xf32> to vector<16xf32>
          %parallel_loop3A_283 = arith.addf %parallel_loop3A_278, %parallel_loop3A_282 : vector<16xf32>
          %parallel_loop3A_284 = arith.index_cast %parallel_loop3A_246 : i32 to index
          %parallel_loop3A_285 = arith.constant 32 : index
          %parallel_loop3A_286 = tpu.vector_load %arg11[%parallel_loop3A_284, %parallel_loop3A_285] {strides = array<i32>} : memref<128x256xf32, #tpu.memory_space<vmem>>, vector<1x16xf32>,
          %parallel_loop3A_287 = vector.shape_cast %parallel_loop3A_286 : vector<1x16xf32> to vector<16xf32>
          %parallel_loop3A_288 = vector.shape_cast %parallel_loop3A_283 : vector<16xf32> to vector<1x16xf32>
          tpu.vector_store %arg11[%parallel_loop3A_284, %parallel_loop3A_285], %parallel_loop3A_288 {strides = array<i32>} : memref<128x256xf32, #tpu.memory_space<vmem>>, vector<1x16xf32>,
          %parallel_loop3A_289 = arith.index_cast %parallel_loop3A_246 : i32 to index
          %parallel_loop3A_290 = arith.constant 48 : index
          %parallel_loop3A_291 = tpu.vector_load %arg11[%parallel_loop3A_289, %parallel_loop3A_290] {strides = array<i32>} : memref<128x256xf32, #tpu.memory_space<vmem>>, vector<1x16xf32>,
          %parallel_loop3A_292 = vector.shape_cast %parallel_loop3A_291 : vector<1x16xf32> to vector<16xf32>
          %parallel_loop3A_293 = arith.index_cast %parallel_loop3A_246 : i32 to index
          %parallel_loop3A_294 = arith.constant 48 : index
          %parallel_loop3A_295 = tpu.vector_load %arg9[%parallel_loop3A_293, %parallel_loop3A_294] {strides = array<i32>} : memref<128x256xf32, #tpu.memory_space<vmem>>, vector<1x16xf32>,
          %parallel_loop3A_296 = vector.shape_cast %parallel_loop3A_295 : vector<1x16xf32> to vector<16xf32>
          %parallel_loop3A_297 = arith.addf %parallel_loop3A_292, %parallel_loop3A_296 : vector<16xf32>
          %parallel_loop3A_298 = arith.index_cast %parallel_loop3A_246 : i32 to index
          %parallel_loop3A_299 = arith.constant 48 : index
          %parallel_loop3A_300 = tpu.vector_load %arg11[%parallel_loop3A_298, %parallel_loop3A_299] {strides = array<i32>} : memref<128x256xf32, #tpu.memory_space<vmem>>, vector<1x16xf32>,
          %parallel_loop3A_301 = vector.shape_cast %parallel_loop3A_300 : vector<1x16xf32> to vector<16xf32>
          %parallel_loop3A_302 = vector.shape_cast %parallel_loop3A_297 : vector<16xf32> to vector<1x16xf32>
          tpu.vector_store %arg11[%parallel_loop3A_298, %parallel_loop3A_299], %parallel_loop3A_302 {strides = array<i32>} : memref<128x256xf32, #tpu.memory_space<vmem>>, vector<1x16xf32>,
          %parallel_loop3A_303 = arith.index_cast %parallel_loop3A_246 : i32 to index
          %parallel_loop3A_304 = arith.constant 64 : index
          %parallel_loop3A_305 = tpu.vector_load %arg11[%parallel_loop3A_303, %parallel_loop3A_304] {strides = array<i32>} : memref<128x256xf32, #tpu.memory_space<vmem>>, vector<1x16xf32>,
          %parallel_loop3A_306 = vector.shape_cast %parallel_loop3A_305 : vector<1x16xf32> to vector<16xf32>
          %parallel_loop3A_307 = arith.index_cast %parallel_loop3A_246 : i32 to index
          %parallel_loop3A_308 = arith.constant 64 : index
          %parallel_loop3A_309 = tpu.vector_load %arg9[%parallel_loop3A_307, %parallel_loop3A_308] {strides = array<i32>} : memref<128x256xf32, #tpu.memory_space<vmem>>, vector<1x16xf32>,
          %parallel_loop3A_310 = vector.shape_cast %parallel_loop3A_309 : vector<1x16xf32> to vector<16xf32>
          %parallel_loop3A_311 = arith.addf %parallel_loop3A_306, %parallel_loop3A_310 : vector<16xf32>
          %parallel_loop3A_312 = arith.index_cast %parallel_loop3A_246 : i32 to index
          %parallel_loop3A_313 = arith.constant 64 : index
          %parallel_loop3A_314 = tpu.vector_load %arg11[%parallel_loop3A_312, %parallel_loop3A_313] {strides = array<i32>} : memref<128x256xf32, #tpu.memory_space<vmem>>, vector<1x16xf32>,
          %parallel_loop3A_315 = vector.shape_cast %parallel_loop3A_314 : vector<1x16xf32> to vector<16xf32>
          %parallel_loop3A_316 = vector.shape_cast %parallel_loop3A_311 : vector<16xf32> to vector<1x16xf32>
          tpu.vector_store %arg11[%parallel_loop3A_312, %parallel_loop3A_313], %parallel_loop3A_316 {strides = array<i32>} : memref<128x256xf32, #tpu.memory_space<vmem>>, vector<1x16xf32>,
          %parallel_loop3A_317 = arith.index_cast %parallel_loop3A_246 : i32 to index
          %parallel_loop3A_318 = arith.constant 80 : index
          %parallel_loop3A_319 = tpu.vector_load %arg11[%parallel_loop3A_317, %parallel_loop3A_318] {strides = array<i32>} : memref<128x256xf32, #tpu.memory_space<vmem>>, vector<1x16xf32>,
          %parallel_loop3A_320 = vector.shape_cast %parallel_loop3A_319 : vector<1x16xf32> to vector<16xf32>
          %parallel_loop3A_321 = arith.index_cast %parallel_loop3A_246 : i32 to index
          %parallel_loop3A_322 = arith.constant 80 : index
          %parallel_loop3A_323 = tpu.vector_load %arg9[%parallel_loop3A_321, %parallel_loop3A_322] {strides = array<i32>} : memref<128x256xf32, #tpu.memory_space<vmem>>, vector<1x16xf32>,
          %parallel_loop3A_324 = vector.shape_cast %parallel_loop3A_323 : vector<1x16xf32> to vector<16xf32>
          %parallel_loop3A_325 = arith.addf %parallel_loop3A_320, %parallel_loop3A_324 : vector<16xf32>
          %parallel_loop3A_326 = arith.index_cast %parallel_loop3A_246 : i32 to index
          %parallel_loop3A_327 = arith.constant 80 : index
          %parallel_loop3A_328 = tpu.vector_load %arg11[%parallel_loop3A_326, %parallel_loop3A_327] {strides = array<i32>} : memref<128x256xf32, #tpu.memory_space<vmem>>, vector<1x16xf32>,
          %parallel_loop3A_329 = vector.shape_cast %parallel_loop3A_328 : vector<1x16xf32> to vector<16xf32>
          %parallel_loop3A_330 = vector.shape_cast %parallel_loop3A_325 : vector<16xf32> to vector<1x16xf32>
          tpu.vector_store %arg11[%parallel_loop3A_326, %parallel_loop3A_327], %parallel_loop3A_330 {strides = array<i32>} : memref<128x256xf32, #tpu.memory_space<vmem>>, vector<1x16xf32>,
          %parallel_loop3A_331 = arith.index_cast %parallel_loop3A_246 : i32 to index
          %parallel_loop3A_332 = arith.constant 96 : index
          %parallel_loop3A_333 = tpu.vector_load %arg11[%parallel_loop3A_331, %parallel_loop3A_332] {strides = array<i32>} : memref<128x256xf32, #tpu.memory_space<vmem>>, vector<1x16xf32>,
          %parallel_loop3A_334 = vector.shape_cast %parallel_loop3A_333 : vector<1x16xf32> to vector<16xf32>
          %parallel_loop3A_335 = arith.index_cast %parallel_loop3A_246 : i32 to index
          %parallel_loop3A_336 = arith.constant 96 : index
          %parallel_loop3A_337 = tpu.vector_load %arg9[%parallel_loop3A_335, %parallel_loop3A_336] {strides = array<i32>} : memref<128x256xf32, #tpu.memory_space<vmem>>, vector<1x16xf32>,
          %parallel_loop3A_338 = vector.shape_cast %parallel_loop3A_337 : vector<1x16xf32> to vector<16xf32>
          %parallel_loop3A_339 = arith.addf %parallel_loop3A_334, %parallel_loop3A_338 : vector<16xf32>
          %parallel_loop3A_340 = arith.index_cast %parallel_loop3A_246 : i32 to index
          %parallel_loop3A_341 = arith.constant 96 : index
          %parallel_loop3A_342 = tpu.vector_load %arg11[%parallel_loop3A_340, %parallel_loop3A_341] {strides = array<i32>} : memref<128x256xf32, #tpu.memory_space<vmem>>, vector<1x16xf32>,
          %parallel_loop3A_343 = vector.shape_cast %parallel_loop3A_342 : vector<1x16xf32> to vector<16xf32>
          %parallel_loop3A_344 = vector.shape_cast %parallel_loop3A_339 : vector<16xf32> to vector<1x16xf32>
          tpu.vector_store %arg11[%parallel_loop3A_340, %parallel_loop3A_341], %parallel_loop3A_344 {strides = array<i32>} : memref<128x256xf32, #tpu.memory_space<vmem>>, vector<1x16xf32>,
          %parallel_loop3A_345 = arith.index_cast %parallel_loop3A_246 : i32 to index
          %parallel_loop3A_346 = arith.constant 112 : index
          %parallel_loop3A_347 = tpu.vector_load %arg11[%parallel_loop3A_345, %parallel_loop3A_346] {strides = array<i32>} : memref<128x256xf32, #tpu.memory_space<vmem>>, vector<1x16xf32>,
          %parallel_loop3A_348 = vector.shape_cast %parallel_loop3A_347 : vector<1x16xf32> to vector<16xf32>
          %parallel_loop3A_349 = arith.index_cast %parallel_loop3A_246 : i32 to index
          %parallel_loop3A_350 = arith.constant 112 : index
          %parallel_loop3A_351 = tpu.vector_load %arg9[%parallel_loop3A_349, %parallel_loop3A_350] {strides = array<i32>} : memref<128x256xf32, #tpu.memory_space<vmem>>, vector<1x16xf32>,
          %parallel_loop3A_352 = vector.shape_cast %parallel_loop3A_351 : vector<1x16xf32> to vector<16xf32>
          %parallel_loop3A_353 = arith.addf %parallel_loop3A_348, %parallel_loop3A_352 : vector<16xf32>
          %parallel_loop3A_354 = arith.index_cast %parallel_loop3A_246 : i32 to index
          %parallel_loop3A_355 = arith.constant 112 : index
          %parallel_loop3A_356 = tpu.vector_load %arg11[%parallel_loop3A_354, %parallel_loop3A_355] {strides = array<i32>} : memref<128x256xf32, #tpu.memory_space<vmem>>, vector<1x16xf32>,
          %parallel_loop3A_357 = vector.shape_cast %parallel_loop3A_356 : vector<1x16xf32> to vector<16xf32>
          %parallel_loop3A_358 = vector.shape_cast %parallel_loop3A_353 : vector<16xf32> to vector<1x16xf32>
          tpu.vector_store %arg11[%parallel_loop3A_354, %parallel_loop3A_355], %parallel_loop3A_358 {strides = array<i32>} : memref<128x256xf32, #tpu.memory_space<vmem>>, vector<1x16xf32>,
          %parallel_loop3A_359 = arith.index_cast %parallel_loop3A_246 : i32 to index
          %parallel_loop3A_360 = arith.constant 128 : index
          %parallel_loop3A_361 = tpu.vector_load %arg11[%parallel_loop3A_359, %parallel_loop3A_360] {strides = array<i32>} : memref<128x256xf32, #tpu.memory_space<vmem>>, vector<1x16xf32>,
          %parallel_loop3A_362 = vector.shape_cast %parallel_loop3A_361 : vector<1x16xf32> to vector<16xf32>
          %parallel_loop3A_363 = arith.index_cast %parallel_loop3A_246 : i32 to index
          %parallel_loop3A_364 = arith.constant 128 : index
          %parallel_loop3A_365 = tpu.vector_load %arg9[%parallel_loop3A_363, %parallel_loop3A_364] {strides = array<i32>} : memref<128x256xf32, #tpu.memory_space<vmem>>, vector<1x16xf32>,
          %parallel_loop3A_366 = vector.shape_cast %parallel_loop3A_365 : vector<1x16xf32> to vector<16xf32>
          %parallel_loop3A_367 = arith.addf %parallel_loop3A_362, %parallel_loop3A_366 : vector<16xf32>
          %parallel_loop3A_368 = arith.index_cast %parallel_loop3A_246 : i32 to index
          %parallel_loop3A_369 = arith.constant 128 : index
          %parallel_loop3A_370 = tpu.vector_load %arg11[%parallel_loop3A_368, %parallel_loop3A_369] {strides = array<i32>} : memref<128x256xf32, #tpu.memory_space<vmem>>, vector<1x16xf32>,
          %parallel_loop3A_371 = vector.shape_cast %parallel_loop3A_370 : vector<1x16xf32> to vector<16xf32>
          %parallel_loop3A_372 = vector.shape_cast %parallel_loop3A_367 : vector<16xf32> to vector<1x16xf32>
          tpu.vector_store %arg11[%parallel_loop3A_368, %parallel_loop3A_369], %parallel_loop3A_372 {strides = array<i32>} : memref<128x256xf32, #tpu.memory_space<vmem>>, vector<1x16xf32>,
          %parallel_loop3A_373 = arith.index_cast %parallel_loop3A_246 : i32 to index
          %parallel_loop3A_374 = arith.constant 144 : index
          %parallel_loop3A_375 = tpu.vector_load %arg11[%parallel_loop3A_373, %parallel_loop3A_374] {strides = array<i32>} : memref<128x256xf32, #tpu.memory_space<vmem>>, vector<1x16xf32>,
          %parallel_loop3A_376 = vector.shape_cast %parallel_loop3A_375 : vector<1x16xf32> to vector<16xf32>
          %parallel_loop3A_377 = arith.index_cast %parallel_loop3A_246 : i32 to index
          %parallel_loop3A_378 = arith.constant 144 : index
          %parallel_loop3A_379 = tpu.vector_load %arg9[%parallel_loop3A_377, %parallel_loop3A_378] {strides = array<i32>} : memref<128x256xf32, #tpu.memory_space<vmem>>, vector<1x16xf32>,
          %parallel_loop3A_380 = vector.shape_cast %parallel_loop3A_379 : vector<1x16xf32> to vector<16xf32>
          %parallel_loop3A_381 = arith.addf %parallel_loop3A_376, %parallel_loop3A_380 : vector<16xf32>
          %parallel_loop3A_382 = arith.index_cast %parallel_loop3A_246 : i32 to index
          %parallel_loop3A_383 = arith.constant 144 : index
          %parallel_loop3A_384 = tpu.vector_load %arg11[%parallel_loop3A_382, %parallel_loop3A_383] {strides = array<i32>} : memref<128x256xf32, #tpu.memory_space<vmem>>, vector<1x16xf32>,
          %parallel_loop3A_385 = vector.shape_cast %parallel_loop3A_384 : vector<1x16xf32> to vector<16xf32>
          %parallel_loop3A_386 = vector.shape_cast %parallel_loop3A_381 : vector<16xf32> to vector<1x16xf32>
          tpu.vector_store %arg11[%parallel_loop3A_382, %parallel_loop3A_383], %parallel_loop3A_386 {strides = array<i32>} : memref<128x256xf32, #tpu.memory_space<vmem>>, vector<1x16xf32>,
          %parallel_loop3A_387 = arith.index_cast %parallel_loop3A_246 : i32 to index
          %parallel_loop3A_388 = arith.constant 160 : index
          %parallel_loop3A_389 = tpu.vector_load %arg11[%parallel_loop3A_387, %parallel_loop3A_388] {strides = array<i32>} : memref<128x256xf32, #tpu.memory_space<vmem>>, vector<1x16xf32>,
          %parallel_loop3A_390 = vector.shape_cast %parallel_loop3A_389 : vector<1x16xf32> to vector<16xf32>
          %parallel_loop3A_391 = arith.index_cast %parallel_loop3A_246 : i32 to index
          %parallel_loop3A_392 = arith.constant 160 : index
          %parallel_loop3A_393 = tpu.vector_load %arg9[%parallel_loop3A_391, %parallel_loop3A_392] {strides = array<i32>} : memref<128x256xf32, #tpu.memory_space<vmem>>, vector<1x16xf32>,
          %parallel_loop3A_394 = vector.shape_cast %parallel_loop3A_393 : vector<1x16xf32> to vector<16xf32>
          %parallel_loop3A_395 = arith.addf %parallel_loop3A_390, %parallel_loop3A_394 : vector<16xf32>
          %parallel_loop3A_396 = arith.index_cast %parallel_loop3A_246 : i32 to index
          %parallel_loop3A_397 = arith.constant 160 : index
          %parallel_loop3A_398 = tpu.vector_load %arg11[%parallel_loop3A_396, %parallel_loop3A_397] {strides = array<i32>} : memref<128x256xf32, #tpu.memory_space<vmem>>, vector<1x16xf32>,
          %parallel_loop3A_399 = vector.shape_cast %parallel_loop3A_398 : vector<1x16xf32> to vector<16xf32>
          %parallel_loop3A_400 = vector.shape_cast %parallel_loop3A_395 : vector<16xf32> to vector<1x16xf32>
          tpu.vector_store %arg11[%parallel_loop3A_396, %parallel_loop3A_397], %parallel_loop3A_400 {strides = array<i32>} : memref<128x256xf32, #tpu.memory_space<vmem>>, vector<1x16xf32>,
          %parallel_loop3A_401 = arith.index_cast %parallel_loop3A_246 : i32 to index
          %parallel_loop3A_402 = arith.constant 176 : index
          %parallel_loop3A_403 = tpu.vector_load %arg11[%parallel_loop3A_401, %parallel_loop3A_402] {strides = array<i32>} : memref<128x256xf32, #tpu.memory_space<vmem>>, vector<1x16xf32>,
          %parallel_loop3A_404 = vector.shape_cast %parallel_loop3A_403 : vector<1x16xf32> to vector<16xf32>
          %parallel_loop3A_405 = arith.index_cast %parallel_loop3A_246 : i32 to index
          %parallel_loop3A_406 = arith.constant 176 : index
          %parallel_loop3A_407 = tpu.vector_load %arg9[%parallel_loop3A_405, %parallel_loop3A_406] {strides = array<i32>} : memref<128x256xf32, #tpu.memory_space<vmem>>, vector<1x16xf32>,
          %parallel_loop3A_408 = vector.shape_cast %parallel_loop3A_407 : vector<1x16xf32> to vector<16xf32>
          %parallel_loop3A_409 = arith.addf %parallel_loop3A_404, %parallel_loop3A_408 : vector<16xf32>
          %parallel_loop3A_410 = arith.index_cast %parallel_loop3A_246 : i32 to index
          %parallel_loop3A_411 = arith.constant 176 : index
          %parallel_loop3A_412 = tpu.vector_load %arg11[%parallel_loop3A_410, %parallel_loop3A_411] {strides = array<i32>} : memref<128x256xf32, #tpu.memory_space<vmem>>, vector<1x16xf32>,
          %parallel_loop3A_413 = vector.shape_cast %parallel_loop3A_412 : vector<1x16xf32> to vector<16xf32>
          %parallel_loop3A_414 = vector.shape_cast %parallel_loop3A_409 : vector<16xf32> to vector<1x16xf32>
          tpu.vector_store %arg11[%parallel_loop3A_410, %parallel_loop3A_411], %parallel_loop3A_414 {strides = array<i32>} : memref<128x256xf32, #tpu.memory_space<vmem>>, vector<1x16xf32>,
          %parallel_loop3A_415 = arith.index_cast %parallel_loop3A_246 : i32 to index
          %parallel_loop3A_416 = arith.constant 192 : index
          %parallel_loop3A_417 = tpu.vector_load %arg11[%parallel_loop3A_415, %parallel_loop3A_416] {strides = array<i32>} : memref<128x256xf32, #tpu.memory_space<vmem>>, vector<1x16xf32>,
          %parallel_loop3A_418 = vector.shape_cast %parallel_loop3A_417 : vector<1x16xf32> to vector<16xf32>
          %parallel_loop3A_419 = arith.index_cast %parallel_loop3A_246 : i32 to index
          %parallel_loop3A_420 = arith.constant 192 : index
          %parallel_loop3A_421 = tpu.vector_load %arg9[%parallel_loop3A_419, %parallel_loop3A_420] {strides = array<i32>} : memref<128x256xf32, #tpu.memory_space<vmem>>, vector<1x16xf32>,
          %parallel_loop3A_422 = vector.shape_cast %parallel_loop3A_421 : vector<1x16xf32> to vector<16xf32>
          %parallel_loop3A_423 = arith.addf %parallel_loop3A_418, %parallel_loop3A_422 : vector<16xf32>
          %parallel_loop3A_424 = arith.index_cast %parallel_loop3A_246 : i32 to index
          %parallel_loop3A_425 = arith.constant 192 : index
          %parallel_loop3A_426 = tpu.vector_load %arg11[%parallel_loop3A_424, %parallel_loop3A_425] {strides = array<i32>} : memref<128x256xf32, #tpu.memory_space<vmem>>, vector<1x16xf32>,
          %parallel_loop3A_427 = vector.shape_cast %parallel_loop3A_426 : vector<1x16xf32> to vector<16xf32>
          %parallel_loop3A_428 = vector.shape_cast %parallel_loop3A_423 : vector<16xf32> to vector<1x16xf32>
          tpu.vector_store %arg11[%parallel_loop3A_424, %parallel_loop3A_425], %parallel_loop3A_428 {strides = array<i32>} : memref<128x256xf32, #tpu.memory_space<vmem>>, vector<1x16xf32>,
          %parallel_loop3A_429 = arith.index_cast %parallel_loop3A_246 : i32 to index
          %parallel_loop3A_430 = arith.constant 208 : index
          %parallel_loop3A_431 = tpu.vector_load %arg11[%parallel_loop3A_429, %parallel_loop3A_430] {strides = array<i32>} : memref<128x256xf32, #tpu.memory_space<vmem>>, vector<1x16xf32>,
          %parallel_loop3A_432 = vector.shape_cast %parallel_loop3A_431 : vector<1x16xf32> to vector<16xf32>
          %parallel_loop3A_433 = arith.index_cast %parallel_loop3A_246 : i32 to index
          %parallel_loop3A_434 = arith.constant 208 : index
          %parallel_loop3A_435 = tpu.vector_load %arg9[%parallel_loop3A_433, %parallel_loop3A_434] {strides = array<i32>} : memref<128x256xf32, #tpu.memory_space<vmem>>, vector<1x16xf32>,
          %parallel_loop3A_436 = vector.shape_cast %parallel_loop3A_435 : vector<1x16xf32> to vector<16xf32>
          %parallel_loop3A_437 = arith.addf %parallel_loop3A_432, %parallel_loop3A_436 : vector<16xf32>
          %parallel_loop3A_438 = arith.index_cast %parallel_loop3A_246 : i32 to index
          %parallel_loop3A_439 = arith.constant 208 : index
          %parallel_loop3A_440 = tpu.vector_load %arg11[%parallel_loop3A_438, %parallel_loop3A_439] {strides = array<i32>} : memref<128x256xf32, #tpu.memory_space<vmem>>, vector<1x16xf32>,
          %parallel_loop3A_441 = vector.shape_cast %parallel_loop3A_440 : vector<1x16xf32> to vector<16xf32>
          %parallel_loop3A_442 = vector.shape_cast %parallel_loop3A_437 : vector<16xf32> to vector<1x16xf32>
          tpu.vector_store %arg11[%parallel_loop3A_438, %parallel_loop3A_439], %parallel_loop3A_442 {strides = array<i32>} : memref<128x256xf32, #tpu.memory_space<vmem>>, vector<1x16xf32>,
          %parallel_loop3A_443 = arith.index_cast %parallel_loop3A_246 : i32 to index
          %parallel_loop3A_444 = arith.constant 224 : index
          %parallel_loop3A_445 = tpu.vector_load %arg11[%parallel_loop3A_443, %parallel_loop3A_444] {strides = array<i32>} : memref<128x256xf32, #tpu.memory_space<vmem>>, vector<1x16xf32>,
          %parallel_loop3A_446 = vector.shape_cast %parallel_loop3A_445 : vector<1x16xf32> to vector<16xf32>
          %parallel_loop3A_447 = arith.index_cast %parallel_loop3A_246 : i32 to index
          %parallel_loop3A_448 = arith.constant 224 : index
          %parallel_loop3A_449 = tpu.vector_load %arg9[%parallel_loop3A_447, %parallel_loop3A_448] {strides = array<i32>} : memref<128x256xf32, #tpu.memory_space<vmem>>, vector<1x16xf32>,
          %parallel_loop3A_450 = vector.shape_cast %parallel_loop3A_449 : vector<1x16xf32> to vector<16xf32>
          %parallel_loop3A_451 = arith.addf %parallel_loop3A_446, %parallel_loop3A_450 : vector<16xf32>
          %parallel_loop3A_452 = arith.index_cast %parallel_loop3A_246 : i32 to index
          %parallel_loop3A_453 = arith.constant 224 : index
          %parallel_loop3A_454 = tpu.vector_load %arg11[%parallel_loop3A_452, %parallel_loop3A_453] {strides = array<i32>} : memref<128x256xf32, #tpu.memory_space<vmem>>, vector<1x16xf32>,
          %parallel_loop3A_455 = vector.shape_cast %parallel_loop3A_454 : vector<1x16xf32> to vector<16xf32>
          %parallel_loop3A_456 = vector.shape_cast %parallel_loop3A_451 : vector<16xf32> to vector<1x16xf32>
          tpu.vector_store %arg11[%parallel_loop3A_452, %parallel_loop3A_453], %parallel_loop3A_456 {strides = array<i32>} : memref<128x256xf32, #tpu.memory_space<vmem>>, vector<1x16xf32>,
          %parallel_loop3A_457 = arith.index_cast %parallel_loop3A_246 : i32 to index
          %parallel_loop3A_458 = arith.constant 240 : index
          %parallel_loop3A_459 = tpu.vector_load %arg11[%parallel_loop3A_457, %parallel_loop3A_458] {strides = array<i32>} : memref<128x256xf32, #tpu.memory_space<vmem>>, vector<1x16xf32>,
          %parallel_loop3A_460 = vector.shape_cast %parallel_loop3A_459 : vector<1x16xf32> to vector<16xf32>
          %parallel_loop3A_461 = arith.index_cast %parallel_loop3A_246 : i32 to index
          %parallel_loop3A_462 = arith.constant 240 : index
          %parallel_loop3A_463 = tpu.vector_load %arg9[%parallel_loop3A_461, %parallel_loop3A_462] {strides = array<i32>} : memref<128x256xf32, #tpu.memory_space<vmem>>, vector<1x16xf32>,
          %parallel_loop3A_464 = vector.shape_cast %parallel_loop3A_463 : vector<1x16xf32> to vector<16xf32>
          %parallel_loop3A_465 = arith.addf %parallel_loop3A_460, %parallel_loop3A_464 : vector<16xf32>
          %parallel_loop3A_466 = arith.index_cast %parallel_loop3A_246 : i32 to index
          %parallel_loop3A_467 = arith.constant 240 : index
          %parallel_loop3A_468 = tpu.vector_load %arg11[%parallel_loop3A_466, %parallel_loop3A_467] {strides = array<i32>} : memref<128x256xf32, #tpu.memory_space<vmem>>, vector<1x16xf32>,
          %parallel_loop3A_469 = vector.shape_cast %parallel_loop3A_468 : vector<1x16xf32> to vector<16xf32>
          %parallel_loop3A_470 = vector.shape_cast %parallel_loop3A_465 : vector<16xf32> to vector<1x16xf32>
          tpu.vector_store %arg11[%parallel_loop3A_466, %parallel_loop3A_467], %parallel_loop3A_470 {strides = array<i32>} : memref<128x256xf32, #tpu.memory_space<vmem>>, vector<1x16xf32>,
        } {sc.loop_unroll_factor = 4 : i64, sc.parallel_access}
        %mul3A_228 = arith.constant 32 : i32
        %mul3A_229 = arith.muli %select_n3A_30, %mul3A_228 : i32
        %add3A_230 = arith.addi %mul3A_229, %add3A_214 : i32
        %mul3A_231 = arith.constant 256 : i32
        %mul3A_232 = arith.muli %select_n3A, %mul3A_231 : i32
        %mul3A_233 = arith.constant 256 : i32
        %mul3A_234 = arith.muli %mul3A_232, %mul3A_233 : i32
        %mul3A_235 = arith.constant 256 : i32
        %mul3A_236 = arith.muli %add3A_230, %mul3A_235 : i32
        %add3A_237 = arith.addi %mul3A_234, %mul3A_236 : i32
        %mul3A_238 = arith.constant 128 : i32
        %mul3A_239 = arith.muli %scan3A_39, %mul3A_238 : i32
        %add3A_240 = arith.addi %add3A_237, %mul3A_239 : i32
        %dma_start3A_241 = arith.constant 0 : i32
        %dma_start3A_242 = tpu.memref_slice %arg5[%add3A_240, %dma_start3A_241] : memref<262144x256xf32, #tpu.memory_space<hbm>> -> memref<128x256xf32, #tpu.memory_space<hbm>>
        %dma_start3A_243 = arith.constant 0 : i32
        %dma_start3A_244 = tpu.memref_slice %arg5[%add3A_240, %dma_start3A_243] : memref<262144x256xf32, #tpu.memory_space<hbm>> -> memref<128x256xf32, #tpu.memory_space<hbm>>
        tpu.enqueue_dma source(%arg11 : memref<128x256xf32, #tpu.memory_space<vmem>>) target(%dma_start3A_244 : memref<128x256xf32, #tpu.memory_space<hbm>>) target_semaphore(%arg15 : memref<!tpu.dma_semaphore, #tpu.memory_space<semaphore_mem>>)
        %scan3A_245 = arith.constant 0 : i32
        scf.yield %scan3A_245 : i32
      }
      %scan3A_165 = arith.constant 16 : i32
      %dma_wait3A = arith.constant 0 : i32
      %dma_wait3A_166 = arith.constant 0 : i32
      %dma_wait3A_167 = tpu.memref_slice %arg5[%dma_wait3A, %dma_wait3A_166] : memref<262144x256xf32, #tpu.memory_space<hbm>> -> memref<128x256xf32, #tpu.memory_space<hbm>>
      %dma_wait3A_168 = arith.constant 0 : i32
      %dma_wait3A_169 = arith.constant 0 : i32
      %dma_wait3A_170 = tpu.memref_slice %arg5[%dma_wait3A_168, %dma_wait3A_169] : memref<262144x256xf32, #tpu.memory_space<hbm>> -> memref<128x256xf32, #tpu.memory_space<hbm>>
      tpu.wait_dma2 semaphore(%arg14 : memref<!tpu.dma_semaphore, #tpu.memory_space<semaphore_mem>>) src(%arg10 : memref<128x256xf32, #tpu.memory_space<vmem>>) dst(%dma_wait3A_170 : memref<128x256xf32, #tpu.memory_space<hbm>>)
      %dma_wait3A_171 = arith.constant 0 : i32
      %dma_wait3A_172 = arith.constant 0 : i32
      %dma_wait3A_173 = tpu.memref_slice %arg5[%dma_wait3A_171, %dma_wait3A_172] : memref<262144x256xf32, #tpu.memory_space<hbm>> -> memref<128x256xf32, #tpu.memory_space<hbm>>
      %dma_wait3A_174 = arith.constant 0 : i32
      %dma_wait3A_175 = arith.constant 0 : i32
      %dma_wait3A_176 = tpu.memref_slice %arg5[%dma_wait3A_174, %dma_wait3A_175] : memref<262144x256xf32, #tpu.memory_space<hbm>> -> memref<128x256xf32, #tpu.memory_space<hbm>>
      tpu.wait_dma2 semaphore(%arg15 : memref<!tpu.dma_semaphore, #tpu.memory_space<semaphore_mem>>) src(%arg11 : memref<128x256xf32, #tpu.memory_space<vmem>>) dst(%dma_wait3A_176 : memref<128x256xf32, #tpu.memory_space<hbm>>)
      %scan3A_177 = arith.constant 0 : i32
      scf.yield %scan3A_177 : i32
    }
    %scan3A_38 = arith.constant 2 : i32
    return
  }
}

module attributes {stable_mosaic.version = 14 : i64} {
  func.func @_mm_body(%arg0: i32, %arg1: memref<4096x128xf32, #tpu.memory_space<vmem>>, %arg2: memref<128x256xf32, #tpu.memory_space<vmem>>, %arg3: memref<4096x256xf32, #tpu.memory_space<vmem>>) attributes {dimension_semantics = [#tpu.dimension_semantics<arbitrary>], iteration_bounds = array<i64: 32>, scalar_prefetch = 0 : i64, scratch_operands = 0 : i64, tpu.core_type = #tpu.core_type<tc>, window_params = [{transform_indices = @transform_0, window_bounds = array<i64: 4096, 128>}, {pipeline_mode = #tpu.pipeline_mode<synchronous>, transform_indices = @transform_1, window_bounds = array<i64: 128, 256>}, {transform_indices = @transform_2, window_bounds = array<i64: 4096, 256>}]} {
    %get3A = arith.constant 0 : index
    %get3A_0 = arith.constant 0 : index
    %get3A_1 = vector.load %arg1[%get3A, %get3A_0] : memref<4096x128xf32, #tpu.memory_space<vmem>>, vector<4096x128xf32>
    %get3A_2 = arith.constant 0 : index
    %get3A_3 = arith.constant 0 : index
    %get3A_4 = vector.load %arg2[%get3A_2, %get3A_3] : memref<128x256xf32, #tpu.memory_space<vmem>>, vector<128x256xf32>
    %dot_general3A = arith.constant dense<0.000000e+00> : vector<4096x256xf32>
    %dot_general3A_5 = tpu.matmul %get3A_1, %get3A_4, %dot_general3A {dimension_numbers = #tpu.dot_dimension_numbers<[1], [0], [0], [1], [0, 0, 1, 1], [], []>, transpose_lhs_hint = false} : vector<4096x128xf32>, vector<128x256xf32>, vector<4096x256xf32> -> vector<4096x256xf32>
    %swap3A = arith.constant 0 : index
    %swap3A_6 = arith.constant 0 : index
    %swap3A_7 = vector.load %arg3[%swap3A, %swap3A_6] : memref<4096x256xf32, #tpu.memory_space<vmem>>, vector<4096x256xf32>
    tpu.vector_store %arg3[%swap3A, %swap3A_6], %dot_general3A_5 {strides = array<i32>} : memref<4096x256xf32, #tpu.memory_space<vmem>>, vector<4096x256xf32>,
    return
  }
  func.func @transform_0(%arg0: i32) -> (i32, i32) {
    %c0_i32 = arith.constant 0 : i32
    %c0_i32_0 = arith.constant 0 : i32
    return %arg0, %c0_i32 : i32, i32
  }
  func.func @transform_1(%arg0: i32) -> (i32, i32) {
    %c0_i32 = arith.constant 0 : i32
    %c0_i32_0 = arith.constant 0 : i32
    %c0_i32_1 = arith.constant 0 : i32
    return %c0_i32, %c0_i32_0 : i32, i32
  }
  func.func @transform_2(%arg0: i32) -> (i32, i32) {
    %c0_i32 = arith.constant 0 : i32
    %c0_i32_0 = arith.constant 0 : i32
    return %arg0, %c0_i32 : i32, i32
  }
}

module attributes {stable_mosaic.version = 14 : i64} {
  func.func @_mm_bias_body(%arg0: memref<1024x288xf32, #tpu.memory_space<vmem>>, %arg1: memref<288x512xf32, #tpu.memory_space<vmem>>, %arg2: memref<1x512xf32, #tpu.memory_space<vmem>>, %arg3: memref<1024x512xf32, #tpu.memory_space<vmem>>) attributes {dimension_semantics = [], scalar_prefetch = 0 : i64, scratch_operands = 0 : i64, tpu.core_type = #tpu.core_type<tc>} {
    %get3A = arith.constant 0 : index
    %get3A_0 = arith.constant 0 : index
    %get3A_1 = vector.load %arg0[%get3A, %get3A_0] : memref<1024x288xf32, #tpu.memory_space<vmem>>, vector<1024x288xf32>
    %get3A_2 = arith.constant 0 : index
    %get3A_3 = arith.constant 0 : index
    %get3A_4 = vector.load %arg1[%get3A_2, %get3A_3] : memref<288x512xf32, #tpu.memory_space<vmem>>, vector<288x512xf32>
    %dot_general3A = arith.constant dense<0.000000e+00> : vector<1024x512xf32>
    %dot_general3A_5 = tpu.matmul %get3A_1, %get3A_4, %dot_general3A {dimension_numbers = #tpu.dot_dimension_numbers<[1], [0], [0], [1], [0, 0, 1, 1], [], []>, transpose_lhs_hint = false} : vector<1024x288xf32>, vector<288x512xf32>, vector<1024x512xf32> -> vector<1024x512xf32>
    %get3A_6 = arith.constant 0 : index
    %get3A_7 = arith.constant 0 : index
    %get3A_8 = vector.load %arg2[%get3A_6, %get3A_7] : memref<1x512xf32, #tpu.memory_space<vmem>>, vector<1x512xf32>
    %add3A = vector.broadcast %get3A_8 : vector<1x512xf32> to vector<1024x512xf32>
    %add3A_9 = arith.addf %dot_general3A_5, %add3A : vector<1024x512xf32>
    %swap3A = arith.constant 0 : index
    %swap3A_10 = arith.constant 0 : index
    %swap3A_11 = vector.load %arg3[%swap3A, %swap3A_10] : memref<1024x512xf32, #tpu.memory_space<vmem>>, vector<1024x512xf32>
    tpu.vector_store %arg3[%swap3A, %swap3A_10], %add3A_9 {strides = array<i32>} : memref<1024x512xf32, #tpu.memory_space<vmem>>, vector<1024x512xf32>,
    return
  }
}

</mosaic_0001>

<sc_bundles>
// kernel: kernel.6.cloned.1.call-start
scs
__scs_entry_jumppad:
0x0: {  	(pc) =	sbr.rel $0x88, $3  }
0x1: {  	(tag) =	ssettag $0x0;
	lr =	simm.s32 $0x1  }
0x2: {  	[smem:$0x3F98] =	sst lr;
	_ =	strace $0xD0000000  }
0x3: {  	_ = 	snop  }
0x4: {  	_ = 	snop  }
0x5: {  	_ = 	snop  }
0x6: {  	_ = 	snop  }
0x7: {  	_ = 	snop  }
__scs_overlays_trampoline_lowered:
0x8: {  	[smem:$0x3FA7] =	sst s0  }
0x9: {  	[smem:$0x3FA8] =	sst s1  }
0xa: {  	[smem:$0x3FA9] =	sst s2  }
0xb: {  	[smem:$0x3FAA] =	sst s3  }
0xc: {  	[smem:$0x3FAB] =	sst s4  }
0xd: {  	[smem:$0x3FAC] =	sst s5  }
0xe: {  	[smem:$0x3FAD] =	sst s6  }
0xf: {  	[smem:$0x3FAE] =	sst s7  }
0x10: {  	[smem:$0x3FAF] =	sst s8  }
0x11: {  	[smem:$0x3FB0] =	sst s9;
	s0 =	simm.s32 @!p0 $0x0  }
0x12: {  	s1 =	sld [smem:$0x3F96];
	s0 =	simm.s32 @p0 $0x1  }
0x13: {  	[smem:$0x3FB1] =	sst s0;
	s0 =	simm.s32 @!p1 $0x0  }
0x14: {  	s2 =	sld [smem:$0x3F95];
	s0 =	simm.s32 @p1 $0x1  }
0x15: {  	[smem:$0x3FB2] =	sst s0;
	s0 =	simm.s32 @!p2 $0x0  }
0x16: {  	s3 =	sld [smem:$0x3FDB];
	s0 =	simm.s32 @p2 $0x1  }
0x17: {  	s4 =	simm.s32 $0x1BF5;
	[smem:$0x3FB4] =	sst s0  }
0x18: {  	s0 =	sld [smem:$0x3F97];
	_ =	swait.ge [sflag:s4], $0x0  }
0x19: {  	s7 =	sld [smem:$0x3F98]  }
0x1a: {  	s8 =	sadd.s32 $0xFFFFE003, lr  }
0x1b: {  	s9 =	sadd.s32 $0xFFFFFEF7, lr;
	s5 =	simm.s32 $0xFFFFFFFF;
	p2 =	slt.u32 s8, $0xFFFFF086  }
0x1c: {  	p1 =	slt.u32 s9, $0xF7A;
	s5 =	simm.s32 @!p2 $0x0  }
0x1d: {  	s5 =	simm.s32 @p1 $0x1;
	p0 =	seq.s32 s7, s2  }
0x1e: {  	s7 =	smul.u32 @!p0 $0xF7A, s2;
	p2 =	seq.s32 @!p0 s5, $0x0  }
0x1f: {  	s9 =	smul.u32 $0xF7A, s1;
	s8 =	simm.s32 @!p0 $0x1BF5;
	p2 =	por !p2, p0  }
0x20: {  	[sflag:s8] =	ssyncset.s32 @!p0 $0xFFFFF086;
	s6 =	sadd.s32 @!p0 s3, s7;
	s7 =	simm.s32 @!p0 $0x108  }
0x21: {  	s3 =	sadd.s32 s3, s9;
	s6 =	sadd.s32 @!p0 $0x88, s6;
	s7 =	simm.s32 @p2 $0x1082  }
0x22: {  	[simem:s7], [sflag:s8] =	dma.local @!p0 [hbm:s6], $0xF7A  }
0x23: {  	s9 =	sor.u32 $0xD0000000, s2;
	s6 =	simm.s32 $0x108;
	_ =	swait.ge @!p0 [sflag:s8], $0x0  }
0x24: {  	s3 =	sadd.s32 $0x88, s3;
	s6 =	simm.s32 @!p1 $0x1082;
	[sflag:s4] =	ssyncset.s32 $0xFFFFF086  }
0x25: {  	[simem:s6], [sflag:s4] =	dma.local [hbm:s3], $0xF7A  }
0x26: {  	[smem:$0x3F98] =	sst s1;
	(tag) =	ssettag s2;
	_ =	strace s9  }
0x27: {  	s1 =	sld [smem:$0x3FA8]  }
0x28: {  	s2 =	sld [smem:$0x3FA9]  }
0x29: {  	s4 =	sld [smem:$0x3FAB]  }
0x2a: {  	p0 =	seq.s32 s5, $0x0;
	s5 =	sld [smem:$0x3FAC]  }
0x2b: {  	s6 =	sld [smem:$0x3FAD]  }
0x2c: {  	s7 =	sld [smem:$0x3FAE]  }
0x2d: {  	s3 =	simm.s32 $0x108;
	s8 =	sld [smem:$0x3FAF]  }
0x2e: {  	s3 =	simm.s32 @!p0 $0x1082;
	s9 =	sld [smem:$0x3FB0]  }
0x2f: {  	lr =	sadd.s32 s0, s3;
	s0 =	sld [smem:$0x3FA7]  }
0x30: {  	s3 =	sld [smem:$0x3FAA]  }
0x31: {  	[smem:$0x3FB3] =	sst s10  }
0x32: {  	s10 =	sld [smem:$0x3FB1];
	_ =	sdelay $0x3  }
0x33: {  	p0 =	seq.s32 s10, $0x1;
	s10 =	sld [smem:$0x3FB3];
	_ =	sdelay $0x3  }
0x34: {  	[smem:$0x3FB3] =	sst s10  }
0x35: {  	s10 =	sld [smem:$0x3FB2];
	_ =	sdelay $0x3  }
0x36: {  	p1 =	seq.s32 s10, $0x1;
	s10 =	sld [smem:$0x3FB3];
	_ =	sdelay $0x3  }
0x37: {  	[smem:$0x3FB3] =	sst s10  }
0x38: {  	s10 =	sld [smem:$0x3FB4]  }
0x39: {  	_ = 	snop;
	(pc) =	sbr.ind lr, $3  }
0x3a: {  	_ = 	snop  }
0x3b: {  	_ = 	snop  }
0x3c: {  	p2 =	seq.s32 s10, $0x1;
	s10 =	sld [smem:$0x3FB3]  }
0x3d: {  	_ =	shalt  }
0x3e: {  	_ =	shalt  }
0x3f: {  	_ =	shalt  }
0x40: {  	_ =	shalt  }
0x41: {  	_ =	shalt  }
0x42: {  	_ =	shalt  }
0x43: {  	_ =	shalt  }
0x44: {  	_ =	shalt  }
0x45: {  	_ =	shalt  }
0x46: {  	_ =	shalt  }
0x47: {  	_ =	shalt  }
0x48: {  	_ =	shalt  }
0x49: {  	_ =	shalt  }
0x4a: {  	_ =	shalt  }
0x4b: {  	_ =	shalt  }
0x4c: {  	_ =	shalt  }
0x4d: {  	_ =	shalt  }
0x4e: {  	_ =	shalt  }
0x4f: {  	_ =	shalt  }
0x50: {  	_ =	shalt  }
0x51: {  	_ =	shalt  }
0x52: {  	_ =	shalt  }
0x53: {  	_ =	shalt  }
0x54: {  	_ =	shalt  }
0x55: {  	_ =	shalt  }
0x56: {  	_ =	shalt  }
0x57: {  	_ =	shalt  }
0x58: {  	_ =	shalt  }
0x59: {  	_ =	shalt  }
0x5a: {  	_ =	shalt  }
0x5b: {  	_ =	shalt  }
0x5c: {  	_ =	shalt  }
0x5d: {  	_ =	shalt  }
0x5e: {  	_ =	shalt  }
0x5f: {  	_ =	shalt  }
0x60: {  	_ =	shalt  }
0x61: {  	_ =	shalt  }
0x62: {  	_ =	shalt  }
0x63: {  	_ =	shalt  }
0x64: {  	_ =	shalt  }
0x65: {  	_ =	shalt  }
0x66: {  	_ =	shalt  }
0x67: {  	_ =	shalt  }
0x68: {  	_ =	shalt  }
0x69: {  	_ =	shalt  }
0x6a: {  	_ =	shalt  }
0x6b: {  	_ =	shalt  }
0x6c: {  	_ =	shalt  }
0x6d: {  	_ =	shalt  }
0x6e: {  	_ =	shalt  }
0x6f: {  	_ =	shalt  }
0x70: {  	_ =	shalt  }
0x71: {  	_ =	shalt  }
0x72: {  	_ =	shalt  }
0x73: {  	_ =	shalt  }
0x74: {  	_ =	shalt  }
0x75: {  	_ =	shalt  }
0x76: {  	_ =	shalt  }
0x77: {  	_ =	shalt  }
0x78: {  	_ =	shalt  }
0x79: {  	_ =	shalt  }
0x7a: {  	_ =	shalt  }
0x7b: {  	_ =	shalt  }
0x7c: {  	_ =	shalt  }
0x7d: {  	_ =	shalt  }
0x7e: {  	_ =	shalt  }
0x7f: {  	_ =	shalt  }
0x80: {  	_ =	shalt  }
0x81: {  	_ =	shalt  }
0x82: {  	_ =	shalt  }
0x83: {  	_ =	shalt  }
0x84: {  	_ =	shalt  }
0x85: {  	_ =	shalt  }
0x86: {  	_ =	shalt  }
0x87: {  	_ =	shalt  }
.Lfunc_end0:
.L_simem_size_0:
called_computation_lowered:
.L_overlay_start_0:
0x88: {  	s2 =	sld [smem:$0x3FD9]  }
0x89: {  	s3 =	sld [smem:$0x3FFE];
	_ =	sdelay $0x1  }
0x8a: {  	s1 =	srdreg.scid  }
0x8b: {  	s0 =	sand.u32 $0x1, s1  }
0x8c: {  	s14 =	sshll.u32 s0, $0xA;
	s2 =	sadd.s32 s3, s2  }
0x8d: {  	s2 =	sadd.s32 s2, s14  }
0x8e: {  	[smem:$0x3FBF] =	sst s2  }
0x8f: {  	_ = 	snop  }
0x90: {  	s2 =	sld [smem:$0x3FD0];
	_ =	sdelay $0x1  }
0x91: {  	s15 =	sld [smem:$0x3FC7]  }
0x92: {  	s5 =	simm.s32 $0xA;
	s6 =	simm.s32 $0x10;
	s4 =	sld [smem:$0x3FC5]  }
0x93: {  	[smem:s6], [sflag:s5] =	dma.local [hbm:s2], $0x1  }
0x94: {  	_ =	swait.eq [sflag:s5], $0x1  }
0x95: {  	s16 =	sld [smem:$0x10];
	[sflag:s5] =	ssyncset.done $0x0  }
0x96: {  	s17 =	sld [smem:$0x11];
	[sflag:s5] =	ssyncadd.s32 $0xFFFFFFFF  }
0x97: {  	s18 =	sld [smem:$0x12];
	(tm) =	ssettm $0x1  }
0x98: {  	s7 =	sld [smem:$0x3FFB];
	_ =	sdelay $0x3  }
0x99: {  	_ =	strace s7  }
0x9a: {  	s7 =	sld [smem:$0x3FFC];
	_ =	sdelay $0x3  }
0x9b: {  	_ =	strace s7  }
0x9c: {  	s7 =	sld [smem:$0x3FFD];
	_ =	sdelay $0x3  }
0x9d: {  	_ =	strace s7  }
0x9e: {  	_ =	strace $0x8FFFFFFF  }
0x9f: {  	s19 =	sld [smem:$0x3FDB];
	_ =	sdelay $0x1  }
0xa0: {  	s8 =	simm.s32 $_scs_section_size  }
0xa1: {  	s9 =	simm.s32 $_size__tile_overlayer_lowered;
	s10 =	simm.s32 $_tile_overlayer_lowered  }
0xa2: {  	s22 =	simm.s32 $0x1BFF;
	s21 =	sshll.u32 s10, $0x1;
	s7 =	sadd.s32 s8, s19  }
0xa3: {  	s11 =	simm.s32 $0x0;
	s20 =	sshll.u32 s9, $0x1;
	s9 =	sadd.s32 s21, s7  }
0xa4: {  	[timem:s11], [sflag:s22] =	dma.local [hbm:s9], s20  }
0xa5: {  	_ =	swait.ge [sflag:s22], s20  }
0xa6: {  	s8 =	ssub.s32 $0x0, s20;
	[sflag:s22] =	ssyncset.done $0x0  }
0xa7: {  	[sflag:s22] =	ssyncadd.s32 s8;
	_ =	sdelay $0x1  }
0xa8: {  	s23 =	simm.s32 $0x1B8B  }
0xa9: {  	_ =	swait.ge [sflag:s23], $0x1  }
0xaa: {  	[sflag:s23] =	ssyncset.done $0x0  }
0xab: {  	s25 =	simm.s32 $0x1B8E;
	s24 =	sld [smem:$0x3FFE];
	[sflag:s23] =	ssyncadd.s32 $0xFFFFFFFF  }
0xac: {  	s26 =	simm.s32 $execute0_lowered;
	[smem:$0x3FD2] =	sst s25  }
0xad: {  	s9 =	sshll.u32 s26, $0x1;
	_ =	strace $0x80000046;
	[dreg:$0x1] =	wrdreg $0xFFFFFFFF  }
0xae: {  	s28 =	simm.s32 $_size_execute0_lowered;
	s7 =	sadd.s32 s7, s9;
	[dreg:$0x0] =	wrdreg $0x0  }
0xaf: {  	s9 =	sshll.u32 s28, $0x1;
	[dreg:$0x2] =	wrdreg s7  }
0xb0: {  	[dreg:$0x3] =	wrdreg s9  }
0xb1: {  	[dreg:$0x4] =	wrdreg $0xC0  }
0xb2: {  	_ =	task [dreg:s11], $0x5FFFF  }
0xb3: {  	[dreg:$0x1] =	wrdreg $0xFFFFFFFF  }
0xb4: {  	[dreg:$0x0] =	wrdreg $0x60  }
0xb5: {  	[dreg:$0x2] =	wrdreg s24  }
0xb6: {  	[dreg:$0x3] =	wrdreg s18  }
0xb7: {  	[dreg:$0x4] =	wrdreg s4  }
0xb8: {  	[dreg:$0x5] =	wrdreg s15  }
0xb9: {  	[dreg:$0x6] =	wrdreg s16  }
0xba: {  	[dreg:$0x7] =	wrdreg s17  }
0xbb: {  	[dreg:$0x8] =	wrdreg $0x9  }
0xbc: {  	_ =	task.clear_ibuf [dreg:s11], $0x9FFFF;
	_ =	strace $0x90000046  }
0xbd: {  	s29 =	simm.s32 $0x9;
	_ =	strace $0x80000048  }
0xbe: {  	_ =	swait.ge [sflag:s29], $0x1  }
0xbf: {  	[sflag:s29] =	ssyncadd.s32 $0xFFFFFFFF  }
0xc0: {  	_ =	strace $0x90000048  }
0xc1: {  	_ =	sfence  }
0xc2: {  	s30 =	sld [smem:$0x0];
	_ =	sdelay $0x2  }
0xc3: {  	s31 =	sshll.u32 s1, $0xD;
	s1 =	sshrl.u32 s1, $0x2  }
0xc4: {  	s3 =	sand.u32 $0x4000, s31;
	s1 =	sadd.s32 s1, s30  }
0xc5: {  	s0 =	sor.u32 s3, s0;
	s1 =	sshll.u32 s1, $0x11  }
0xc6: {  	s0 =	sor.u32 s1, s0  }
0xc7: {  	s0 =	sadd.s32 $0x8F2B, s0  }
0xc8: {  	[sflag:s0] =	ssyncadd.remote.s32 $0x1  }
0xc9: {  	_ =	sfence.sel $0xFFFF  }
0xca: {  	[dreg:$0x0] =	wrdreg $0xFFFFFFFF;
	(pc) =	sbr.abs _section_cstart, $3  }
0xcb: {  	[dreg:$0x1] =	wrdreg $0xFFFFFFFF  }
0xcc: {  	_ =	task.clear_ibuf [dreg:s11], $0x2FFFF;
	_ =	strace $0x9FFFFFFF  }
0xcd: {  	(tm) =	ssettm $0x7FFFFFFF  }
tec
execute0_lowered:
.L_overlay_start_1:
0x0: {  	(tag) =	ssettag $0x1  }
0x1: {  	s17 =	rddreg [dreg:$0x0]  }
0x2: {  	s1 =	rddreg [dreg:$0x1]  }
0x3: {  	s2 =	rddreg [dreg:$0x2];
	s4 =	srdreg.scid  }
0x4: {  	s3 =	rddreg [dreg:$0x3];
	s0 =	stileid.u32;
	s18 =	sand.u32 $0x1, s4  }
0x5: {  	s15 =	rddreg [dreg:$0x4];
	s30 =	sshll.u32 s0, $0x6;
	s5 =	sshll.u32 s18, $0x5  }
0x6: {  	s19 =	rddreg [dreg:$0x5];
	s16 =	sor.u32 s5, s30  }
0x7: {  	s4 =	rddreg [dreg:$0x6];
	s5 =	simm.s32 $0x0;
	s6 =	sshrl.u32 s16, $0x3  }
0x8: {  	[smem:$0x7FF] =	sst s5;
	s10 =	sadd.s32 s6, s17  }
0x9: {  	_ =	strace $0x80000047;
	s6 =	simm.s32 $0x2;
	s7 =	sadd.s32 $0x2200, s10  }
0xa: {  	[tilespmem:s5], [sflag:$0x2] =	stream.linear.gather [hbm4b:s7+s5], $0x20, $0x38;
	[tilespmem:$0x3180] =	vst v63  }
0xb: {  	_ =	swait.ge [sflag:s6], $0x20  }
0xc: {  	[sflag:s6] =	ssyncset.done $0x0  }
0xd: {  	s9 =	simm.s32 $0x80;
	s8 =	sadd.s32 $0x2000, s10;
	[sflag:s6] =	ssyncadd.s32 $0xFFFFFFE0  }
0xe: {  	[tilespmem:s9], [sflag:$0x2] =	stream.linear.gather [hbm4b:s8+s5], $0x20, $0x38;
	[tilespmem:$0x3180] =	vst v63  }
0xf: {  	_ =	swait.ge [sflag:s6], $0x20  }
0x10: {  	[sflag:s6] =	ssyncset.done $0x0  }
0x11: {  	s11 =	simm.s32 $0x100;
	s10 =	sadd.s32 $0x1E00, s10;
	[sflag:s6] =	ssyncadd.s32 $0xFFFFFFE0  }
0x12: {  	[tilespmem:s11], [sflag:$0x2] =	stream.linear.gather [hbm4b:s10+s5], $0x20, $0x38;
	[tilespmem:$0x3180] =	vst v63  }
0x13: {  	_ =	swait.ge [sflag:s6], $0x20  }
0x14: {  	s12 =	simm.s32 $0x20;
	[sflag:s6] =	ssyncset.done $0x0  }
0x15: {  	s13 =	simm.s32 $0x180;
	s14 =	simm.s32 $0x1;
	[sflag:s6] =	ssyncadd.s32 $0xFFFFFFE0  }
0x16: {  	[tilespmem:s13], [sflag:$0x1] =	stream.indirect.gather [hbm4b:s1+s12], $0x80, s5, s12, $0xb8;
	[tilespmem:$0x3180] =	vst v63  }
0x17: {  	_ =	swait.ge [sflag:s14], $0x1000  }
0x18: {  	s20 =	sshll.u32 s16, $0x4;
	[sflag:s14] =	ssyncset.done $0x0  }
0x19: {  	s15 =	sadd.s32 s15, s20;
	[sflag:s14] =	ssyncadd.s32 $0xFFFFF000  }
0x1a: {  	[hbm4b:s15+s5] =	stream.linear.scatter [tilespmem:s13], [sflag:$0x2], $0x1000, $0x38;
	[tilespmem:$0x3180] =	vst v63  }
0x1b: {  	_ =	swait.ge [sflag:s6], $0x1000  }
0x1c: {  	[sflag:s6] =	ssyncset.done $0x0  }
0x1d: {  	s16 =	simm.s32 $0x1180;
	[sflag:s6] =	ssyncadd.s32 $0xFFFFF000  }
0x1e: {  	[tilespmem:s16], [sflag:$0x1] =	stream.indirect.gather [hbm4b:s2+s12], $0x80, s9, s12, $0xb8;
	[tilespmem:$0x3180] =	vst v63  }
0x1f: {  	_ =	swait.ge [sflag:s14], $0x1000  }
0x20: {  	s17 =	sadd.s32 s20, s17;
	[sflag:s14] =	ssyncset.done $0x0  }
0x21: {  	s21 =	ssub.s32 $0x2, s18;
	s17 =	sadd.s32 $0x2400, s17;
	[sflag:s14] =	ssyncadd.s32 $0xFFFFF000  }
0x22: {  	[hbm4b:s17+s5] =	stream.linear.scatter [tilespmem:s16], [sflag:$0x2], $0x1000, $0x38;
	[tilespmem:$0x3180] =	vst v63  }
0x23: {  	s22 =	sshrl.u32 s21, $0x1;
	_ =	swait.ge [sflag:s6], $0x1000  }
0x24: {  	s21 =	ssub.s32 s21, s22;
	[sflag:s6] =	ssyncset.done $0x0  }
0x25: {  	s18 =	simm.s32 $0x2180;
	s31 =	smax.u32 s21, $0x1;
	[sflag:s6] =	ssyncadd.s32 $0xFFFFF000  }
0x26: {  	[tilespmem:s18], [sflag:$0x1] =	stream.indirect.gather [hbm4b:s3+s12], $0x80, s11, s12, $0xb8;
	[tilespmem:$0x3180] =	vst v63  }
0x27: {  	p0 =	sne.s32 s31, $0x1;
	_ =	swait.ge [sflag:s14], $0x1000  }
.Ltmp0:
0x28: {  	[sflag:s14] =	ssyncset.done $0x0;
	(pc) =	sbr.rel @!p0 .LBB2_2-.Ltmp0, $4  }
0x29: {  	s19 =	sadd.s32 s19, s20;
	[sflag:s14] =	ssyncadd.s32 $0xFFFFF000  }
0x2a: {  	[hbm4b:s19+s5] =	stream.linear.scatter [tilespmem:s18], [sflag:$0x2], $0x1000, $0x38;
	[tilespmem:$0x3180] =	vst v63  }
0x2b: {  	_ =	swait.ge [sflag:s6], $0x1000  }
0x2c: {  	s20 =	sadd.s32 $0xFFFFFFFF, s31;
	[sflag:s6] =	ssyncset.done $0x0  }
.LBB2_1:
0x2d: {  	p0 =	sne.s32 s20, $0x1;
	s20 =	sadd.s32 $0xFFFFFFFF, s20;
	[sflag:s6] =	ssyncadd.s32 $0xFFFFF000  }
0x2e: {  	[tilespmem:s5], [sflag:$0x2] =	stream.linear.gather [hbm4b:s7+s5], $0x20, $0x38;
	[tilespmem:$0x3180] =	vst v63  }
0x2f: {  	_ =	swait.ge [sflag:s6], $0x20  }
0x30: {  	[sflag:s6] =	ssyncset.done $0x0  }
0x31: {  	[sflag:s6] =	ssyncadd.s32 $0xFFFFFFE0  }
0x32: {  	[tilespmem:s9], [sflag:$0x2] =	stream.linear.gather [hbm4b:s8+s5], $0x20, $0x38;
	[tilespmem:$0x3180] =	vst v63  }
0x33: {  	_ =	swait.ge [sflag:s6], $0x20  }
0x34: {  	[sflag:s6] =	ssyncset.done $0x0  }
0x35: {  	[sflag:s6] =	ssyncadd.s32 $0xFFFFFFE0  }
0x36: {  	[tilespmem:s11], [sflag:$0x2] =	stream.linear.gather [hbm4b:s10+s5], $0x20, $0x38;
	[tilespmem:$0x3180] =	vst v63  }
0x37: {  	_ =	swait.ge [sflag:s6], $0x20  }
0x38: {  	[sflag:s6] =	ssyncset.done $0x0  }
0x39: {  	[sflag:s6] =	ssyncadd.s32 $0xFFFFFFE0  }
0x3a: {  	[tilespmem:s13], [sflag:$0x1] =	stream.indirect.gather [hbm4b:s1+s12], $0x80, s5, s12, $0xb8;
	[tilespmem:$0x3180] =	vst v63  }
0x3b: {  	_ =	swait.ge [sflag:s14], $0x1000  }
0x3c: {  	[sflag:s14] =	ssyncset.done $0x0  }
0x3d: {  	[sflag:s14] =	ssyncadd.s32 $0xFFFFF000  }
0x3e: {  	[hbm4b:s15+s5] =	stream.linear.scatter [tilespmem:s13], [sflag:$0x2], $0x1000, $0x38;
	[tilespmem:$0x3180] =	vst v63  }
0x3f: {  	_ =	swait.ge [sflag:s6], $0x1000  }
0x40: {  	[sflag:s6] =	ssyncset.done $0x0  }
0x41: {  	[sflag:s6] =	ssyncadd.s32 $0xFFFFF000  }
0x42: {  	[tilespmem:s16], [sflag:$0x1] =	stream.indirect.gather [hbm4b:s2+s12], $0x80, s9, s12, $0xb8;
	[tilespmem:$0x3180] =	vst v63  }
0x43: {  	_ =	swait.ge [sflag:s14], $0x1000  }
0x44: {  	[sflag:s14] =	ssyncset.done $0x0  }
0x45: {  	[sflag:s14] =	ssyncadd.s32 $0xFFFFF000  }
0x46: {  	[hbm4b:s17+s5] =	stream.linear.scatter [tilespmem:s16], [sflag:$0x2], $0x1000, $0x38;
	[tilespmem:$0x3180] =	vst v63  }
0x47: {  	_ =	swait.ge [sflag:s6], $0x1000  }
0x48: {  	[sflag:s6] =	ssyncset.done $0x0  }
0x49: {  	[sflag:s6] =	ssyncadd.s32 $0xFFFFF000  }
0x4a: {  	[tilespmem:s18], [sflag:$0x1] =	stream.indirect.gather [hbm4b:s3+s12], $0x80, s11, s12, $0xb8;
	[tilespmem:$0x3180] =	vst v63  }
0x4b: {  	_ =	swait.ge [sflag:s14], $0x1000  }
.Ltmp1:
0x4c: {  	[sflag:s14] =	ssyncset.done $0x0;
	(pc) =	sbr.rel @p0 .LBB2_1-.Ltmp1, $4  }
0x4d: {  	[sflag:s14] =	ssyncadd.s32 $0xFFFFF000  }
0x4e: {  	[hbm4b:s19+s5] =	stream.linear.scatter [tilespmem:s18], [sflag:$0x2], $0x1000, $0x38;
	[tilespmem:$0x3180] =	vst v63  }
0x4f: {  	_ =	swait.ge [sflag:s6], $0x1000  }
0x50: {  	[sflag:s6] =	ssyncset.done $0x0  }
.LBB2_2:
0x51: {  	[sflag:s6] =	ssyncadd.s32 $0xFFFFF000  }
0x52: {  	_ =	sfence.sel $0x180000  }
0x53: {  	[bflag:$0x0] =	sbarrier.arrive $0xFFFF  }
0x54: {  	p0 =	sne.s32 s0, $0x0;
	_ =	strace $0x90000047  }
0x55: {  	s0 =	sadd.s32 @!p0 $0x100000, s4;
	[bflag:$0x2] =	sbarrier.arrive $0xFFFF  }
0x56: {  	[sflag:s0] =	ssyncadd.tile.s32 @!p0 $0x1;
	_ =	shalt  }
.Lfunc_end2:
_tile_overlayer_lowered:
.L_overlay_start_2:
0x57: {  	(tag) =	ssettag $0x2  }
0x58: {  	s0 =	rddreg [dreg:$0x0];
	s2 =	stileid.u32  }
0x59: {  	s1 =	rddreg [dreg:$0x1];
	p0 =	sne.s32 s2, $0x0  }
0x5a: {  	s3 =	rddreg [dreg:$0x2];
	[bflag:$0x3] =	sbarrier.arrive $0xFFFF;
	s2 =	simm.s32 @!p0 $0x1C02  }
0x5b: {  	[timem:s3], [sflag:s2] =	dma.local @!p0 [hbm:s0], s1  }
0x5c: {  	s0 =	simm.s32 @!p0 $0x2  }
0x5d: {  	_ =	swait.ge @!p0 [sflag:s0], s1  }
0x5e: {  	s1 =	ssub.s32 @!p0 $0x0, s1;
	[sflag:s0] =	ssyncset.done @!p0 $0x0  }
0x5f: {  	[sflag:s0] =	ssyncadd.s32 @!p0 s1  }
0x60: {  	[bflag:$0x3] =	sbarrier.arrive $0xFFFF  }
0x61: {  	_ =	shalt  }

// kernel: kernel.9.cloned.1.call-start
scs
__scs_entry_jumppad:
0x0: {  	(pc) =	sbr.rel $0x88, $3  }
0x1: {  	(tag) =	ssettag $0x0;
	lr =	simm.s32 $0x1  }
0x2: {  	[smem:$0x3F98] =	sst lr;
	_ =	strace $0xD0000000  }
0x3: {  	_ = 	snop  }
0x4: {  	_ = 	snop  }
0x5: {  	_ = 	snop  }
0x6: {  	_ = 	snop  }
0x7: {  	_ = 	snop  }
__scs_overlays_trampoline_lowered:
0x8: {  	[smem:$0x3FA7] =	sst s0  }
0x9: {  	[smem:$0x3FA8] =	sst s1  }
0xa: {  	[smem:$0x3FA9] =	sst s2  }
0xb: {  	[smem:$0x3FAA] =	sst s3  }
0xc: {  	[smem:$0x3FAB] =	sst s4  }
0xd: {  	[smem:$0x3FAC] =	sst s5  }
0xe: {  	[smem:$0x3FAD] =	sst s6  }
0xf: {  	[smem:$0x3FAE] =	sst s7  }
0x10: {  	[smem:$0x3FAF] =	sst s8  }
0x11: {  	[smem:$0x3FB0] =	sst s9;
	s0 =	simm.s32 @!p0 $0x0  }
0x12: {  	s1 =	sld [smem:$0x3F96];
	s0 =	simm.s32 @p0 $0x1  }
0x13: {  	[smem:$0x3FB1] =	sst s0;
	s0 =	simm.s32 @!p1 $0x0  }
0x14: {  	s2 =	sld [smem:$0x3F95];
	s0 =	simm.s32 @p1 $0x1  }
0x15: {  	[smem:$0x3FB2] =	sst s0;
	s0 =	simm.s32 @!p2 $0x0  }
0x16: {  	s3 =	sld [smem:$0x3FDB];
	s0 =	simm.s32 @p2 $0x1  }
0x17: {  	s4 =	simm.s32 $0x1BF5;
	[smem:$0x3FB4] =	sst s0  }
0x18: {  	s0 =	sld [smem:$0x3F97];
	_ =	swait.ge [sflag:s4], $0x0  }
0x19: {  	s7 =	sld [smem:$0x3F98]  }
0x1a: {  	s8 =	sadd.s32 $0xFFFFE003, lr  }
0x1b: {  	s9 =	sadd.s32 $0xFFFFFEF7, lr;
	s5 =	simm.s32 $0xFFFFFFFF;
	p2 =	slt.u32 s8, $0xFFFFF086  }
0x1c: {  	p1 =	slt.u32 s9, $0xF7A;
	s5 =	simm.s32 @!p2 $0x0  }
0x1d: {  	s5 =	simm.s32 @p1 $0x1;
	p0 =	seq.s32 s7, s2  }
0x1e: {  	s7 =	smul.u32 @!p0 $0xF7A, s2;
	p2 =	seq.s32 @!p0 s5, $0x0  }
0x1f: {  	s9 =	smul.u32 $0xF7A, s1;
	s8 =	simm.s32 @!p0 $0x1BF5;
	p2 =	por !p2, p0  }
0x20: {  	[sflag:s8] =	ssyncset.s32 @!p0 $0xFFFFF086;
	s6 =	sadd.s32 @!p0 s3, s7;
	s7 =	simm.s32 @!p0 $0x108  }
0x21: {  	s3 =	sadd.s32 s3, s9;
	s6 =	sadd.s32 @!p0 $0x88, s6;
	s7 =	simm.s32 @p2 $0x1082  }
0x22: {  	[simem:s7], [sflag:s8] =	dma.local @!p0 [hbm:s6], $0xF7A  }
0x23: {  	s9 =	sor.u32 $0xD0000000, s2;
	s6 =	simm.s32 $0x108;
	_ =	swait.ge @!p0 [sflag:s8], $0x0  }
0x24: {  	s3 =	sadd.s32 $0x88, s3;
	s6 =	simm.s32 @!p1 $0x1082;
	[sflag:s4] =	ssyncset.s32 $0xFFFFF086  }
0x25: {  	[simem:s6], [sflag:s4] =	dma.local [hbm:s3], $0xF7A  }
0x26: {  	[smem:$0x3F98] =	sst s1;
	(tag) =	ssettag s2;
	_ =	strace s9  }
0x27: {  	s1 =	sld [smem:$0x3FA8]  }
0x28: {  	s2 =	sld [smem:$0x3FA9]  }
0x29: {  	s4 =	sld [smem:$0x3FAB]  }
0x2a: {  	p0 =	seq.s32 s5, $0x0;
	s5 =	sld [smem:$0x3FAC]  }
0x2b: {  	s6 =	sld [smem:$0x3FAD]  }
0x2c: {  	s7 =	sld [smem:$0x3FAE]  }
0x2d: {  	s3 =	simm.s32 $0x108;
	s8 =	sld [smem:$0x3FAF]  }
0x2e: {  	s3 =	simm.s32 @!p0 $0x1082;
	s9 =	sld [smem:$0x3FB0]  }
0x2f: {  	lr =	sadd.s32 s0, s3;
	s0 =	sld [smem:$0x3FA7]  }
0x30: {  	s3 =	sld [smem:$0x3FAA]  }
0x31: {  	[smem:$0x3FB3] =	sst s10  }
0x32: {  	s10 =	sld [smem:$0x3FB1];
	_ =	sdelay $0x3  }
0x33: {  	p0 =	seq.s32 s10, $0x1;
	s10 =	sld [smem:$0x3FB3];
	_ =	sdelay $0x3  }
0x34: {  	[smem:$0x3FB3] =	sst s10  }
0x35: {  	s10 =	sld [smem:$0x3FB2];
	_ =	sdelay $0x3  }
0x36: {  	p1 =	seq.s32 s10, $0x1;
	s10 =	sld [smem:$0x3FB3];
	_ =	sdelay $0x3  }
0x37: {  	[smem:$0x3FB3] =	sst s10  }
0x38: {  	s10 =	sld [smem:$0x3FB4]  }
0x39: {  	_ = 	snop;
	(pc) =	sbr.ind lr, $3  }
0x3a: {  	_ = 	snop  }
0x3b: {  	_ = 	snop  }
0x3c: {  	p2 =	seq.s32 s10, $0x1;
	s10 =	sld [smem:$0x3FB3]  }
0x3d: {  	_ =	shalt  }
0x3e: {  	_ =	shalt  }
0x3f: {  	_ =	shalt  }
0x40: {  	_ =	shalt  }
0x41: {  	_ =	shalt  }
0x42: {  	_ =	shalt  }
0x43: {  	_ =	shalt  }
0x44: {  	_ =	shalt  }
0x45: {  	_ =	shalt  }
0x46: {  	_ =	shalt  }
0x47: {  	_ =	shalt  }
0x48: {  	_ =	shalt  }
0x49: {  	_ =	shalt  }
0x4a: {  	_ =	shalt  }
0x4b: {  	_ =	shalt  }
0x4c: {  	_ =	shalt  }
0x4d: {  	_ =	shalt  }
0x4e: {  	_ =	shalt  }
0x4f: {  	_ =	shalt  }
0x50: {  	_ =	shalt  }
0x51: {  	_ =	shalt  }
0x52: {  	_ =	shalt  }
0x53: {  	_ =	shalt  }
0x54: {  	_ =	shalt  }
0x55: {  	_ =	shalt  }
0x56: {  	_ =	shalt  }
0x57: {  	_ =	shalt  }
0x58: {  	_ =	shalt  }
0x59: {  	_ =	shalt  }
0x5a: {  	_ =	shalt  }
0x5b: {  	_ =	shalt  }
0x5c: {  	_ =	shalt  }
0x5d: {  	_ =	shalt  }
0x5e: {  	_ =	shalt  }
0x5f: {  	_ =	shalt  }
0x60: {  	_ =	shalt  }
0x61: {  	_ =	shalt  }
0x62: {  	_ =	shalt  }
0x63: {  	_ =	shalt  }
0x64: {  	_ =	shalt  }
0x65: {  	_ =	shalt  }
0x66: {  	_ =	shalt  }
0x67: {  	_ =	shalt  }
0x68: {  	_ =	shalt  }
0x69: {  	_ =	shalt  }
0x6a: {  	_ =	shalt  }
0x6b: {  	_ =	shalt  }
0x6c: {  	_ =	shalt  }
0x6d: {  	_ =	shalt  }
0x6e: {  	_ =	shalt  }
0x6f: {  	_ =	shalt  }
0x70: {  	_ =	shalt  }
0x71: {  	_ =	shalt  }
0x72: {  	_ =	shalt  }
0x73: {  	_ =	shalt  }
0x74: {  	_ =	shalt  }
0x75: {  	_ =	shalt  }
0x76: {  	_ =	shalt  }
0x77: {  	_ =	shalt  }
0x78: {  	_ =	shalt  }
0x79: {  	_ =	shalt  }
0x7a: {  	_ =	shalt  }
0x7b: {  	_ =	shalt  }
0x7c: {  	_ =	shalt  }
0x7d: {  	_ =	shalt  }
0x7e: {  	_ =	shalt  }
0x7f: {  	_ =	shalt  }
0x80: {  	_ =	shalt  }
0x81: {  	_ =	shalt  }
0x82: {  	_ =	shalt  }
0x83: {  	_ =	shalt  }
0x84: {  	_ =	shalt  }
0x85: {  	_ =	shalt  }
0x86: {  	_ =	shalt  }
0x87: {  	_ =	shalt  }
.Lfunc_end0:
.L_simem_size_0:
called_computation.1_lowered:
.L_overlay_start_0:
0x88: {  	s2 =	sld [smem:$0x3FD9]  }
0x89: {  	s3 =	sld [smem:$0x3FFE];
	_ =	sdelay $0x1  }
0x8a: {  	s1 =	srdreg.scid  }
0x8b: {  	s0 =	sand.u32 $0x1, s1  }
0x8c: {  	s14 =	sshll.u32 s0, $0xA;
	s2 =	sadd.s32 s3, s2  }
0x8d: {  	s2 =	sadd.s32 s2, s14  }
0x8e: {  	[smem:$0x3FBF] =	sst s2  }
0x8f: {  	_ = 	snop  }
0x90: {  	s2 =	sld [smem:$0x3FD0];
	_ =	sdelay $0x2  }
0x91: {  	s4 =	simm.s32 $0xA;
	s5 =	simm.s32 $0x10;
	s15 =	sld [smem:$0x3FC8]  }
0x92: {  	[smem:s5], [sflag:s4] =	dma.local [hbm:s2], $0x1  }
0x93: {  	_ =	swait.eq [sflag:s4], $0x1  }
0x94: {  	[sflag:s4] =	ssyncset.done $0x0  }
0x95: {  	[sflag:s4] =	ssyncadd.s32 $0xFFFFFFFF  }
0x96: {  	s16 =	sld [smem:$0x12];
	(tm) =	ssettm $0x1  }
0x97: {  	s17 =	sld [smem:$0x3FFB];
	_ =	sdelay $0x3  }
0x98: {  	_ =	strace s17  }
0x99: {  	s4 =	sld [smem:$0x3FFC];
	_ =	sdelay $0x3  }
0x9a: {  	_ =	strace s4  }
0x9b: {  	s4 =	sld [smem:$0x3FFD];
	_ =	sdelay $0x3  }
0x9c: {  	_ =	strace s4  }
0x9d: {  	_ =	strace $0x8FFFFFFF  }
0x9e: {  	s18 =	sld [smem:$0x3FDB];
	_ =	sdelay $0x1  }
0x9f: {  	s19 =	simm.s32 $_scs_section_size  }
0xa0: {  	s6 =	simm.s32 $_size__tile_overlayer_lowered;
	s7 =	simm.s32 $_tile_overlayer_lowered  }
0xa1: {  	s22 =	simm.s32 $0x1BFF;
	s21 =	sshll.u32 s7, $0x1;
	s4 =	sadd.s32 s19, s18  }
0xa2: {  	s8 =	simm.s32 $0x0;
	s20 =	sshll.u32 s6, $0x1;
	s6 =	sadd.s32 s21, s4  }
0xa3: {  	[timem:s8], [sflag:s22] =	dma.local [hbm:s6], s20  }
0xa4: {  	_ =	swait.ge [sflag:s22], s20  }
0xa5: {  	s5 =	ssub.s32 $0x0, s20;
	[sflag:s22] =	ssyncset.done $0x0  }
0xa6: {  	[sflag:s22] =	ssyncadd.s32 s5;
	_ =	sdelay $0x1  }
0xa7: {  	s23 =	simm.s32 $0x1B8B  }
0xa8: {  	_ =	swait.ge [sflag:s23], $0x1  }
0xa9: {  	[sflag:s23] =	ssyncset.done $0x0  }
0xaa: {  	s25 =	simm.s32 $0x1B8E;
	s24 =	sld [smem:$0x3FFE];
	[sflag:s23] =	ssyncadd.s32 $0xFFFFFFFF  }
0xab: {  	s26 =	simm.s32 $execute0_lowered;
	[smem:$0x3FD2] =	sst s25  }
0xac: {  	s6 =	sshll.u32 s26, $0x1;
	_ =	strace $0x80000049;
	[dreg:$0x1] =	wrdreg $0xFFFFFFFF  }
0xad: {  	s28 =	simm.s32 $_size_execute0_lowered;
	s4 =	sadd.s32 s4, s6;
	[dreg:$0x0] =	wrdreg $0x0  }
0xae: {  	s6 =	sshll.u32 s28, $0x1;
	[dreg:$0x2] =	wrdreg s4  }
0xaf: {  	[dreg:$0x3] =	wrdreg s6  }
0xb0: {  	[dreg:$0x4] =	wrdreg $0xC0  }
0xb1: {  	_ =	task [dreg:s8], $0x5FFFF  }
0xb2: {  	[dreg:$0x1] =	wrdreg $0xFFFFFFFF  }
0xb3: {  	[dreg:$0x0] =	wrdreg $0x60  }
0xb4: {  	[dreg:$0x2] =	wrdreg s24  }
0xb5: {  	[dreg:$0x3] =	wrdreg s15  }
0xb6: {  	[dreg:$0x4] =	wrdreg s16  }
0xb7: {  	[dreg:$0x5] =	wrdreg $0x9  }
0xb8: {  	_ =	task.clear_ibuf [dreg:s8], $0x6FFFF;
	_ =	strace $0x90000049  }
0xb9: {  	s29 =	simm.s32 $0x9;
	_ =	strace $0x8000004B  }
0xba: {  	_ =	swait.ge [sflag:s29], $0x1  }
0xbb: {  	[sflag:s29] =	ssyncadd.s32 $0xFFFFFFFF  }
0xbc: {  	_ =	strace $0x9000004B  }
0xbd: {  	_ =	sfence  }
0xbe: {  	s30 =	sld [smem:$0x0];
	_ =	sdelay $0x2  }
0xbf: {  	s31 =	sshll.u32 s1, $0xD;
	s1 =	sshrl.u32 s1, $0x2  }
0xc0: {  	s3 =	sand.u32 $0x4000, s31;
	s1 =	sadd.s32 s1, s30  }
0xc1: {  	s0 =	sor.u32 s3, s0;
	s1 =	sshll.u32 s1, $0x11  }
0xc2: {  	s0 =	sor.u32 s1, s0  }
0xc3: {  	s0 =	sadd.s32 $0x8F2B, s0  }
0xc4: {  	[sflag:s0] =	ssyncadd.remote.s32 $0x1  }
0xc5: {  	_ =	sfence.sel $0xFFFF  }
0xc6: {  	[dreg:$0x0] =	wrdreg $0xFFFFFFFF;
	(pc) =	sbr.abs _section_cstart, $3  }
0xc7: {  	[dreg:$0x1] =	wrdreg $0xFFFFFFFF  }
0xc8: {  	_ =	task.clear_ibuf [dreg:s8], $0x2FFFF;
	_ =	strace $0x9FFFFFFF  }
0xc9: {  	(tm) =	ssettm $0x7FFFFFFF  }
tec
execute0_lowered:
.L_overlay_start_1:
0x0: {  	(tag) =	ssettag $0x1  }
0x1: {  	s0 =	rddreg [dreg:$0x0]  }
0x2: {  	s1 =	rddreg [dreg:$0x1];
	s2 =	simm.s32 $0x0;
	s23 =	srdreg.scid  }
0x3: {  	s5 =	stileid.u32;
	[smem:$0x7FF] =	sst s2;
	s2 =	sand.u32 $0x1, s23  }
0x4: {  	s3 =	sadd.s32 $0x6400, s0;
	s0 =	sadd.s32 $0x406400, s0;
	s4 =	sshll.u32 s5, $0x6  }
0x5: {  	s5 =	sshrl.u32 s5, $0x2;
	_ =	strace $0x8000004A;
	[dreg:$0x14] =	wrdreg s3  }
0x6: {  	s24 =	ssub.s32 $0x2, s2;
	[dreg:$0x15] =	wrdreg s0;
	s7 =	sshll.u32 s5, $0x8  }
0x7: {  	s2 =	sshll.u32 s2, $0x5;
	s30 =	sshll.u32 s5, $0x15;
	[dreg:$0x16] =	wrdreg s7  }
0x8: {  	s6 =	sshll.u32 s5, $0x5;
	s31 =	sshll.u32 s5, $0xD;
	[dreg:$0x1c] =	wrdreg s30  }
0x9: {  	s4 =	sand.u32 $0xC0, s4;
	s1 =	sadd.s32 s1, s6;
	[dreg:$0x1d] =	wrdreg s31  }
0xa: {  	s25 =	sshrl.u32 s24, $0x1;
	s4 =	sor.u32 s2, s4;
	[dreg:$0x18] =	wrdreg s1  }
0xb: {  	s26 =	sor.u32 s7, s4;
	[dreg:$0x17] =	wrdreg s4;
	s29 =	sor.u32 $0x1, s4  }
0xc: {  	v3 =	vlaneseq.u32;
	s0 =	ssub.s32 s24, s25;
	s1 =	sor.u32 $0x2, s26;
	[dreg:$0x1b] =	wrdreg s29  }
0xd: {  	vm0 =	vmmov $0xffff;
	v1 =	vand.u32 $0x7, v3;
	v2 =	vshrl.u32 v3, $0x3;
	s28 =	sshll.u32 s26, $0x7;
	s0 =	smax.u32 s0, $0x1;
	[dreg:$0x19] =	wrdreg s1  }
0xe: {  	v3 =	vor.u32 $0x8, v3;
	v2 =	vmul.u32 $0x8, v2;
	s4 =	simm.s32 $0x10200;
	[dreg:$0x1a] =	wrdreg s0;
	v0 =	vmov s28;
	s1 =	simm.s32 $0x0  }
.LBB2_1:
0xf: {  	[dreg:$0x1e] =	wrdreg s1  }
0x10: {  	s0 =	simm.s32 $0x0;
	s30 =	rddreg [dreg:$0x18];
	s31 =	simm.s32 $0x5  }
0x11: {  	[tilespmem:s0], [sflag:$0x5] =	stream.linear.gather [hbm4b:s30+s0], $0x100, $0x38;
	[tilespmem:$0x18200] =	vst v63  }
0x12: {  	_ =	swait.ge [sflag:s31], $0x100  }
0x13: {  	[sflag:s31] =	ssyncset.done $0x0  }
0x14: {  	p1 =	por $0x1, $0x1;
	s1 =	simm.s32 $0x0;
	[sflag:s31] =	ssyncadd.s32 $0xFFFFFF00  }
.LBB2_2:
0x15: {  	s0 =	sshll.u32 s1, $0xC;
	s2 =	rddreg [dreg:$0x1d]  }
0x16: {  	s3 =	rddreg [dreg:$0x15];
	s5 =	simm.s32 $0x0;
	s2 =	sor.u32 s2, s0  }
0x17: {  	s9 =	simm.s32 $0x200;
	s10 =	simm.s32 $0x5;
	s2 =	sadd.s32 s3, s2  }
0x18: {  	[tilespmem:s9], [sflag:$0x5] =	stream.linear.gather [hbm4b:s2+s5], $0x8000, $0x38;
	[tilespmem:$0x18200] =	vst v63  }
0x19: {  	_ =	swait.ge [sflag:s10], $0x8000  }
0x1a: {  	s11 =	sshll.u32 s1, $0x7;
	[sflag:s10] =	ssyncset.done $0x0  }
0x1b: {  	s1 =	sand.u32 $0x3FFFFF80, s11;
	[sflag:s10] =	ssyncadd.s32 $0xFFFF8000  }
0x1c: {  	v4 =	vld [tilespmem:s1+$0x0];
	_ =	sdelay $0x4  }
0x1d: {  	v5 =	vadd.s32 v0, v4  }
0x1e: {  	[tilespmem:$0x100] =	vst v5  }
0x1f: {  	v6 =	vld [tilespmem:s1+$0x10];
	_ =	sdelay $0x4  }
0x20: {  	v6 =	vadd.s32 v0, v6  }
0x21: {  	[tilespmem:$0x110] =	vst v6  }
0x22: {  	v6 =	vld [tilespmem:s1+$0x20];
	_ =	sdelay $0x4  }
0x23: {  	v6 =	vadd.s32 v0, v6  }
0x24: {  	[tilespmem:$0x120] =	vst v6  }
0x25: {  	v6 =	vld [tilespmem:s1+$0x30];
	_ =	sdelay $0x4  }
0x26: {  	v6 =	vadd.s32 v0, v6  }
0x27: {  	[tilespmem:$0x130] =	vst v6  }
0x28: {  	v6 =	vld [tilespmem:s1+$0x40];
	_ =	sdelay $0x4  }
0x29: {  	v6 =	vadd.s32 v0, v6  }
0x2a: {  	[tilespmem:$0x140] =	vst v6  }
0x2b: {  	v6 =	vld [tilespmem:s1+$0x50];
	_ =	sdelay $0x4  }
0x2c: {  	v6 =	vadd.s32 v0, v6  }
0x2d: {  	[tilespmem:$0x150] =	vst v6  }
0x2e: {  	v6 =	vld [tilespmem:s1+$0x60];
	_ =	sdelay $0x3  }
0x2f: {  	v5 =	vshll.u32 v5, $0x1  }
0x30: {  	v4 =	vand.u32 $0x7, v4;
	v5 =	vand.u32 $0xFFFFFFF0, v5;
	v6 =	vadd.s32 v0, v6  }
0x31: {  	v4 =	vor.u32 v4, v5;
	[tilespmem:$0x160] =	vst v6  }
0x32: {  	v63 =	vperm.xlane v4, v1;
	v5 =	vld [tilespmem:s1+$0x70];
	_ =	sdelay $0x1  }
0x33: {  	v4 =	vperm.xlane v4, v3;
	v6 =	vadd.s32 v2, v63;
	_ =	sdelay $0x1  }
0x34: {  	v4 =	vadd.s32 v2, v4  }
0x35: {  	v5 =	vadd.s32 v0, v5  }
0x36: {  	s13 =	simm.s32 $0x8200;
	s12 =	rddreg [dreg:$0x14];
	[tilespmem:$0x170] =	vst v5  }
0x37: {  	[tilespmem:s13], [sflag:$0x1] =	stream.indirect_vreg.gather [hbm4b:s12+s5], $0x80, v6, vm0, $0xb8;
	[tilespmem:$0x18200] =	vst v63  }
0x38: {  	s14 =	simm.s32 $0x8A00  }
0x39: {  	[tilespmem:s14], [sflag:$0x1] =	stream.indirect_vreg.gather [hbm4b:s12+s5], $0x80, v4, vm0, $0xb8;
	[tilespmem:$0x18200] =	vst v63  }
0x3a: {  	v4 =	vld [tilespmem:$0x110];
	_ =	sdelay $0x4  }
0x3b: {  	v5 =	vshll.u32 v4, $0x1  }
0x3c: {  	v4 =	vand.u32 $0x7, v4;
	v5 =	vand.u32 $0xFFFFFFF0, v5  }
0x3d: {  	v4 =	vor.u32 v4, v5  }
0x3e: {  	v5 =	vperm.xlane v4, v1;
	_ =	sdelay $0x1  }
0x3f: {  	v4 =	vperm.xlane v4, v3;
	v5 =	vadd.s32 v2, v5;
	_ =	sdelay $0x1  }
0x40: {  	v4 =	vadd.s32 v2, v4;
	_ =	sdelay $0x1  }
0x41: {  	s15 =	simm.s32 $0x9200  }
0x42: {  	[tilespmem:s15], [sflag:$0x1] =	stream.indirect_vreg.gather [hbm4b:s12+s5], $0x80, v5, vm0, $0xb8;
	[tilespmem:$0x18200] =	vst v63  }
0x43: {  	s16 =	simm.s32 $0x9A00  }
0x44: {  	[tilespmem:s16], [sflag:$0x1] =	stream.indirect_vreg.gather [hbm4b:s12+s5], $0x80, v4, vm0, $0xb8;
	[tilespmem:$0x18200] =	vst v63  }
0x45: {  	v4 =	vld [tilespmem:$0x120];
	_ =	sdelay $0x4  }
0x46: {  	v5 =	vshll.u32 v4, $0x1  }
0x47: {  	v4 =	vand.u32 $0x7, v4;
	v5 =	vand.u32 $0xFFFFFFF0, v5  }
0x48: {  	v4 =	vor.u32 v4, v5  }
0x49: {  	v5 =	vperm.xlane v4, v1;
	_ =	sdelay $0x1  }
0x4a: {  	v4 =	vperm.xlane v4, v3;
	v5 =	vadd.s32 v2, v5;
	_ =	sdelay $0x1  }
0x4b: {  	v4 =	vadd.s32 v2, v4;
	_ =	sdelay $0x1  }
0x4c: {  	s17 =	simm.s32 $0xA200  }
0x4d: {  	[tilespmem:s17], [sflag:$0x1] =	stream.indirect_vreg.gather [hbm4b:s12+s5], $0x80, v5, vm0, $0xb8;
	[tilespmem:$0x18200] =	vst v63  }
0x4e: {  	s18 =	simm.s32 $0xAA00  }
0x4f: {  	[tilespmem:s18], [sflag:$0x1] =	stream.indirect_vreg.gather [hbm4b:s12+s5], $0x80, v4, vm0, $0xb8;
	[tilespmem:$0x18200] =	vst v63  }
0x50: {  	v4 =	vld [tilespmem:$0x130];
	_ =	sdelay $0x4  }
0x51: {  	v5 =	vshll.u32 v4, $0x1  }
0x52: {  	v4 =	vand.u32 $0x7, v4;
	v5 =	vand.u32 $0xFFFFFFF0, v5  }
0x53: {  	v4 =	vor.u32 v4, v5  }
0x54: {  	v5 =	vperm.xlane v4, v1;
	_ =	sdelay $0x1  }
0x55: {  	v4 =	vperm.xlane v4, v3;
	v5 =	vadd.s32 v2, v5;
	_ =	sdelay $0x1  }
0x56: {  	v4 =	vadd.s32 v2, v4;
	_ =	sdelay $0x1  }
0x57: {  	s19 =	simm.s32 $0xB200  }
0x58: {  	[tilespmem:s19], [sflag:$0x1] =	stream.indirect_vreg.gather [hbm4b:s12+s5], $0x80, v5, vm0, $0xb8;
	[tilespmem:$0x18200] =	vst v63  }
0x59: {  	s20 =	simm.s32 $0xBA00  }
0x5a: {  	[tilespmem:s20], [sflag:$0x1] =	stream.indirect_vreg.gather [hbm4b:s12+s5], $0x80, v4, vm0, $0xb8;
	[tilespmem:$0x18200] =	vst v63  }
0x5b: {  	v4 =	vld [tilespmem:$0x140];
	_ =	sdelay $0x4  }
0x5c: {  	v5 =	vshll.u32 v4, $0x1  }
0x5d: {  	v4 =	vand.u32 $0x7, v4;
	v5 =	vand.u32 $0xFFFFFFF0, v5  }
0x5e: {  	v4 =	vor.u32 v4, v5  }
0x5f: {  	v5 =	vperm.xlane v4, v1;
	_ =	sdelay $0x1  }
0x60: {  	v4 =	vperm.xlane v4, v3;
	v5 =	vadd.s32 v2, v5;
	_ =	sdelay $0x1  }
0x61: {  	v4 =	vadd.s32 v2, v4;
	_ =	sdelay $0x1  }
0x62: {  	s21 =	simm.s32 $0xC200  }
0x63: {  	[tilespmem:s21], [sflag:$0x1] =	stream.indirect_vreg.gather [hbm4b:s12+s5], $0x80, v5, vm0, $0xb8;
	[tilespmem:$0x18200] =	vst v63  }
0x64: {  	s22 =	simm.s32 $0xCA00  }
0x65: {  	[tilespmem:s22], [sflag:$0x1] =	stream.indirect_vreg.gather [hbm4b:s12+s5], $0x80, v4, vm0, $0xb8;
	[tilespmem:$0x18200] =	vst v63  }
0x66: {  	v4 =	vld [tilespmem:$0x150];
	_ =	sdelay $0x4  }
0x67: {  	v5 =	vshll.u32 v4, $0x1  }
0x68: {  	v4 =	vand.u32 $0x7, v4;
	v5 =	vand.u32 $0xFFFFFFF0, v5  }
0x69: {  	v4 =	vor.u32 v4, v5  }
0x6a: {  	v5 =	vperm.xlane v4, v1;
	_ =	sdelay $0x1  }
0x6b: {  	v4 =	vperm.xlane v4, v3;
	v5 =	vadd.s32 v2, v5;
	_ =	sdelay $0x1  }
0x6c: {  	v4 =	vadd.s32 v2, v4;
	_ =	sdelay $0x1  }
0x6d: {  	s23 =	simm.s32 $0xD200  }
0x6e: {  	[tilespmem:s23], [sflag:$0x1] =	stream.indirect_vreg.gather [hbm4b:s12+s5], $0x80, v5, vm0, $0xb8;
	[tilespmem:$0x18200] =	vst v63  }
0x6f: {  	s24 =	simm.s32 $0xDA00  }
0x70: {  	[tilespmem:s24], [sflag:$0x1] =	stream.indirect_vreg.gather [hbm4b:s12+s5], $0x80, v4, vm0, $0xb8;
	[tilespmem:$0x18200] =	vst v63  }
0x71: {  	v4 =	vld [tilespmem:$0x160];
	_ =	sdelay $0x4  }
0x72: {  	v5 =	vshll.u32 v4, $0x1  }
0x73: {  	v4 =	vand.u32 $0x7, v4;
	v5 =	vand.u32 $0xFFFFFFF0, v5  }
0x74: {  	v4 =	vor.u32 v4, v5  }
0x75: {  	v5 =	vperm.xlane v4, v1;
	_ =	sdelay $0x1  }
0x76: {  	v4 =	vperm.xlane v4, v3;
	v5 =	vadd.s32 v2, v5;
	_ =	sdelay $0x1  }
0x77: {  	v4 =	vadd.s32 v2, v4;
	_ =	sdelay $0x1  }
0x78: {  	s25 =	simm.s32 $0xE200  }
0x79: {  	[tilespmem:s25], [sflag:$0x1] =	stream.indirect_vreg.gather [hbm4b:s12+s5], $0x80, v5, vm0, $0xb8;
	[tilespmem:$0x18200] =	vst v63  }
0x7a: {  	s26 =	simm.s32 $0xEA00  }
0x7b: {  	[tilespmem:s26], [sflag:$0x1] =	stream.indirect_vreg.gather [hbm4b:s12+s5], $0x80, v4, vm0, $0xb8;
	[tilespmem:$0x18200] =	vst v63  }
0x7c: {  	v4 =	vld [tilespmem:$0x170];
	_ =	sdelay $0x4  }
0x7d: {  	v5 =	vshll.u32 v4, $0x1  }
0x7e: {  	v4 =	vand.u32 $0x7, v4;
	v5 =	vand.u32 $0xFFFFFFF0, v5  }
0x7f: {  	v4 =	vor.u32 v4, v5  }
0x80: {  	v5 =	vperm.xlane v4, v1;
	_ =	sdelay $0x1  }
0x81: {  	v4 =	vperm.xlane v4, v3;
	v5 =	vadd.s32 v2, v5;
	_ =	sdelay $0x1  }
0x82: {  	s30 =	rddreg [dreg:$0x1c];
	v4 =	vadd.s32 v2, v4  }
0x83: {  	s28 =	simm.s32 $0xF200;
	s0 =	sor.u32 s0, s30;
	s31 =	rddreg [dreg:$0x2]  }
0x84: {  	s29 =	simm.s32 $0xFA00;
	[dreg:$0x1f] =	wrdreg s1;
	s0 =	sadd.s32 s31, s0  }
0x85: {  	[tilespmem:s28], [sflag:$0x1] =	stream.indirect_vreg.gather [hbm4b:s12+s5], $0x80, v5, vm0, $0xb8;
	[tilespmem:$0x18200] =	vst v63  }
0x86: {  	p0 =	por p1, p1;
	s2 =	simm.s32 $0x0;
	[smem:$0x7FD] =	sst s0  }
0x87: {  	[tilespmem:s29], [sflag:$0x1] =	stream.indirect_vreg.gather [hbm4b:s12+s5], $0x80, v4, vm0, $0xb8;
	[tilespmem:$0x18200] =	vst v63  }
.LBB2_3:
0x88: {  	p1 =	seq.s32 s2, $0x0  }
0x89: {  	s0 =	simm.s32 @!p1 $0x4  }
0x8a: {  	_ =	swait.ge @!p1 [sflag:s0], $0x8000  }
0x8b: {  	[sflag:s0] =	ssyncset.done @!p1 $0x0  }
0x8c: {  	s1 =	rddreg [dreg:$0x1f];
	[sflag:s0] =	ssyncadd.s32 @!p1 $0xFFFF8000  }
0x8d: {  	[smem:$0x7FA] =	sst s2;
	v4 =	vld [tilespmem:s1+$0x0]  }
0x8e: {  	s12 =	sshll.u32 s2, $0x1;
	s13 =	rddreg [dreg:$0x1b]  }
0x8f: {  	s14 =	rddreg [dreg:$0x16];
	s2 =	sor.u32 s13, s12  }
0x90: {  	s0 =	sadd.s32 s14, s2  }
0x91: {  	s0 =	sshll.u32 s0, $0x7  }
0x92: {  	v5 =	vadd.s32 s0, v4  }
0x93: {  	[tilespmem:$0x180] =	vst v5  }
0x94: {  	v6 =	vld [tilespmem:s1+$0x10];
	_ =	sdelay $0x4  }
0x95: {  	v6 =	vadd.s32 s0, v6  }
0x96: {  	[tilespmem:$0x190] =	vst v6  }
0x97: {  	v6 =	vld [tilespmem:s1+$0x20];
	_ =	sdelay $0x4  }
0x98: {  	v6 =	vadd.s32 s0, v6  }
0x99: {  	[tilespmem:$0x1A0] =	vst v6  }
0x9a: {  	v6 =	vld [tilespmem:s1+$0x30];
	_ =	sdelay $0x4  }
0x9b: {  	v6 =	vadd.s32 s0, v6  }
0x9c: {  	[tilespmem:$0x1B0] =	vst v6  }
0x9d: {  	v6 =	vld [tilespmem:s1+$0x40];
	_ =	sdelay $0x4  }
0x9e: {  	v6 =	vadd.s32 s0, v6  }
0x9f: {  	[tilespmem:$0x1C0] =	vst v6  }
0xa0: {  	v6 =	vld [tilespmem:s1+$0x50];
	_ =	sdelay $0x4  }
0xa1: {  	v6 =	vadd.s32 s0, v6  }
0xa2: {  	[tilespmem:$0x1D0] =	vst v6  }
0xa3: {  	v6 =	vld [tilespmem:s1+$0x60];
	_ =	sdelay $0x3  }
0xa4: {  	v5 =	vshll.u32 v5, $0x1  }
0xa5: {  	v4 =	vand.u32 $0x7, v4;
	v5 =	vand.u32 $0xFFFFFFF0, v5;
	v6 =	vadd.s32 s0, v6  }
0xa6: {  	v4 =	vor.u32 v4, v5;
	[tilespmem:$0x1E0] =	vst v6  }
0xa7: {  	v6 =	vperm.xlane v4, v1;
	v5 =	vld [tilespmem:s1+$0x70];
	_ =	sdelay $0x1  }
0xa8: {  	v4 =	vperm.xlane v4, v3;
	v6 =	vadd.s32 v2, v6;
	_ =	sdelay $0x1  }
0xa9: {  	v4 =	vadd.s32 v2, v4  }
0xaa: {  	v5 =	vadd.s32 s0, v5  }
0xab: {  	s3 =	simm.s32 $0x0;
	s15 =	rddreg [dreg:$0x14];
	[tilespmem:$0x1F0] =	vst v5  }
0xac: {  	[tilespmem:s4], [sflag:$0x2] =	stream.indirect_vreg.gather [hbm4b:s15+s3], $0x80, v6, vm0, $0xb8;
	[tilespmem:$0x18200] =	vst v63  }
0xad: {  	s16 =	simm.s32 $0x10A00  }
0xae: {  	[tilespmem:s16], [sflag:$0x2] =	stream.indirect_vreg.gather [hbm4b:s15+s3], $0x80, v4, vm0, $0xb8;
	[tilespmem:$0x18200] =	vst v63  }
0xaf: {  	v4 =	vld [tilespmem:$0x190];
	_ =	sdelay $0x4  }
0xb0: {  	v5 =	vshll.u32 v4, $0x1  }
0xb1: {  	v4 =	vand.u32 $0x7, v4;
	v5 =	vand.u32 $0xFFFFFFF0, v5  }
0xb2: {  	v4 =	vor.u32 v4, v5  }
0xb3: {  	v5 =	vperm.xlane v4, v1;
	_ =	sdelay $0x1  }
0xb4: {  	v4 =	vperm.xlane v4, v3;
	v5 =	vadd.s32 v2, v5;
	_ =	sdelay $0x1  }
0xb5: {  	v4 =	vadd.s32 v2, v4;
	_ =	sdelay $0x1  }
0xb6: {  	s17 =	simm.s32 $0x11200  }
0xb7: {  	[tilespmem:s17], [sflag:$0x2] =	stream.indirect_vreg.gather [hbm4b:s15+s3], $0x80, v5, vm0, $0xb8;
	[tilespmem:$0x18200] =	vst v63  }
0xb8: {  	s18 =	simm.s32 $0x11A00  }
0xb9: {  	[tilespmem:s18], [sflag:$0x2] =	stream.indirect_vreg.gather [hbm4b:s15+s3], $0x80, v4, vm0, $0xb8;
	[tilespmem:$0x18200] =	vst v63  }
0xba: {  	v4 =	vld [tilespmem:$0x1A0];
	_ =	sdelay $0x4  }
0xbb: {  	v5 =	vshll.u32 v4, $0x1  }
0xbc: {  	v4 =	vand.u32 $0x7, v4;
	v5 =	vand.u32 $0xFFFFFFF0, v5  }
0xbd: {  	v4 =	vor.u32 v4, v5  }
0xbe: {  	v5 =	vperm.xlane v4, v1;
	_ =	sdelay $0x1  }
0xbf: {  	v4 =	vperm.xlane v4, v3;
	v5 =	vadd.s32 v2, v5;
	_ =	sdelay $0x1  }
0xc0: {  	v4 =	vadd.s32 v2, v4;
	_ =	sdelay $0x1  }
0xc1: {  	s19 =	simm.s32 $0x12200  }
0xc2: {  	[tilespmem:s19], [sflag:$0x2] =	stream.indirect_vreg.gather [hbm4b:s15+s3], $0x80, v5, vm0, $0xb8;
	[tilespmem:$0x18200] =	vst v63  }
0xc3: {  	s20 =	simm.s32 $0x12A00  }
0xc4: {  	[tilespmem:s20], [sflag:$0x2] =	stream.indirect_vreg.gather [hbm4b:s15+s3], $0x80, v4, vm0, $0xb8;
	[tilespmem:$0x18200] =	vst v63  }
0xc5: {  	v4 =	vld [tilespmem:$0x1B0];
	_ =	sdelay $0x4  }
0xc6: {  	v5 =	vshll.u32 v4, $0x1  }
0xc7: {  	v4 =	vand.u32 $0x7, v4;
	v5 =	vand.u32 $0xFFFFFFF0, v5  }
0xc8: {  	v4 =	vor.u32 v4, v5  }
0xc9: {  	v5 =	vperm.xlane v4, v1;
	_ =	sdelay $0x1  }
0xca: {  	v4 =	vperm.xlane v4, v3;
	v5 =	vadd.s32 v2, v5;
	_ =	sdelay $0x1  }
0xcb: {  	v4 =	vadd.s32 v2, v4;
	_ =	sdelay $0x1  }
0xcc: {  	s21 =	simm.s32 $0x13200  }
0xcd: {  	[tilespmem:s21], [sflag:$0x2] =	stream.indirect_vreg.gather [hbm4b:s15+s3], $0x80, v5, vm0, $0xb8;
	[tilespmem:$0x18200] =	vst v63  }
0xce: {  	s22 =	simm.s32 $0x13A00  }
0xcf: {  	[tilespmem:s22], [sflag:$0x2] =	stream.indirect_vreg.gather [hbm4b:s15+s3], $0x80, v4, vm0, $0xb8;
	[tilespmem:$0x18200] =	vst v63  }
0xd0: {  	v4 =	vld [tilespmem:$0x1C0];
	_ =	sdelay $0x4  }
0xd1: {  	v5 =	vshll.u32 v4, $0x1  }
0xd2: {  	v4 =	vand.u32 $0x7, v4;
	v5 =	vand.u32 $0xFFFFFFF0, v5  }
0xd3: {  	v4 =	vor.u32 v4, v5  }
0xd4: {  	v5 =	vperm.xlane v4, v1;
	_ =	sdelay $0x1  }
0xd5: {  	v4 =	vperm.xlane v4, v3;
	v5 =	vadd.s32 v2, v5;
	_ =	sdelay $0x1  }
0xd6: {  	v4 =	vadd.s32 v2, v4;
	_ =	sdelay $0x1  }
0xd7: {  	s23 =	simm.s32 $0x14200  }
0xd8: {  	[tilespmem:s23], [sflag:$0x2] =	stream.indirect_vreg.gather [hbm4b:s15+s3], $0x80, v5, vm0, $0xb8;
	[tilespmem:$0x18200] =	vst v63  }
0xd9: {  	s24 =	simm.s32 $0x14A00  }
0xda: {  	[tilespmem:s24], [sflag:$0x2] =	stream.indirect_vreg.gather [hbm4b:s15+s3], $0x80, v4, vm0, $0xb8;
	[tilespmem:$0x18200] =	vst v63  }
0xdb: {  	v4 =	vld [tilespmem:$0x1D0];
	_ =	sdelay $0x4  }
0xdc: {  	v5 =	vshll.u32 v4, $0x1  }
0xdd: {  	v4 =	vand.u32 $0x7, v4;
	v5 =	vand.u32 $0xFFFFFFF0, v5  }
0xde: {  	v4 =	vor.u32 v4, v5  }
0xdf: {  	v5 =	vperm.xlane v4, v1;
	_ =	sdelay $0x1  }
0xe0: {  	v4 =	vperm.xlane v4, v3;
	v5 =	vadd.s32 v2, v5;
	_ =	sdelay $0x1  }
0xe1: {  	v4 =	vadd.s32 v2, v4;
	_ =	sdelay $0x1  }
0xe2: {  	s25 =	simm.s32 $0x15200  }
0xe3: {  	[tilespmem:s25], [sflag:$0x2] =	stream.indirect_vreg.gather [hbm4b:s15+s3], $0x80, v5, vm0, $0xb8;
	[tilespmem:$0x18200] =	vst v63  }
0xe4: {  	s26 =	simm.s32 $0x15A00  }
0xe5: {  	[tilespmem:s26], [sflag:$0x2] =	stream.indirect_vreg.gather [hbm4b:s15+s3], $0x80, v4, vm0, $0xb8;
	[tilespmem:$0x18200] =	vst v63  }
0xe6: {  	v4 =	vld [tilespmem:$0x1E0];
	_ =	sdelay $0x4  }
0xe7: {  	v5 =	vshll.u32 v4, $0x1  }
0xe8: {  	v4 =	vand.u32 $0x7, v4;
	v5 =	vand.u32 $0xFFFFFFF0, v5  }
0xe9: {  	v4 =	vor.u32 v4, v5  }
0xea: {  	v5 =	vperm.xlane v4, v1;
	_ =	sdelay $0x1  }
0xeb: {  	v4 =	vperm.xlane v4, v3;
	v5 =	vadd.s32 v2, v5;
	_ =	sdelay $0x1  }
0xec: {  	v4 =	vadd.s32 v2, v4;
	_ =	sdelay $0x1  }
0xed: {  	s28 =	simm.s32 $0x16200  }
0xee: {  	[tilespmem:s28], [sflag:$0x2] =	stream.indirect_vreg.gather [hbm4b:s15+s3], $0x80, v5, vm0, $0xb8;
	[tilespmem:$0x18200] =	vst v63  }
0xef: {  	s29 =	simm.s32 $0x16A00  }
0xf0: {  	[tilespmem:s29], [sflag:$0x2] =	stream.indirect_vreg.gather [hbm4b:s15+s3], $0x80, v4, vm0, $0xb8;
	[tilespmem:$0x18200] =	vst v63  }
0xf1: {  	v4 =	vld [tilespmem:$0x1F0];
	_ =	sdelay $0x4  }
0xf2: {  	v5 =	vshll.u32 v4, $0x1  }
0xf3: {  	v4 =	vand.u32 $0x7, v4;
	v5 =	vand.u32 $0xFFFFFFF0, v5  }
0xf4: {  	v4 =	vor.u32 v4, v5  }
0xf5: {  	v5 =	vperm.xlane v4, v1;
	_ =	sdelay $0x1  }
0xf6: {  	v4 =	vperm.xlane v4, v3;
	v5 =	vadd.s32 v2, v5;
	_ =	sdelay $0x1  }
0xf7: {  	v4 =	vadd.s32 v2, v4;
	_ =	sdelay $0x1  }
0xf8: {  	s30 =	simm.s32 $0x17200;
	[smem:$0x7FB] =	sst s12  }
0xf9: {  	[tilespmem:s30], [sflag:$0x2] =	stream.indirect_vreg.gather [hbm4b:s15+s3], $0x80, v5, vm0, $0xb8;
	[tilespmem:$0x18200] =	vst v63  }
0xfa: {  	s31 =	simm.s32 $0x17A00;
	[smem:$0x7FC] =	sst s2;
	s0 =	simm.s32 $0x1  }
0xfb: {  	[tilespmem:s31], [sflag:$0x2] =	stream.indirect_vreg.gather [hbm4b:s15+s3], $0x80, v4, vm0, $0xb8;
	[tilespmem:$0x18200] =	vst v63  }
0xfc: {  	_ =	swait.ge [sflag:s0], $0x8000  }
0xfd: {  	s1 =	sand.u32 $0x7800, s3;
	s3 =	sand.u32 $0x200, s3;
	[sflag:s0] =	ssyncset.done $0x0  }
0xfe: {  	s4 =	sor.u32 s3, s1;
	[sflag:s0] =	ssyncadd.s32 $0xFFFF8000  }
0xff: {  	v4 =	vld [tilespmem:s4+$0x8380]  }
0x100: {  	v5 =	vld [tilespmem:s4+$0x380]  }
0x101: {  	v6 =	vld [tilespmem:s4+$0x8390]  }
0x102: {  	v7 =	vld [tilespmem:s4+$0x390]  }
0x103: {  	v8 =	vld [tilespmem:s4+$0x83A0]  }
0x104: {  	v9 =	vld [tilespmem:s4+$0x3A0]  }
0x105: {  	v10 =	vld [tilespmem:s4+$0x83B0]  }
0x106: {  	v11 =	vld [tilespmem:s4+$0x3B0]  }
0x107: {  	v12 =	vld [tilespmem:s4+$0x83C0]  }
0x108: {  	v13 =	vld [tilespmem:s4+$0x83D0]  }
0x109: {  	v14 =	vld [tilespmem:s4+$0x3D0]  }
0x10a: {  	v15 =	vld [tilespmem:s4+$0x83E0]  }
0x10b: {  	v16 =	vld [tilespmem:s4+$0x3E0]  }
0x10c: {  	v54 =	vld [tilespmem:s4+$0x8230]  }
0x10d: {  	v55 =	vld [tilespmem:s4+$0x230]  }
0x10e: {  	v56 =	vld [tilespmem:s4+$0x8240]  }
0x10f: {  	v57 =	vld [tilespmem:s4+$0x240]  }
0x110: {  	v58 =	vld [tilespmem:s4+$0x8250]  }
0x111: {  	v17 =	vld [tilespmem:s4+$0x8260]  }
0x112: {  	v19 =	vld [tilespmem:s4+$0x260]  }
0x113: {  	v20 =	vld [tilespmem:s4+$0x8270]  }
0x114: {  	v21 =	vld [tilespmem:s4+$0x270]  }
0x115: {  	v22 =	vld [tilespmem:s4+$0x8280]  }
0x116: {  	v23 =	vld [tilespmem:s4+$0x280]  }
0x117: {  	v59 =	vld [tilespmem:s4+$0x8290]  }
0x118: {  	v24 =	vld [tilespmem:s4+$0x290]  }
0x119: {  	v4 =	vadd.f32 v5, v4;
	v5 =	vld [tilespmem:s4+$0x83F0]  }
0x11a: {  	v6 =	vadd.f32 v7, v6;
	v7 =	vld [tilespmem:s4+$0x3F0]  }
0x11b: {  	[tilespmem:s4+$0x8380] =	vst v4;
	v4 =	vadd.f32 v9, v8;
	v8 =	vld [tilespmem:s4+$0x3C0]  }
0x11c: {  	v26 =	vld [tilespmem:s4+$0x82A0];
	[tilespmem:s4+$0x8390] =	vst v6;
	v6 =	vadd.f32 v11, v10  }
0x11d: {  	p1 =	por $0x0, $0x0;
	s0 =	simm.s32 $0x1;
	v27 =	vld [tilespmem:s4+$0x2A0];
	[tilespmem:s4+$0x83A0] =	vst v4;
	v4 =	vadd.f32 v14, v13  }
0x11e: {  	s0 =	simm.s32 @!p1 $0x0;
	v28 =	vld [tilespmem:s4+$0x82B0];
	[tilespmem:s4+$0x83B0] =	vst v6;
	v6 =	vadd.f32 v16, v15  }
0x11f: {  	v29 =	vld [tilespmem:s4+$0x2B0];
	s0 =	sshll.u32 s0, $0x9;
	[tilespmem:s4+$0x83D0] =	vst v4;
	v4 =	vadd.f32 v7, v5  }
0x120: {  	v30 =	vld [tilespmem:s4+$0x82C0];
	s1 =	sadd.s32 $0x0, s0;
	[tilespmem:s4+$0x83E0] =	vst v6;
	v7 =	vadd.f32 v8, v12  }
0x121: {  	v31 =	vld [tilespmem:s4+$0x2C0];
	s0 =	sadd.s32 $0x180, s1;
	[tilespmem:s4+$0x83F0] =	vst v4  }
0x122: {  	v32 =	vld [tilespmem:s4+$0x82D0];
	s6 =	sor.u32 $0x400, s0;
	[tilespmem:s4+$0x83C0] =	vst v7  }
0x123: {  	v7 =	vld [tilespmem:s6+$0x8200]  }
0x124: {  	v8 =	vld [tilespmem:s6+$0x200]  }
0x125: {  	v33 =	vld [tilespmem:s4+$0x2D0]  }
0x126: {  	v9 =	vld [tilespmem:s4+$0x8200]  }
0x127: {  	v11 =	vld [tilespmem:s4+$0x8210]  }
0x128: {  	v5 =	vld [tilespmem:s4+$0x210]  }
0x129: {  	v10 =	vld [tilespmem:s4+$0x200];
	v7 =	vadd.f32 v8, v7  }
0x12a: {  	v6 =	vld [tilespmem:s4+$0x8220]  }
0x12b: {  	s7 =	sor.u32 $0x410, s0;
	v8 =	vld [tilespmem:s4+$0x250];
	[tilespmem:s6+$0x8200] =	vst v7  }
0x12c: {  	v7 =	vld [tilespmem:s7+$0x8200]  }
0x12d: {  	v5 =	vadd.f32 v5, v11;
	v18 =	vld [tilespmem:s7+$0x200]  }
0x12e: {  	v4 =	vld [tilespmem:s4+$0x220]  }
0x12f: {  	v60 =	vld [tilespmem:s4+$0x8300];
	[tilespmem:s4+$0x8210] =	vst v5;
	v5 =	vadd.f32 v55, v54  }
0x130: {  	v61 =	vld [tilespmem:s4+$0x8310];
	v9 =	vadd.f32 v10, v9  }
0x131: {  	v62 =	vld [tilespmem:s4+$0x310];
	[tilespmem:s4+$0x8230] =	vst v5;
	v5 =	vadd.f32 v8, v58  }
0x132: {  	v63 =	vld [tilespmem:s4+$0x8320];
	[tilespmem:s4+$0x8200] =	vst v9;
	v7 =	vadd.f32 v18, v7  }
0x133: {  	v10 =	vld [tilespmem:s4+$0x82E0];
	v4 =	vadd.f32 v4, v6;
	[tilespmem:s4+$0x8250] =	vst v5  }
0x134: {  	s8 =	sor.u32 $0x420, s0;
	v9 =	vld [tilespmem:s4+$0x2F0];
	v5 =	vadd.f32 v21, v20;
	[tilespmem:s7+$0x8200] =	vst v7  }
0x135: {  	[tilespmem:s4+$0x8220] =	vst v4;
	v4 =	vadd.f32 v57, v56;
	v7 =	vld [tilespmem:s8+$0x8200]  }
0x136: {  	[tilespmem:s4+$0x8270] =	vst v5;
	v5 =	vadd.f32 v24, v59;
	v25 =	vld [tilespmem:s8+$0x200]  }
0x137: {  	v11 =	vld [tilespmem:s4+$0x2E0];
	[tilespmem:s4+$0x8240] =	vst v4;
	v4 =	vadd.f32 v19, v17  }
0x138: {  	v6 =	vld [tilespmem:s4+$0x82F0];
	[tilespmem:s4+$0x8290] =	vst v5;
	v5 =	vadd.f32 v27, v26  }
0x139: {  	[tilespmem:s4+$0x8260] =	vst v4;
	v4 =	vadd.f32 v23, v22;
	v8 =	vld [tilespmem:s4+$0x300]  }
0x13a: {  	v24 =	vld [tilespmem:s4+$0x320];
	[tilespmem:s4+$0x82A0] =	vst v5;
	v5 =	vadd.f32 v31, v30  }
0x13b: {  	[tilespmem:s4+$0x8280] =	vst v4;
	v27 =	vld [tilespmem:s4+$0x330];
	v4 =	vadd.f32 v25, v7  }
0x13c: {  	v30 =	vld [tilespmem:s4+$0x8350];
	[tilespmem:s4+$0x82C0] =	vst v5  }
0x13d: {  	v5 =	vadd.f32 v11, v10;
	v10 =	vld [tilespmem:s4+$0x350];
	[tilespmem:s8+$0x8200] =	vst v4;
	v4 =	vadd.f32 v29, v28  }
0x13e: {  	v28 =	vld [tilespmem:s4+$0x8340]  }
0x13f: {  	v29 =	vld [tilespmem:s4+$0x340];
	[tilespmem:s4+$0x82B0] =	vst v4;
	v4 =	vadd.f32 v33, v32  }
0x140: {  	v7 =	vld [tilespmem:s4+$0x8330];
	[tilespmem:s4+$0x82E0] =	vst v5;
	v5 =	vadd.f32 v8, v60  }
0x141: {  	v8 =	vld [tilespmem:s4+$0x360];
	[tilespmem:s4+$0x82D0] =	vst v4;
	v4 =	vadd.f32 v9, v6  }
0x142: {  	[tilespmem:s4+$0x8300] =	vst v5;
	v5 =	vadd.f32 v24, v63;
	v6 =	vld [tilespmem:s4+$0x8360]  }
0x143: {  	v11 =	vld [tilespmem:s4+$0x370];
	[tilespmem:s4+$0x82F0] =	vst v4;
	v4 =	vadd.f32 v62, v61  }
0x144: {  	s9 =	sor.u32 $0x400, s1;
	[tilespmem:s4+$0x8320] =	vst v5;
	v9 =	vld [tilespmem:s4+$0x8370];
	v5 =	vadd.f32 v29, v28  }
0x145: {  	v31 =	vld [tilespmem:s9+$0x200];
	s8 =	sadd.s32 $0x80, s1;
	[tilespmem:s4+$0x8310] =	vst v4;
	v4 =	vadd.f32 v27, v7  }
0x146: {  	s10 =	sor.u32 $0x400, s8;
	[tilespmem:s4+$0x8340] =	vst v5;
	v7 =	vld [tilespmem:s9+$0x8200]  }
0x147: {  	v5 =	vadd.f32 v8, v6;
	v6 =	vld [tilespmem:s10+$0x200];
	[tilespmem:s4+$0x8330] =	vst v4;
	v4 =	vadd.f32 v10, v30  }
0x148: {  	v10 =	vld [tilespmem:s10+$0x8200]  }
0x149: {  	s6 =	sor.u32 $0x430, s0;
	[tilespmem:s4+$0x8350] =	vst v4;
	v4 =	vadd.f32 v11, v9  }
0x14a: {  	s5 =	sadd.s32 $0x100, s1;
	v8 =	vld [tilespmem:s6+$0x8200];
	[tilespmem:s4+$0x8360] =	vst v5  }
0x14b: {  	s7 =	sor.u32 $0x400, s5;
	v5 =	vld [tilespmem:s6+$0x200];
	[tilespmem:s4+$0x8370] =	vst v4;
	v4 =	vadd.f32 v31, v7  }
0x14c: {  	v7 =	vld [tilespmem:s7+$0x8200]  }
0x14d: {  	s11 =	sor.u32 $0x410, s1;
	v9 =	vld [tilespmem:s7+$0x200];
	[tilespmem:s9+$0x8200] =	vst v4;
	v4 =	vadd.f32 v6, v10  }
0x14e: {  	v6 =	vld [tilespmem:s11+$0x8200]  }
0x14f: {  	s12 =	sor.u32 $0x410, s8;
	v10 =	vld [tilespmem:s11+$0x200];
	[tilespmem:s10+$0x8200] =	vst v4  }
0x150: {  	v4 =	vadd.f32 v5, v8;
	v5 =	vld [tilespmem:s12+$0x8200]  }
0x151: {  	v8 =	vld [tilespmem:s12+$0x200]  }
0x152: {  	s13 =	sor.u32 $0x440, s0;
	[tilespmem:s6+$0x8200] =	vst v4;
	v4 =	vadd.f32 v9, v7  }
0x153: {  	v7 =	vld [tilespmem:s13+$0x8200]  }
0x154: {  	s14 =	sor.u32 $0x410, s5;
	v9 =	vld [tilespmem:s13+$0x200];
	[tilespmem:s7+$0x8200] =	vst v4;
	v4 =	vadd.f32 v10, v6  }
0x155: {  	v6 =	vld [tilespmem:s14+$0x8200]  }
0x156: {  	s15 =	sor.u32 $0x420, s1;
	v10 =	vld [tilespmem:s14+$0x200];
	[tilespmem:s11+$0x8200] =	vst v4;
	v4 =	vadd.f32 v8, v5  }
0x157: {  	s28 =	simm.s32 $0x200;
	s29 =	simm.s32 $0x400;
	v5 =	vld [tilespmem:s15+$0x8200]  }
0x158: {  	s17 =	sor.u32 $0x450, s0;
	s21 =	sor.u32 $0x460, s0;
	s16 =	sor.u32 $0x420, s8;
	v8 =	vld [tilespmem:s15+$0x200];
	[tilespmem:s12+$0x8200] =	vst v4  }
0x159: {  	s4 =	sand.u32 $0x7800, s29;
	v4 =	vadd.f32 v9, v7;
	s12 =	sor.u32 $0x470, s0;
	s0 =	sand.u32 $0x200, s28;
	v7 =	vld [tilespmem:s16+$0x8200]  }
0x15a: {  	v9 =	vld [tilespmem:s16+$0x200];
	s4 =	sor.u32 s0, s4  }
0x15b: {  	v32 =	vld [tilespmem:s4+$0x8390]  }
0x15c: {  	v33 =	vld [tilespmem:s4+$0x390]  }
0x15d: {  	v34 =	vld [tilespmem:s4+$0x83A0]  }
0x15e: {  	v35 =	vld [tilespmem:s4+$0x3A0]  }
0x15f: {  	v36 =	vld [tilespmem:s4+$0x83B0]  }
0x160: {  	v37 =	vld [tilespmem:s4+$0x3B0]  }
0x161: {  	v38 =	vld [tilespmem:s4+$0x83C0]  }
0x162: {  	v39 =	vld [tilespmem:s4+$0x83D0]  }
0x163: {  	v40 =	vld [tilespmem:s4+$0x3D0]  }
0x164: {  	v41 =	vld [tilespmem:s4+$0x83E0]  }
0x165: {  	v42 =	vld [tilespmem:s4+$0x3E0]  }
0x166: {  	v43 =	vld [tilespmem:s4+$0x3F0]  }
0x167: {  	v44 =	vld [tilespmem:s4+$0x3C0]  }
0x168: {  	v17 =	vld [tilespmem:s4+$0x8200]  }
0x169: {  	v18 =	vld [tilespmem:s4+$0x200]  }
0x16a: {  	v20 =	vld [tilespmem:s4+$0x8210]  }
0x16b: {  	v14 =	vld [tilespmem:s4+$0x210]  }
0x16c: {  	v50 =	vld [tilespmem:s4+$0x8230]  }
0x16d: {  	v51 =	vld [tilespmem:s4+$0x230]  }
0x16e: {  	[tilespmem:s13+$0x8200] =	vst v4;
	v4 =	vadd.f32 v10, v6;
	v22 =	vld [tilespmem:s4+$0x8240]  }
0x16f: {  	v6 =	vld [tilespmem:s17+$0x8200]  }
0x170: {  	s18 =	sor.u32 $0x420, s5;
	v10 =	vld [tilespmem:s17+$0x200];
	[tilespmem:s14+$0x8200] =	vst v4;
	v4 =	vadd.f32 v8, v5  }
0x171: {  	v5 =	vld [tilespmem:s18+$0x8200]  }
0x172: {  	s19 =	sor.u32 $0x430, s1;
	v8 =	vld [tilespmem:s18+$0x200];
	[tilespmem:s15+$0x8200] =	vst v4;
	v4 =	vadd.f32 v9, v7  }
0x173: {  	v7 =	vld [tilespmem:s19+$0x8200]  }
0x174: {  	s20 =	sor.u32 $0x430, s8;
	v9 =	vld [tilespmem:s19+$0x200];
	[tilespmem:s16+$0x8200] =	vst v4  }
0x175: {  	v4 =	vadd.f32 v10, v6;
	v6 =	vld [tilespmem:s20+$0x8200]  }
0x176: {  	v10 =	vld [tilespmem:s20+$0x200]  }
0x177: {  	v52 =	vld [tilespmem:s4+$0x240];
	[tilespmem:s17+$0x8200] =	vst v4;
	v4 =	vadd.f32 v8, v5  }
0x178: {  	v5 =	vld [tilespmem:s21+$0x8200]  }
0x179: {  	v8 =	vld [tilespmem:s21+$0x200];
	[tilespmem:s18+$0x8200] =	vst v4;
	v4 =	vadd.f32 v9, v7  }
0x17a: {  	v53 =	vld [tilespmem:s4+$0x8250]  }
0x17b: {  	s22 =	sor.u32 $0x430, s5;
	v54 =	vld [tilespmem:s4+$0x250];
	[tilespmem:s19+$0x8200] =	vst v4;
	v4 =	vadd.f32 v10, v6  }
0x17c: {  	v7 =	vld [tilespmem:s22+$0x8200]  }
0x17d: {  	s24 =	sor.u32 $0x440, s8;
	v9 =	vld [tilespmem:s22+$0x200];
	[tilespmem:s20+$0x8200] =	vst v4  }
0x17e: {  	v4 =	vadd.f32 v8, v5;
	v8 =	vld [tilespmem:s24+$0x8200]  }
0x17f: {  	v11 =	vld [tilespmem:s24+$0x200]  }
0x180: {  	v55 =	vld [tilespmem:s4+$0x8260]  }
0x181: {  	v57 =	vld [tilespmem:s4+$0x260]  }
0x182: {  	v58 =	vld [tilespmem:s4+$0x8270];
	v7 =	vadd.f32 v9, v7  }
0x183: {  	v9 =	vld [tilespmem:s4+$0x8380]  }
0x184: {  	[tilespmem:s22+$0x8200] =	vst v7;
	v7 =	vadd.f32 v11, v8;
	v11 =	vld [tilespmem:s4+$0x380]  }
0x185: {  	v59 =	vld [tilespmem:s4+$0x270]  }
0x186: {  	v60 =	vld [tilespmem:s4+$0x8280]  }
0x187: {  	v61 =	vld [tilespmem:s4+$0x280];
	v13 =	vadd.f32 v33, v32  }
0x188: {  	v62 =	vld [tilespmem:s4+$0x8290];
	v15 =	vadd.f32 v35, v34  }
0x189: {  	v45 =	vadd.f32 v37, v36;
	[tilespmem:s4+$0x8390] =	vst v13;
	v9 =	vadd.f32 v11, v9;
	v11 =	vld [tilespmem:s4+$0x83F0]  }
0x18a: {  	v63 =	vld [tilespmem:s4+$0x290];
	v46 =	vadd.f32 v40, v39;
	[tilespmem:s4+$0x83A0] =	vst v15  }
0x18b: {  	p1 =	por !p1, !p1;
	s0 =	simm.s32 $0x1;
	v31 =	vld [tilespmem:s4+$0x340];
	v47 =	vadd.f32 v42, v41;
	[tilespmem:s4+$0x83B0] =	vst v45  }
0x18c: {  	s0 =	simm.s32 @!p1 $0x0;
	v48 =	vadd.f32 v44, v38;
	v34 =	vld [tilespmem:s4+$0x82A0];
	[tilespmem:s4+$0x83D0] =	vst v46  }
0x18d: {  	s0 =	sshll.u32 s0, $0x9;
	v35 =	vld [tilespmem:s4+$0x2A0];
	[tilespmem:s4+$0x83E0] =	vst v47  }
0x18e: {  	s0 =	sadd.s32 $0x400, s0;
	v36 =	vld [tilespmem:s4+$0x82B0];
	[tilespmem:s4+$0x83C0] =	vst v48;
	v11 =	vadd.f32 v43, v11  }
0x18f: {  	s31 =	sadd.s32 $0x180, s0;
	v37 =	vld [tilespmem:s4+$0x2B0];
	[tilespmem:s4+$0x8380] =	vst v9  }
0x190: {  	s9 =	sor.u32 $0x400, s31;
	v38 =	vld [tilespmem:s4+$0x82C0];
	[tilespmem:s4+$0x83F0] =	vst v11  }
0x191: {  	v15 =	vld [tilespmem:s9+$0x8200]  }
0x192: {  	v49 =	vld [tilespmem:s9+$0x200]  }
0x193: {  	v39 =	vld [tilespmem:s4+$0x82D0]  }
0x194: {  	v41 =	vld [tilespmem:s4+$0x2D0]  }
0x195: {  	v42 =	vld [tilespmem:s4+$0x82E0]  }
0x196: {  	v53 =	vadd.f32 v54, v53;
	v54 =	vld [tilespmem:s4+$0x8310]  }
0x197: {  	v32 =	vld [tilespmem:s4+$0x8350];
	v15 =	vadd.f32 v49, v15  }
0x198: {  	v33 =	vld [tilespmem:s4+$0x350]  }
0x199: {  	s10 =	sor.u32 $0x410, s31;
	v13 =	vld [tilespmem:s4+$0x8220];
	[tilespmem:s9+$0x8200] =	vst v15  }
0x19a: {  	v15 =	vld [tilespmem:s10+$0x8200]  }
0x19b: {  	v56 =	vld [tilespmem:s10+$0x200]  }
0x19c: {  	v45 =	vld [tilespmem:s4+$0x2C0]  }
0x19d: {  	v46 =	vld [tilespmem:s4+$0x2E0]  }
0x19e: {  	s23 =	sor.u32 $0x440, s1;
	v47 =	vld [tilespmem:s4+$0x82F0]  }
0x19f: {  	v6 =	vld [tilespmem:s23+$0x8200]  }
0x1a0: {  	v10 =	vld [tilespmem:s23+$0x200];
	v15 =	vadd.f32 v56, v15  }
0x1a1: {  	v48 =	vld [tilespmem:s4+$0x2F0]  }
0x1a2: {  	s11 =	sor.u32 $0x420, s31;
	v11 =	vld [tilespmem:s4+$0x220];
	[tilespmem:s10+$0x8200] =	vst v15  }
0x1a3: {  	v17 =	vadd.f32 v18, v17;
	v15 =	vld [tilespmem:s11+$0x8200]  }
0x1a4: {  	v14 =	vadd.f32 v14, v20;
	[tilespmem:s21+$0x8200] =	vst v4;
	v44 =	vld [tilespmem:s11+$0x200]  }
0x1a5: {  	s25 =	sor.u32 $0x440, s5;
	[tilespmem:s4+$0x8200] =	vst v17;
	v4 =	vld [tilespmem:s12+$0x8200];
	v6 =	vadd.f32 v10, v6  }
0x1a6: {  	v50 =	vadd.f32 v51, v50;
	[tilespmem:s4+$0x8210] =	vst v14;
	v10 =	vld [tilespmem:s25+$0x8200]  }
0x1a7: {  	s26 =	sor.u32 $0x450, s1;
	v12 =	vld [tilespmem:s25+$0x200];
	[tilespmem:s23+$0x8200] =	vst v6  }
0x1a8: {  	[tilespmem:s4+$0x8230] =	vst v50;
	v6 =	vld [tilespmem:s26+$0x8200];
	v11 =	vadd.f32 v11, v13  }
0x1a9: {  	s30 =	sor.u32 $0x450, s8;
	v8 =	vld [tilespmem:s26+$0x200];
	[tilespmem:s24+$0x8200] =	vst v7;
	v15 =	vadd.f32 v44, v15  }
0x1aa: {  	v7 =	vld [tilespmem:s30+$0x8200];
	[tilespmem:s4+$0x8220] =	vst v11  }
0x1ab: {  	s13 =	sor.u32 $0x430, s31;
	v9 =	vld [tilespmem:s30+$0x200];
	v11 =	vadd.f32 v52, v22;
	[tilespmem:s11+$0x8200] =	vst v15  }
0x1ac: {  	[tilespmem:s4+$0x8250] =	vst v53;
	v29 =	vadd.f32 v45, v38;
	v15 =	vld [tilespmem:s13+$0x8200]  }
0x1ad: {  	[tilespmem:s4+$0x8240] =	vst v11;
	v11 =	vadd.f32 v57, v55;
	v40 =	vld [tilespmem:s13+$0x200]  }
0x1ae: {  	[tilespmem:s4+$0x82C0] =	vst v29;
	v10 =	vadd.f32 v12, v10;
	v49 =	vld [tilespmem:s4+$0x8300]  }
0x1af: {  	v55 =	vld [tilespmem:s4+$0x310];
	[tilespmem:s4+$0x8260] =	vst v11;
	v11 =	vadd.f32 v61, v60  }
0x1b0: {  	v12 =	vadd.f32 v46, v42;
	[tilespmem:s25+$0x8200] =	vst v10;
	v57 =	vld [tilespmem:s4+$0x8320]  }
0x1b1: {  	v60 =	vld [tilespmem:s4+$0x8330];
	[tilespmem:s4+$0x8280] =	vst v11;
	v11 =	vadd.f32 v63, v62  }
0x1b2: {  	[tilespmem:s4+$0x82E0] =	vst v12;
	v61 =	vld [tilespmem:s4+$0x330];
	v10 =	vadd.f32 v40, v15  }
0x1b3: {  	v6 =	vadd.f32 v8, v6;
	v63 =	vld [tilespmem:s4+$0x8340];
	[tilespmem:s4+$0x8290] =	vst v11  }
0x1b4: {  	s14 =	sor.u32 $0x440, s31;
	v62 =	vadd.f32 v35, v34;
	v34 =	vld [tilespmem:s4+$0x8360];
	v11 =	vadd.f32 v37, v36;
	[tilespmem:s13+$0x8200] =	vst v10  }
0x1b5: {  	[tilespmem:s26+$0x8200] =	vst v6;
	v6 =	vadd.f32 v9, v7;
	v51 =	vld [tilespmem:s14+$0x8200]  }
0x1b6: {  	[tilespmem:s4+$0x82B0] =	vst v11;
	v11 =	vadd.f32 v41, v39;
	v52 =	vld [tilespmem:s14+$0x200]  }
0x1b7: {  	[tilespmem:s30+$0x8200] =	vst v6;
	v35 =	vld [tilespmem:s4+$0x360]  }
0x1b8: {  	v56 =	vadd.f32 v59, v58;
	v58 =	vld [tilespmem:s4+$0x320];
	[tilespmem:s4+$0x82D0] =	vst v11;
	v11 =	vadd.f32 v48, v47  }
0x1b9: {  	[tilespmem:s4+$0x82A0] =	vst v62;
	v36 =	vld [tilespmem:s4+$0x8370]  }
0x1ba: {  	v37 =	vld [tilespmem:s4+$0x370];
	[tilespmem:s4+$0x82F0] =	vst v11;
	v11 =	vadd.f32 v55, v54  }
0x1bb: {  	[tilespmem:s4+$0x8270] =	vst v56;
	v10 =	vld [tilespmem:s4+$0x300];
	s13 =	sor.u32 $0x400, s0;
	v59 =	vadd.f32 v52, v51  }
0x1bc: {  	v14 =	vadd.f32 v61, v60;
	[tilespmem:s4+$0x8310] =	vst v11;
	v41 =	vld [tilespmem:s13+$0x8200]  }
0x1bd: {  	s15 =	sor.u32 $0x450, s31;
	v11 =	vadd.f32 v58, v57;
	v42 =	vld [tilespmem:s13+$0x200];
	[tilespmem:s14+$0x8200] =	vst v59  }
0x1be: {  	v39 =	vadd.f32 v33, v32;
	[tilespmem:s4+$0x8330] =	vst v14;
	v28 =	vld [tilespmem:s15+$0x8200]  }
0x1bf: {  	[tilespmem:s4+$0x8320] =	vst v11;
	v11 =	vadd.f32 v31, v63;
	v30 =	vld [tilespmem:s15+$0x200]  }
0x1c0: {  	s7 =	sadd.s32 $0x80, s0;
	s19 =	sor.u32 $0x460, s1;
	v5 =	vld [tilespmem:s12+$0x200];
	[tilespmem:s4+$0x8350] =	vst v39;
	v43 =	vadd.f32 v37, v36  }
0x1c1: {  	v6 =	vld [tilespmem:s19+$0x200];
	[tilespmem:s4+$0x8340] =	vst v11;
	v11 =	vadd.f32 v35, v34;
	s14 =	sor.u32 $0x400, s7  }
0x1c2: {  	[tilespmem:s4+$0x8370] =	vst v43;
	v10 =	vadd.f32 v10, v49;
	v44 =	vld [tilespmem:s14+$0x8200]  }
0x1c3: {  	s10 =	sor.u32 $0x450, s5;
	[tilespmem:s4+$0x8360] =	vst v11;
	v12 =	vadd.f32 v42, v41;
	v11 =	vld [tilespmem:s14+$0x200]  }
0x1c4: {  	s20 =	sor.u32 $0x460, s8;
	v46 =	vld [tilespmem:s10+$0x200];
	[tilespmem:s4+$0x8300] =	vst v10;
	v10 =	vadd.f32 v30, v28  }
0x1c5: {  	s16 =	sor.u32 $0x410, s0;
	s9 =	sadd.s32 $0x100, s0;
	v55 =	vld [tilespmem:s20+$0x200];
	[tilespmem:s13+$0x8200] =	vst v12  }
0x1c6: {  	v49 =	vld [tilespmem:s16+$0x8200];
	[tilespmem:s15+$0x8200] =	vst v10;
	s15 =	sor.u32 $0x400, s9  }
0x1c7: {  	v16 =	vld [tilespmem:s15+$0x8200]  }
0x1c8: {  	v11 =	vadd.f32 v11, v44;
	v45 =	vld [tilespmem:s15+$0x200]  }
0x1c9: {  	v10 =	vld [tilespmem:s10+$0x8200]  }
0x1ca: {  	s11 =	sor.u32 $0x460, s31;
	[tilespmem:s14+$0x8200] =	vst v11;
	v11 =	vld [tilespmem:s16+$0x200]  }
0x1cb: {  	v38 =	vld [tilespmem:s11+$0x8200]  }
0x1cc: {  	s17 =	sor.u32 $0x410, s7;
	v40 =	vld [tilespmem:s11+$0x200]  }
0x1cd: {  	v50 =	vld [tilespmem:s17+$0x8200];
	v15 =	vadd.f32 v45, v16  }
0x1ce: {  	v8 =	vld [tilespmem:s17+$0x200]  }
0x1cf: {  	s18 =	sor.u32 $0x410, s9;
	v9 =	vadd.f32 v11, v49;
	v11 =	vld [tilespmem:s19+$0x8200];
	[tilespmem:s15+$0x8200] =	vst v15  }
0x1d0: {  	v15 =	vld [tilespmem:s18+$0x8200]  }
0x1d1: {  	v7 =	vld [tilespmem:s18+$0x200]  }
0x1d2: {  	s21 =	sor.u32 $0x420, s0;
	v13 =	vadd.f32 v40, v38;
	[tilespmem:s16+$0x8200] =	vst v9;
	v9 =	vld [tilespmem:s20+$0x8200]  }
0x1d3: {  	v8 =	vadd.f32 v8, v50;
	v51 =	vld [tilespmem:s21+$0x8200]  }
0x1d4: {  	s4 =	sor.u32 $0x470, s31;
	[tilespmem:s11+$0x8200] =	vst v13;
	v52 =	vld [tilespmem:s21+$0x200]  }
0x1d5: {  	s22 =	sor.u32 $0x420, s7;
	[tilespmem:s17+$0x8200] =	vst v8;
	v47 =	vld [tilespmem:s4+$0x8200]  }
0x1d6: {  	v8 =	vld [tilespmem:s22+$0x8200];
	v7 =	vadd.f32 v7, v15  }
0x1d7: {  	v53 =	vld [tilespmem:s22+$0x200];
	v6 =	vadd.f32 v6, v11  }
0x1d8: {  	s23 =	sor.u32 $0x420, s9;
	v48 =	vld [tilespmem:s4+$0x200];
	[tilespmem:s18+$0x8200] =	vst v7;
	v7 =	vadd.f32 v46, v10  }
0x1d9: {  	[tilespmem:s19+$0x8200] =	vst v6;
	v10 =	vld [tilespmem:s23+$0x8200]  }
0x1da: {  	s29 =	sor.u32 $0x470, s1;
	v54 =	vld [tilespmem:s23+$0x200];
	[tilespmem:s10+$0x8200] =	vst v7;
	v7 =	vadd.f32 v52, v51  }
0x1db: {  	v59 =	vld [tilespmem:s29+$0x8200]  }
0x1dc: {  	s25 =	sor.u32 $0x430, s0;
	v60 =	vld [tilespmem:s29+$0x200];
	[tilespmem:s21+$0x8200] =	vst v7;
	v7 =	vadd.f32 v53, v8  }
0x1dd: {  	v57 =	vld [tilespmem:s25+$0x8200]  }
0x1de: {  	s26 =	sor.u32 $0x430, s7;
	v6 =	vadd.f32 v55, v9;
	[tilespmem:s22+$0x8200] =	vst v7;
	v7 =	vld [tilespmem:s25+$0x200]  }
0x1df: {  	v10 =	vadd.f32 v54, v10;
	v58 =	vld [tilespmem:s26+$0x8200]  }
0x1e0: {  	s8 =	sor.u32 $0x470, s8;
	[tilespmem:s20+$0x8200] =	vst v6;
	v11 =	vld [tilespmem:s26+$0x200]  }
0x1e1: {  	s28 =	sor.u32 $0x430, s9;
	v63 =	vld [tilespmem:s8+$0x200];
	[tilespmem:s23+$0x8200] =	vst v10  }
0x1e2: {  	v10 =	vld [tilespmem:s28+$0x8200]  }
0x1e3: {  	s24 =	sor.u32 $0x460, s5;
	v9 =	vld [tilespmem:s28+$0x200];
	v7 =	vadd.f32 v7, v57  }
0x1e4: {  	v56 =	vld [tilespmem:s24+$0x8200]  }
0x1e5: {  	s30 =	sor.u32 $0x440, s0;
	v8 =	vld [tilespmem:s24+$0x200];
	v6 =	vadd.f32 v11, v58;
	[tilespmem:s25+$0x8200] =	vst v7  }
0x1e6: {  	v7 =	vld [tilespmem:s30+$0x8200]  }
0x1e7: {  	s31 =	sor.u32 $0x440, s7;
	v61 =	vld [tilespmem:s30+$0x200];
	[tilespmem:s26+$0x8200] =	vst v6  }
0x1e8: {  	v6 =	vadd.f32 v9, v10;
	v9 =	vld [tilespmem:s31+$0x8200]  }
0x1e9: {  	v10 =	vld [tilespmem:s31+$0x200]  }
0x1ea: {  	s22 =	sor.u32 $0x440, s9;
	v11 =	vld [tilespmem:s8+$0x8200];
	[tilespmem:s28+$0x8200] =	vst v6;
	v6 =	vadd.f32 v8, v56  }
0x1eb: {  	v4 =	vadd.f32 v5, v4;
	v8 =	vld [tilespmem:s22+$0x8200]  }
0x1ec: {  	s3 =	sor.u32 $0x470, s5;
	v62 =	vld [tilespmem:s22+$0x200];
	[tilespmem:s24+$0x8200] =	vst v6;
	v6 =	vadd.f32 v61, v7  }
0x1ed: {  	[tilespmem:s12+$0x8200] =	vst v4;
	v4 =	vadd.f32 v48, v47;
	v5 =	vld [tilespmem:s3+$0x8200]  }
0x1ee: {  	s1 =	sor.u32 $0x470, s0;
	s12 =	sor.u32 $0x460, s0;
	s20 =	sor.u32 $0x450, s0;
	v9 =	vadd.f32 v10, v9;
	[tilespmem:s30+$0x8200] =	vst v6;
	v6 =	vld [tilespmem:s3+$0x200]  }
0x1ef: {  	s5 =	sor.u32 $0x460, s7;
	s13 =	sor.u32 $0x450, s9;
	s14 =	simm.s32 $0x4;
	[tilespmem:s4+$0x8200] =	vst v4;
	v4 =	vadd.f32 v60, v59;
	v7 =	vld [tilespmem:s20+$0x8200]  }
0x1f0: {  	s15 =	sor.u32 $0x460, s9;
	s17 =	simm.s32 $0x400;
	s19 =	sor.u32 $0x450, s7;
	v10 =	vld [tilespmem:s20+$0x200];
	[tilespmem:s31+$0x8200] =	vst v9  }
0x1f1: {  	s4 =	sor.u32 $0x470, s9;
	s18 =	simm.s32 $0x800;
	[tilespmem:s29+$0x8200] =	vst v4;
	s23 =	sor.u32 $0x470, s7;
	v4 =	vadd.f32 v62, v8;
	v8 =	vadd.f32 v63, v11;
	v9 =	vld [tilespmem:s19+$0x8200]  }
.LBB2_4:
0x1f2: {  	_ = 	snop  }
0x1f3: {  	s0 =	sand.u32 $0x7800, s18;
	s2 =	sand.u32 $0x200, s17;
	v11 =	vld [tilespmem:s19+$0x200];
	[tilespmem:s22+$0x8200] =	vst v4  }
0x1f4: {  	s11 =	sor.u32 s2, s0;
	v4 =	vld [tilespmem:s13+$0x8200]  }
0x1f5: {  	[tilespmem:s8+$0x8200] =	vst v8;
	v8 =	vld [tilespmem:s11+$0x380]  }
0x1f6: {  	v12 =	vld [tilespmem:s11+$0x3B0]  }
0x1f7: {  	v13 =	vld [tilespmem:s11+$0x83C0]  }
0x1f8: {  	v14 =	vld [tilespmem:s11+$0x83D0]  }
0x1f9: {  	v15 =	vld [tilespmem:s11+$0x3D0]  }
0x1fa: {  	v16 =	vld [tilespmem:s11+$0x83E0]  }
0x1fb: {  	v17 =	vld [tilespmem:s11+$0x3E0]  }
0x1fc: {  	v5 =	vadd.f32 v6, v5;
	v6 =	vld [tilespmem:s11+$0x8380]  }
0x1fd: {  	v7 =	vadd.f32 v10, v7;
	v10 =	vld [tilespmem:s11+$0x390]  }
0x1fe: {  	[tilespmem:s3+$0x8200] =	vst v5;
	v5 =	vld [tilespmem:s11+$0x8390]  }
0x1ff: {  	[tilespmem:s20+$0x8200] =	vst v7;
	v7 =	vadd.f32 v11, v9;
	v9 =	vld [tilespmem:s11+$0x83A0]  }
0x200: {  	v11 =	vld [tilespmem:s11+$0x3A0]  }
0x201: {  	[tilespmem:s19+$0x8200] =	vst v7;
	v7 =	vld [tilespmem:s11+$0x83B0]  }
0x202: {  	v54 =	vld [tilespmem:s11+$0x8210]  }
0x203: {  	v6 =	vadd.f32 v8, v6;
	v8 =	vld [tilespmem:s11+$0x83F0]  }
0x204: {  	v5 =	vadd.f32 v10, v5;
	v10 =	vld [tilespmem:s11+$0x3F0]  }
0x205: {  	[tilespmem:s11+$0x8380] =	vst v6;
	v6 =	vadd.f32 v11, v9;
	v9 =	vld [tilespmem:s11+$0x3C0]  }
0x206: {  	v11 =	vld [tilespmem:s11+$0x8200];
	[tilespmem:s11+$0x8390] =	vst v5;
	v5 =	vadd.f32 v12, v7  }
0x207: {  	p1 =	por !p1, !p1;
	s0 =	simm.s32 $0x1;
	v7 =	vld [tilespmem:s11+$0x200];
	[tilespmem:s11+$0x83A0] =	vst v6;
	v6 =	vadd.f32 v15, v14  }
0x208: {  	s0 =	simm.s32 @!p1 $0x0;
	v55 =	vld [tilespmem:s11+$0x210];
	[tilespmem:s11+$0x83B0] =	vst v5  }
0x209: {  	s0 =	sshll.u32 s0, $0x9;
	v5 =	vadd.f32 v17, v16;
	[tilespmem:s11+$0x83D0] =	vst v6;
	v6 =	vadd.f32 v10, v8;
	v8 =	vld [tilespmem:s11+$0x8220]  }
0x20a: {  	s10 =	smov.u32 s4;
	s4 =	sadd.s32 s0, s18;
	v10 =	vld [tilespmem:s11+$0x8230]  }
0x20b: {  	s24 =	sadd.s32 $0x180, s4;
	v9 =	vadd.f32 v9, v13;
	[tilespmem:s11+$0x83E0] =	vst v5;
	v5 =	vld [tilespmem:s11+$0x220]  }
0x20c: {  	[dreg:$0x4] =	wrdreg s10;
	s10 =	sor.u32 $0x400, s24;
	[tilespmem:s11+$0x83F0] =	vst v6;
	v6 =	vadd.f32 v7, v11;
	v11 =	vld [tilespmem:s11+$0x230]  }
0x20d: {  	[tilespmem:s11+$0x83C0] =	vst v9;
	v7 =	vld [tilespmem:s10+$0x8200]  }
0x20e: {  	v9 =	vld [tilespmem:s10+$0x200]  }
0x20f: {  	s9 =	smov.u32 s23;
	s23 =	sadd.s32 $0x80, s4;
	[tilespmem:s11+$0x8200] =	vst v6;
	v6 =	vadd.f32 v55, v54  }
0x210: {  	s8 =	sadd.s32 $0x100, s4;
	s16 =	sor.u32 $0x440, s23  }
0x211: {  	[dreg:$0xb] =	wrdreg s16;
	s16 =	sor.u32 $0x450, s8;
	[tilespmem:s11+$0x8210] =	vst v6;
	v6 =	vld [tilespmem:s11+$0x8240]  }
0x212: {  	[dreg:$0x12] =	wrdreg s16;
	s16 =	sor.u32 $0x460, s4;
	v5 =	vadd.f32 v5, v8;
	v8 =	vld [tilespmem:s11+$0x240]  }
0x213: {  	[dreg:$0x10] =	wrdreg s16;
	s16 =	sor.u32 $0x460, s23;
	v10 =	vadd.f32 v11, v10;
	v11 =	vld [tilespmem:s11+$0x8260];
	v7 =	vadd.f32 v9, v7  }
0x214: {  	[dreg:$0xe] =	wrdreg s16;
	s16 =	sor.u32 $0x460, s8;
	[tilespmem:s11+$0x8220] =	vst v5;
	v5 =	vld [tilespmem:s11+$0x8250]  }
0x215: {  	[dreg:$0xa] =	wrdreg s16;
	s16 =	sor.u32 $0x410, s24;
	v9 =	vld [tilespmem:s11+$0x250];
	[tilespmem:s10+$0x8200] =	vst v7  }
0x216: {  	v7 =	vld [tilespmem:s16+$0x8200]  }
0x217: {  	v6 =	vadd.f32 v8, v6;
	v8 =	vld [tilespmem:s16+$0x200]  }
0x218: {  	[tilespmem:s11+$0x8230] =	vst v10;
	v10 =	vld [tilespmem:s11+$0x260]  }
0x219: {  	v56 =	vld [tilespmem:s11+$0x280]  }
0x21a: {  	[tilespmem:s11+$0x8240] =	vst v6;
	v5 =	vadd.f32 v9, v5;
	v6 =	vld [tilespmem:s11+$0x8270]  }
0x21b: {  	v9 =	vld [tilespmem:s11+$0x270]  }
0x21c: {  	[tilespmem:s11+$0x8250] =	vst v5;
	v5 =	vld [tilespmem:s11+$0x8280];
	v7 =	vadd.f32 v8, v7  }
0x21d: {  	v8 =	vadd.f32 v10, v11;
	v10 =	vld [tilespmem:s11+$0x8290]  }
0x21e: {  	s10 =	sor.u32 $0x420, s24;
	v11 =	vld [tilespmem:s11+$0x290];
	[tilespmem:s16+$0x8200] =	vst v7  }
0x21f: {  	v7 =	vld [tilespmem:s10+$0x8200]  }
0x220: {  	[tilespmem:s11+$0x8260] =	vst v8;
	v6 =	vadd.f32 v9, v6;
	v8 =	vld [tilespmem:s10+$0x200]  }
0x221: {  	v9 =	vld [tilespmem:s11+$0x2A0];
	v5 =	vadd.f32 v56, v5  }
0x222: {  	[tilespmem:s11+$0x8270] =	vst v6;
	v6 =	vld [tilespmem:s11+$0x82A0]  }
0x223: {  	[tilespmem:s11+$0x8280] =	vst v5;
	v5 =	vadd.f32 v11, v10;
	v10 =	vld [tilespmem:s11+$0x82B0]  }
0x224: {  	v11 =	vld [tilespmem:s11+$0x2B0]  }
0x225: {  	v57 =	vld [tilespmem:s11+$0x2F0];
	v7 =	vadd.f32 v8, v7  }
0x226: {  	[tilespmem:s11+$0x8290] =	vst v5;
	v5 =	vld [tilespmem:s11+$0x82C0]  }
0x227: {  	s16 =	sor.u32 $0x430, s24;
	v8 =	vld [tilespmem:s11+$0x2C0];
	v6 =	vadd.f32 v9, v6;
	[tilespmem:s10+$0x8200] =	vst v7  }
0x228: {  	v7 =	vld [tilespmem:s16+$0x8200]  }
0x229: {  	[tilespmem:s11+$0x82A0] =	vst v6;
	v6 =	vadd.f32 v11, v10;
	v10 =	vld [tilespmem:s16+$0x200]  }
0x22a: {  	v9 =	vld [tilespmem:s11+$0x82D0]  }
0x22b: {  	v11 =	vld [tilespmem:s11+$0x2D0]  }
0x22c: {  	[tilespmem:s11+$0x82B0] =	vst v6;
	v5 =	vadd.f32 v8, v5;
	v6 =	vld [tilespmem:s11+$0x82E0]  }
0x22d: {  	v8 =	vld [tilespmem:s11+$0x2E0]  }
0x22e: {  	[tilespmem:s11+$0x82C0] =	vst v5;
	v5 =	vld [tilespmem:s11+$0x82F0];
	v7 =	vadd.f32 v10, v7  }
0x22f: {  	v10 =	vld [tilespmem:s11+$0x8300]  }
0x230: {  	s10 =	sor.u32 $0x440, s24;
	v9 =	vadd.f32 v11, v9;
	v11 =	vld [tilespmem:s11+$0x300];
	[tilespmem:s16+$0x8200] =	vst v7  }
0x231: {  	v7 =	vld [tilespmem:s10+$0x8200]  }
0x232: {  	v6 =	vadd.f32 v8, v6;
	v8 =	vld [tilespmem:s10+$0x200]  }
0x233: {  	[tilespmem:s11+$0x82D0] =	vst v9;
	v9 =	vld [tilespmem:s11+$0x310];
	v5 =	vadd.f32 v57, v5  }
0x234: {  	[tilespmem:s11+$0x82E0] =	vst v6;
	v6 =	vld [tilespmem:s11+$0x8310]  }
0x235: {  	[tilespmem:s11+$0x82F0] =	vst v5;
	v5 =	vadd.f32 v11, v10;
	v10 =	vld [tilespmem:s11+$0x8320]  }
0x236: {  	v11 =	vld [tilespmem:s11+$0x320]  }
0x237: {  	v58 =	vld [tilespmem:s11+$0x360];
	v7 =	vadd.f32 v8, v7  }
0x238: {  	[tilespmem:s11+$0x8300] =	vst v5;
	v5 =	vld [tilespmem:s11+$0x8330]  }
0x239: {  	s16 =	sor.u32 $0x450, s24;
	v8 =	vld [tilespmem:s11+$0x330];
	v6 =	vadd.f32 v9, v6;
	[tilespmem:s10+$0x8200] =	vst v7  }
0x23a: {  	v7 =	vld [tilespmem:s16+$0x8200]  }
0x23b: {  	[tilespmem:s11+$0x8310] =	vst v6;
	v6 =	vadd.f32 v11, v10;
	v10 =	vld [tilespmem:s16+$0x200]  }
0x23c: {  	v9 =	vld [tilespmem:s11+$0x8340]  }
0x23d: {  	v11 =	vld [tilespmem:s11+$0x340]  }
0x23e: {  	[tilespmem:s11+$0x8320] =	vst v6;
	v5 =	vadd.f32 v8, v5;
	v6 =	vld [tilespmem:s11+$0x8350]  }
0x23f: {  	v8 =	vld [tilespmem:s11+$0x350]  }
0x240: {  	[tilespmem:s11+$0x8330] =	vst v5;
	v5 =	vld [tilespmem:s11+$0x8360];
	v7 =	vadd.f32 v10, v7  }
0x241: {  	v10 =	vld [tilespmem:s11+$0x8370]  }
0x242: {  	s10 =	sor.u32 $0x460, s24;
	v9 =	vadd.f32 v11, v9;
	v11 =	vld [tilespmem:s11+$0x370];
	[tilespmem:s16+$0x8200] =	vst v7  }
0x243: {  	v7 =	vld [tilespmem:s10+$0x8200]  }
0x244: {  	[dreg:$0x6] =	wrdreg s9;
	s9 =	sor.u32 $0x400, s4;
	v6 =	vadd.f32 v8, v6;
	v8 =	vld [tilespmem:s10+$0x200]  }
0x245: {  	[tilespmem:s11+$0x8340] =	vst v9;
	v9 =	vld [tilespmem:s9+$0x8200];
	v5 =	vadd.f32 v58, v5  }
0x246: {  	s21 =	sor.u32 $0x400, s23;
	[tilespmem:s11+$0x8350] =	vst v6;
	v6 =	vld [tilespmem:s9+$0x200]  }
0x247: {  	v59 =	vld [tilespmem:s21+$0x8200];
	[tilespmem:s11+$0x8360] =	vst v5;
	v5 =	vadd.f32 v11, v10  }
0x248: {  	s0 =	sor.u32 $0x400, s8;
	v10 =	vld [tilespmem:s21+$0x200]  }
0x249: {  	[tilespmem:s11+$0x8370] =	vst v5;
	v5 =	vld [tilespmem:s0+$0x8200];
	v7 =	vadd.f32 v8, v7  }
0x24a: {  	v8 =	vld [tilespmem:s0+$0x200]  }
0x24b: {  	s16 =	sor.u32 $0x470, s24;
	v6 =	vadd.f32 v6, v9;
	[tilespmem:s10+$0x8200] =	vst v7;
	v7 =	vld [tilespmem:s13+$0x200]  }
0x24c: {  	v9 =	vld [tilespmem:s16+$0x8200]  }
0x24d: {  	s29 =	sor.u32 $0x410, s4;
	[tilespmem:s9+$0x8200] =	vst v6;
	v6 =	vadd.f32 v10, v59;
	v10 =	vld [tilespmem:s16+$0x200]  }
0x24e: {  	v11 =	vld [tilespmem:s29+$0x8200]  }
0x24f: {  	s31 =	sor.u32 $0x410, s23;
	v60 =	vld [tilespmem:s29+$0x200];
	[tilespmem:s21+$0x8200] =	vst v6;
	v5 =	vadd.f32 v8, v5  }
0x250: {  	v6 =	vld [tilespmem:s31+$0x8200];
	v4 =	vadd.f32 v7, v4  }
0x251: {  	s28 =	sor.u32 $0x410, s8;
	v7 =	vld [tilespmem:s31+$0x200];
	[tilespmem:s0+$0x8200] =	vst v5  }
0x252: {  	v5 =	vld [tilespmem:s28+$0x8200];
	[tilespmem:s13+$0x8200] =	vst v4  }
0x253: {  	v8 =	vadd.f32 v10, v9;
	v4 =	vld [tilespmem:s28+$0x200]  }
0x254: {  	v10 =	vld [tilespmem:s12+$0x200];
	v9 =	vadd.f32 v60, v11  }
0x255: {  	[tilespmem:s16+$0x8200] =	vst v8;
	v8 =	vld [tilespmem:s12+$0x8200]  }
0x256: {  	s2 =	sor.u32 $0x420, s4;
	[tilespmem:s29+$0x8200] =	vst v9;
	v6 =	vadd.f32 v7, v6;
	v7 =	vld [tilespmem:s5+$0x8200]  }
0x257: {  	v9 =	vld [tilespmem:s2+$0x8200]  }
0x258: {  	s30 =	sor.u32 $0x420, s23;
	v11 =	vld [tilespmem:s2+$0x200];
	[tilespmem:s31+$0x8200] =	vst v6;
	v4 =	vadd.f32 v4, v5  }
0x259: {  	v5 =	vld [tilespmem:s30+$0x8200]  }
0x25a: {  	s25 =	sor.u32 $0x420, s8;
	v6 =	vld [tilespmem:s30+$0x200];
	[tilespmem:s28+$0x8200] =	vst v4  }
0x25b: {  	v4 =	vadd.f32 v10, v8;
	v8 =	vld [tilespmem:s25+$0x8200]  }
0x25c: {  	v10 =	vld [tilespmem:s25+$0x200]  }
0x25d: {  	[tilespmem:s12+$0x8200] =	vst v4;
	v4 =	vadd.f32 v11, v9;
	v9 =	vld [tilespmem:s5+$0x200]  }
0x25e: {  	v11 =	vld [tilespmem:s15+$0x8200]  }
0x25f: {  	s3 =	sor.u32 $0x430, s4;
	[tilespmem:s2+$0x8200] =	vst v4;
	v4 =	vadd.f32 v6, v5;
	v5 =	vld [tilespmem:s15+$0x200]  }
0x260: {  	v6 =	vld [tilespmem:s3+$0x8200]  }
0x261: {  	s7 =	sor.u32 $0x430, s23;
	v61 =	vld [tilespmem:s3+$0x200];
	[tilespmem:s30+$0x8200] =	vst v4;
	v4 =	vadd.f32 v10, v8  }
0x262: {  	v8 =	vld [tilespmem:s7+$0x8200]  }
0x263: {  	s6 =	sor.u32 $0x430, s8;
	v7 =	vadd.f32 v9, v7;
	v9 =	vld [tilespmem:s7+$0x200];
	[tilespmem:s25+$0x8200] =	vst v4  }
0x264: {  	v4 =	vld [tilespmem:s6+$0x8200]  }
0x265: {  	s26 =	sor.u32 $0x440, s4;
	s20 =	sor.u32 $0x450, s4;
	s4 =	sor.u32 $0x470, s4;
	[tilespmem:s5+$0x8200] =	vst v7;
	v5 =	vadd.f32 v5, v11;
	v7 =	vld [tilespmem:s6+$0x200]  }
0x266: {  	[dreg:$0x8] =	wrdreg s4;
	v10 =	vld [tilespmem:s1+$0x8200];
	v6 =	vadd.f32 v61, v6  }
0x267: {  	s22 =	sor.u32 $0x440, s8;
	s4 =	sor.u32 $0x470, s8;
	s8 =	rddreg [dreg:$0x6];
	[tilespmem:s15+$0x8200] =	vst v5;
	v5 =	vld [tilespmem:s1+$0x200]  }
0x268: {  	[tilespmem:s3+$0x8200] =	vst v6;
	v6 =	vadd.f32 v9, v8;
	v8 =	vld [tilespmem:s8+$0x8200]  }
0x269: {  	v9 =	vld [tilespmem:s26+$0x8200]  }
0x26a: {  	s29 =	rddreg [dreg:$0xb];
	v11 =	vld [tilespmem:s26+$0x200];
	[tilespmem:s7+$0x8200] =	vst v6;
	v4 =	vadd.f32 v7, v4  }
0x26b: {  	v6 =	vld [tilespmem:s29+$0x8200]  }
0x26c: {  	v7 =	vld [tilespmem:s29+$0x200];
	[tilespmem:s6+$0x8200] =	vst v4  }
0x26d: {  	v4 =	vadd.f32 v5, v10;
	v62 =	vld [tilespmem:s22+$0x8200]  }
0x26e: {  	s14 =	sadd.s32 $0x4, s14;
	s24 =	rddreg [dreg:$0x10];
	v63 =	vld [tilespmem:s22+$0x200]  }
0x26f: {  	p2 =	slt.u32 s14, $0x7C;
	s3 =	rddreg [dreg:$0x4];
	[tilespmem:s1+$0x8200] =	vst v4;
	v4 =	vadd.f32 v11, v9;
	v11 =	vld [tilespmem:s8+$0x200]  }
.Ltmp0:
0x270: {  	s17 =	sadd.s32 $0x200, s17;
	s21 =	rddreg [dreg:$0x12];
	v5 =	vld [tilespmem:s3+$0x8200];
	(pc) =	sbr.rel @p2 .LBB2_4-.Ltmp0, $4  }
0x271: {  	s18 =	sadd.s32 $0x400, s18;
	s19 =	sor.u32 $0x450, s23;
	s31 =	rddreg [dreg:$0x8];
	[tilespmem:s26+$0x8200] =	vst v4;
	v4 =	vadd.f32 v7, v6;
	v6 =	vld [tilespmem:s3+$0x200]  }
0x272: {  	s23 =	sor.u32 $0x470, s23;
	s28 =	rddreg [dreg:$0xa];
	s30 =	smov.u32 s29;
	v7 =	vld [tilespmem:s20+$0x8200]  }
0x273: {  	s13 =	smov.u32 s21;
	s12 =	smov.u32 s24;
	s25 =	rddreg [dreg:$0xe];
	v10 =	vld [tilespmem:s20+$0x200];
	[tilespmem:s30+$0x8200] =	vst v4  }
0x274: {  	s5 =	smov.u32 s25;
	s15 =	smov.u32 s28;
	s1 =	smov.u32 s31;
	v4 =	vadd.f32 v63, v62;
	v9 =	vld [tilespmem:s19+$0x8200];
	v8 =	vadd.f32 v11, v8  }
0x275: {  	_ = 	snop  }
0x276: {  	v11 =	vld [tilespmem:s19+$0x200];
	[tilespmem:s22+$0x8200] =	vst v4  }
0x277: {  	v4 =	vld [tilespmem:s13+$0x8200]  }
0x278: {  	v12 =	vld [tilespmem:s13+$0x200]  }
0x279: {  	v7 =	vadd.f32 v10, v7;
	_ =	sdelay $0x1  }
0x27a: {  	[tilespmem:s20+$0x8200] =	vst v7;
	v53 =	vadd.f32 v11, v9  }
0x27b: {  	v54 =	vld [tilespmem:s12+$0x8200]  }
0x27c: {  	v55 =	vld [tilespmem:s12+$0x200];
	[tilespmem:s19+$0x8200] =	vst v53;
	v4 =	vadd.f32 v12, v4  }
0x27d: {  	v56 =	vld [tilespmem:s5+$0x8200]  }
0x27e: {  	[tilespmem:s13+$0x8200] =	vst v4;
	v4 =	vld [tilespmem:s5+$0x200]  }
0x27f: {  	v57 =	vld [tilespmem:s15+$0x8200]  }
0x280: {  	v58 =	vld [tilespmem:s15+$0x200]  }
0x281: {  	v7 =	vadd.f32 v55, v54;
	_ =	sdelay $0x1  }
0x282: {  	[tilespmem:s12+$0x8200] =	vst v7;
	v4 =	vadd.f32 v4, v56  }
0x283: {  	v7 =	vld [tilespmem:s1+$0x8200]  }
0x284: {  	v59 =	vld [tilespmem:s1+$0x200];
	[tilespmem:s5+$0x8200] =	vst v4;
	v4 =	vadd.f32 v58, v57  }
0x285: {  	v60 =	vld [tilespmem:s23+$0x8200]  }
0x286: {  	[tilespmem:s15+$0x8200] =	vst v4;
	v4 =	vld [tilespmem:s23+$0x200]  }
0x287: {  	v61 =	vld [tilespmem:s4+$0x8200]  }
0x288: {  	v62 =	vld [tilespmem:s4+$0x200]  }
0x289: {  	v5 =	vadd.f32 v6, v5  }
0x28a: {  	[tilespmem:s8+$0x8200] =	vst v8;
	v63 =	vadd.f32 v59, v7  }
0x28b: {  	[tilespmem:s3+$0x8200] =	vst v5  }
0x28c: {  	[tilespmem:s1+$0x8200] =	vst v63;
	v4 =	vadd.f32 v4, v60  }
0x28d: {  	s0 =	rddreg [dreg:$0x17];
	v5 =	vadd.f32 v62, v61  }
0x28e: {  	s3 =	sld [smem:$0x7FB];
	[tilespmem:s23+$0x8200] =	vst v4  }
0x28f: {  	[tilespmem:s4+$0x8200] =	vst v5  }
0x290: {  	s31 =	sld [smem:$0x7FA];
	_ =	sdelay $0x2  }
0x291: {  	p1 =	seq.s32 s31, $0xF  }
.Ltmp1:
0x292: {  	s1 =	sld [smem:$0x7FD];
	(pc) =	sbr.rel @p1 .LBB2_7-.Ltmp1, $4  }
0x293: {  	s0 =	sadd.s32 s0, s3  }
0x294: {  	s0 =	sshll.u32 s0, $0xD  }
0x295: {  	s30 =	simm.s32 $0x0;
	s2 =	simm.s32 $0x8200;
	s0 =	sadd.s32 s1, s0  }
0x296: {  	[hbm4b:s0+s30] =	stream.linear.scatter [tilespmem:s2], [sflag:$0x3], $0x8000, $0x38;
	[tilespmem:$0x18200] =	vst v63  }
0x297: {  	s0 =	simm.s32 $0x3  }
0x298: {  	_ =	swait.ge [sflag:s0], $0x8000  }
0x299: {  	[sflag:s0] =	ssyncset.done $0x0  }
0x29a: {  	s1 =	rddreg [dreg:$0x1f];
	[sflag:s0] =	ssyncadd.s32 $0xFFFF8000  }
0x29b: {  	v4 =	vld [tilespmem:s1+$0x0];
	_ =	sdelay $0x1  }
0x29c: {  	s13 =	rddreg [dreg:$0x19]  }
0x29d: {  	s0 =	sadd.s32 s3, s13  }
0x29e: {  	s0 =	sshll.u32 s0, $0x7  }
0x29f: {  	v5 =	vadd.s32 s0, v4  }
0x2a0: {  	[tilespmem:$0x100] =	vst v5  }
0x2a1: {  	v6 =	vld [tilespmem:s1+$0x10];
	_ =	sdelay $0x4  }
0x2a2: {  	v6 =	vadd.s32 s0, v6  }
0x2a3: {  	[tilespmem:$0x110] =	vst v6  }
0x2a4: {  	v6 =	vld [tilespmem:s1+$0x20];
	_ =	sdelay $0x4  }
0x2a5: {  	v6 =	vadd.s32 s0, v6  }
0x2a6: {  	[tilespmem:$0x120] =	vst v6  }
0x2a7: {  	v6 =	vld [tilespmem:s1+$0x30];
	_ =	sdelay $0x4  }
0x2a8: {  	v6 =	vadd.s32 s0, v6  }
0x2a9: {  	[tilespmem:$0x130] =	vst v6  }
0x2aa: {  	v6 =	vld [tilespmem:s1+$0x40];
	_ =	sdelay $0x4  }
0x2ab: {  	v6 =	vadd.s32 s0, v6  }
0x2ac: {  	[tilespmem:$0x140] =	vst v6  }
0x2ad: {  	v6 =	vld [tilespmem:s1+$0x50];
	_ =	sdelay $0x4  }
0x2ae: {  	v6 =	vadd.s32 s0, v6  }
0x2af: {  	[tilespmem:$0x150] =	vst v6  }
0x2b0: {  	v6 =	vld [tilespmem:s1+$0x60];
	_ =	sdelay $0x3  }
0x2b1: {  	v5 =	vshll.u32 v5, $0x1  }
0x2b2: {  	v4 =	vand.u32 $0x7, v4;
	v5 =	vand.u32 $0xFFFFFFF0, v5;
	v6 =	vadd.s32 s0, v6  }
0x2b3: {  	v4 =	vor.u32 v4, v5;
	[tilespmem:$0x160] =	vst v6  }
0x2b4: {  	v63 =	vperm.xlane v4, v1;
	v5 =	vld [tilespmem:s1+$0x70];
	_ =	sdelay $0x1  }
0x2b5: {  	v4 =	vperm.xlane v4, v3;
	v6 =	vadd.s32 v2, v63;
	_ =	sdelay $0x1  }
0x2b6: {  	v4 =	vadd.s32 v2, v4  }
0x2b7: {  	v5 =	vadd.s32 s0, v5  }
0x2b8: {  	s14 =	simm.s32 $0x0;
	s2 =	simm.s32 $0x8200;
	s15 =	rddreg [dreg:$0x14];
	[tilespmem:$0x170] =	vst v5  }
0x2b9: {  	[tilespmem:s2], [sflag:$0x1] =	stream.indirect_vreg.gather [hbm4b:s15+s14], $0x80, v6, vm0, $0xb8;
	[tilespmem:$0x18200] =	vst v63  }
0x2ba: {  	s16 =	simm.s32 $0x8A00  }
0x2bb: {  	[tilespmem:s16], [sflag:$0x1] =	stream.indirect_vreg.gather [hbm4b:s15+s14], $0x80, v4, vm0, $0xb8;
	[tilespmem:$0x18200] =	vst v63  }
0x2bc: {  	v4 =	vld [tilespmem:$0x110];
	_ =	sdelay $0x4  }
0x2bd: {  	v5 =	vshll.u32 v4, $0x1  }
0x2be: {  	v4 =	vand.u32 $0x7, v4;
	v5 =	vand.u32 $0xFFFFFFF0, v5  }
0x2bf: {  	v4 =	vor.u32 v4, v5  }
0x2c0: {  	v5 =	vperm.xlane v4, v1;
	_ =	sdelay $0x1  }
0x2c1: {  	v4 =	vperm.xlane v4, v3;
	v5 =	vadd.s32 v2, v5;
	_ =	sdelay $0x1  }
0x2c2: {  	v4 =	vadd.s32 v2, v4;
	_ =	sdelay $0x1  }
0x2c3: {  	s17 =	simm.s32 $0x9200  }
0x2c4: {  	[tilespmem:s17], [sflag:$0x1] =	stream.indirect_vreg.gather [hbm4b:s15+s14], $0x80, v5, vm0, $0xb8;
	[tilespmem:$0x18200] =	vst v63  }
0x2c5: {  	s18 =	simm.s32 $0x9A00  }
0x2c6: {  	[tilespmem:s18], [sflag:$0x1] =	stream.indirect_vreg.gather [hbm4b:s15+s14], $0x80, v4, vm0, $0xb8;
	[tilespmem:$0x18200] =	vst v63  }
0x2c7: {  	v4 =	vld [tilespmem:$0x120];
	_ =	sdelay $0x4  }
0x2c8: {  	v5 =	vshll.u32 v4, $0x1  }
0x2c9: {  	v4 =	vand.u32 $0x7, v4;
	v5 =	vand.u32 $0xFFFFFFF0, v5  }
0x2ca: {  	v4 =	vor.u32 v4, v5  }
0x2cb: {  	v5 =	vperm.xlane v4, v1;
	_ =	sdelay $0x1  }
0x2cc: {  	v4 =	vperm.xlane v4, v3;
	v5 =	vadd.s32 v2, v5;
	_ =	sdelay $0x1  }
0x2cd: {  	v4 =	vadd.s32 v2, v4;
	_ =	sdelay $0x1  }
0x2ce: {  	s19 =	simm.s32 $0xA200  }
0x2cf: {  	[tilespmem:s19], [sflag:$0x1] =	stream.indirect_vreg.gather [hbm4b:s15+s14], $0x80, v5, vm0, $0xb8;
	[tilespmem:$0x18200] =	vst v63  }
0x2d0: {  	s20 =	simm.s32 $0xAA00  }
0x2d1: {  	[tilespmem:s20], [sflag:$0x1] =	stream.indirect_vreg.gather [hbm4b:s15+s14], $0x80, v4, vm0, $0xb8;
	[tilespmem:$0x18200] =	vst v63  }
0x2d2: {  	v4 =	vld [tilespmem:$0x130];
	_ =	sdelay $0x4  }
0x2d3: {  	v5 =	vshll.u32 v4, $0x1  }
0x2d4: {  	v4 =	vand.u32 $0x7, v4;
	v5 =	vand.u32 $0xFFFFFFF0, v5  }
0x2d5: {  	v4 =	vor.u32 v4, v5  }
0x2d6: {  	v5 =	vperm.xlane v4, v1;
	_ =	sdelay $0x1  }
0x2d7: {  	v4 =	vperm.xlane v4, v3;
	v5 =	vadd.s32 v2, v5;
	_ =	sdelay $0x1  }
0x2d8: {  	v4 =	vadd.s32 v2, v4;
	_ =	sdelay $0x1  }
0x2d9: {  	s21 =	simm.s32 $0xB200  }
0x2da: {  	[tilespmem:s21], [sflag:$0x1] =	stream.indirect_vreg.gather [hbm4b:s15+s14], $0x80, v5, vm0, $0xb8;
	[tilespmem:$0x18200] =	vst v63  }
0x2db: {  	s22 =	simm.s32 $0xBA00  }
0x2dc: {  	[tilespmem:s22], [sflag:$0x1] =	stream.indirect_vreg.gather [hbm4b:s15+s14], $0x80, v4, vm0, $0xb8;
	[tilespmem:$0x18200] =	vst v63  }
0x2dd: {  	v4 =	vld [tilespmem:$0x140];
	_ =	sdelay $0x4  }
0x2de: {  	v5 =	vshll.u32 v4, $0x1  }
0x2df: {  	v4 =	vand.u32 $0x7, v4;
	v5 =	vand.u32 $0xFFFFFFF0, v5  }
0x2e0: {  	v4 =	vor.u32 v4, v5  }
0x2e1: {  	v5 =	vperm.xlane v4, v1;
	_ =	sdelay $0x1  }
0x2e2: {  	v4 =	vperm.xlane v4, v3;
	v5 =	vadd.s32 v2, v5;
	_ =	sdelay $0x1  }
0x2e3: {  	v4 =	vadd.s32 v2, v4;
	_ =	sdelay $0x1  }
0x2e4: {  	s23 =	simm.s32 $0xC200  }
0x2e5: {  	[tilespmem:s23], [sflag:$0x1] =	stream.indirect_vreg.gather [hbm4b:s15+s14], $0x80, v5, vm0, $0xb8;
	[tilespmem:$0x18200] =	vst v63  }
0x2e6: {  	s24 =	simm.s32 $0xCA00  }
0x2e7: {  	[tilespmem:s24], [sflag:$0x1] =	stream.indirect_vreg.gather [hbm4b:s15+s14], $0x80, v4, vm0, $0xb8;
	[tilespmem:$0x18200] =	vst v63  }
0x2e8: {  	v4 =	vld [tilespmem:$0x150];
	_ =	sdelay $0x4  }
0x2e9: {  	v5 =	vshll.u32 v4, $0x1  }
0x2ea: {  	v4 =	vand.u32 $0x7, v4;
	v5 =	vand.u32 $0xFFFFFFF0, v5  }
0x2eb: {  	v4 =	vor.u32 v4, v5  }
0x2ec: {  	v5 =	vperm.xlane v4, v1;
	_ =	sdelay $0x1  }
0x2ed: {  	v4 =	vperm.xlane v4, v3;
	v5 =	vadd.s32 v2, v5;
	_ =	sdelay $0x1  }
0x2ee: {  	v4 =	vadd.s32 v2, v4;
	_ =	sdelay $0x1  }
0x2ef: {  	s25 =	simm.s32 $0xD200  }
0x2f0: {  	[tilespmem:s25], [sflag:$0x1] =	stream.indirect_vreg.gather [hbm4b:s15+s14], $0x80, v5, vm0, $0xb8;
	[tilespmem:$0x18200] =	vst v63  }
0x2f1: {  	s26 =	simm.s32 $0xDA00  }
0x2f2: {  	[tilespmem:s26], [sflag:$0x1] =	stream.indirect_vreg.gather [hbm4b:s15+s14], $0x80, v4, vm0, $0xb8;
	[tilespmem:$0x18200] =	vst v63  }
0x2f3: {  	v4 =	vld [tilespmem:$0x160];
	_ =	sdelay $0x4  }
0x2f4: {  	v5 =	vshll.u32 v4, $0x1  }
0x2f5: {  	v4 =	vand.u32 $0x7, v4;
	v5 =	vand.u32 $0xFFFFFFF0, v5  }
0x2f6: {  	v4 =	vor.u32 v4, v5  }
0x2f7: {  	v5 =	vperm.xlane v4, v1;
	_ =	sdelay $0x1  }
0x2f8: {  	v4 =	vperm.xlane v4, v3;
	v5 =	vadd.s32 v2, v5;
	_ =	sdelay $0x1  }
0x2f9: {  	v4 =	vadd.s32 v2, v4;
	_ =	sdelay $0x1  }
0x2fa: {  	s28 =	simm.s32 $0xE200  }
0x2fb: {  	[tilespmem:s28], [sflag:$0x1] =	stream.indirect_vreg.gather [hbm4b:s15+s14], $0x80, v5, vm0, $0xb8;
	[tilespmem:$0x18200] =	vst v63  }
0x2fc: {  	s29 =	simm.s32 $0xEA00  }
0x2fd: {  	[tilespmem:s29], [sflag:$0x1] =	stream.indirect_vreg.gather [hbm4b:s15+s14], $0x80, v4, vm0, $0xb8;
	[tilespmem:$0x18200] =	vst v63  }
0x2fe: {  	v4 =	vld [tilespmem:$0x170];
	_ =	sdelay $0x4  }
0x2ff: {  	v5 =	vshll.u32 v4, $0x1  }
0x300: {  	v4 =	vand.u32 $0x7, v4;
	v5 =	vand.u32 $0xFFFFFFF0, v5  }
0x301: {  	v4 =	vor.u32 v4, v5  }
0x302: {  	v5 =	vperm.xlane v4, v1;
	_ =	sdelay $0x1  }
0x303: {  	v4 =	vperm.xlane v4, v3;
	v5 =	vadd.s32 v2, v5;
	_ =	sdelay $0x1  }
0x304: {  	v4 =	vadd.s32 v2, v4;
	_ =	sdelay $0x1  }
0x305: {  	s30 =	simm.s32 $0xF200  }
0x306: {  	[tilespmem:s30], [sflag:$0x1] =	stream.indirect_vreg.gather [hbm4b:s15+s14], $0x80, v5, vm0, $0xb8;
	[tilespmem:$0x18200] =	vst v63  }
0x307: {  	s31 =	simm.s32 $0xFA00  }
0x308: {  	[tilespmem:s31], [sflag:$0x1] =	stream.indirect_vreg.gather [hbm4b:s15+s14], $0x80, v4, vm0, $0xb8;
	[tilespmem:$0x18200] =	vst v63  }
.LBB2_7:
0x309: {  	s2 =	simm.s32 $0x2  }
0x30a: {  	s0 =	simm.s32 $0x0;
	_ =	swait.ge [sflag:s2], $0x8000  }
0x30b: {  	s1 =	sand.u32 $0x7800, s0;
	s0 =	sand.u32 $0x200, s0;
	[sflag:s2] =	ssyncset.done $0x0  }
0x30c: {  	s23 =	sor.u32 s0, s1;
	[sflag:s2] =	ssyncadd.s32 $0xFFFF8000  }
0x30d: {  	v4 =	vld [tilespmem:s23+$0x10380]  }
0x30e: {  	v5 =	vld [tilespmem:s23+$0x380]  }
0x30f: {  	v6 =	vld [tilespmem:s23+$0x10390]  }
0x310: {  	v7 =	vld [tilespmem:s23+$0x390]  }
0x311: {  	v8 =	vld [tilespmem:s23+$0x103A0]  }
0x312: {  	v9 =	vld [tilespmem:s23+$0x3A0]  }
0x313: {  	v10 =	vld [tilespmem:s23+$0x103B0]  }
0x314: {  	v11 =	vld [tilespmem:s23+$0x3B0]  }
0x315: {  	v12 =	vld [tilespmem:s23+$0x103C0]  }
0x316: {  	v13 =	vld [tilespmem:s23+$0x103D0]  }
0x317: {  	v14 =	vld [tilespmem:s23+$0x3D0]  }
0x318: {  	v15 =	vld [tilespmem:s23+$0x103E0]  }
0x319: {  	v16 =	vld [tilespmem:s23+$0x3E0]  }
0x31a: {  	v54 =	vld [tilespmem:s23+$0x10230]  }
0x31b: {  	v55 =	vld [tilespmem:s23+$0x230]  }
0x31c: {  	v56 =	vld [tilespmem:s23+$0x10240]  }
0x31d: {  	v57 =	vld [tilespmem:s23+$0x240]  }
0x31e: {  	v58 =	vld [tilespmem:s23+$0x10250]  }
0x31f: {  	v17 =	vld [tilespmem:s23+$0x10260]  }
0x320: {  	v19 =	vld [tilespmem:s23+$0x260]  }
0x321: {  	v20 =	vld [tilespmem:s23+$0x10270]  }
0x322: {  	v21 =	vld [tilespmem:s23+$0x270]  }
0x323: {  	v22 =	vld [tilespmem:s23+$0x10280]  }
0x324: {  	v23 =	vld [tilespmem:s23+$0x280]  }
0x325: {  	v59 =	vld [tilespmem:s23+$0x10290]  }
0x326: {  	v24 =	vld [tilespmem:s23+$0x290]  }
0x327: {  	v4 =	vadd.f32 v5, v4;
	v5 =	vld [tilespmem:s23+$0x103F0]  }
0x328: {  	v6 =	vadd.f32 v7, v6;
	v7 =	vld [tilespmem:s23+$0x3F0]  }
0x329: {  	[tilespmem:s23+$0x10380] =	vst v4;
	v4 =	vadd.f32 v9, v8;
	v8 =	vld [tilespmem:s23+$0x3C0]  }
0x32a: {  	v26 =	vld [tilespmem:s23+$0x102A0];
	[tilespmem:s23+$0x10390] =	vst v6;
	v6 =	vadd.f32 v11, v10  }
0x32b: {  	p1 =	por $0x0, $0x0;
	s0 =	simm.s32 $0x1;
	v27 =	vld [tilespmem:s23+$0x2A0];
	[tilespmem:s23+$0x103A0] =	vst v4;
	v4 =	vadd.f32 v14, v13  }
0x32c: {  	s0 =	simm.s32 @!p1 $0x0;
	v28 =	vld [tilespmem:s23+$0x102B0];
	[tilespmem:s23+$0x103B0] =	vst v6;
	v6 =	vadd.f32 v16, v15  }
0x32d: {  	s0 =	sshll.u32 s0, $0x9;
	v29 =	vld [tilespmem:s23+$0x2B0];
	[tilespmem:s23+$0x103D0] =	vst v4;
	v4 =	vadd.f32 v7, v5  }
0x32e: {  	v30 =	vld [tilespmem:s23+$0x102C0];
	s1 =	sadd.s32 $0x0, s0;
	[tilespmem:s23+$0x103E0] =	vst v6;
	v7 =	vadd.f32 v8, v12  }
0x32f: {  	v31 =	vld [tilespmem:s23+$0x2C0];
	s0 =	sadd.s32 $0x180, s1;
	[tilespmem:s23+$0x103F0] =	vst v4  }
0x330: {  	v32 =	vld [tilespmem:s23+$0x102D0];
	s3 =	sor.u32 $0x400, s0;
	[tilespmem:s23+$0x103C0] =	vst v7  }
0x331: {  	v7 =	vld [tilespmem:s3+$0x10200]  }
0x332: {  	v8 =	vld [tilespmem:s3+$0x200]  }
0x333: {  	v33 =	vld [tilespmem:s23+$0x2D0]  }
0x334: {  	v9 =	vld [tilespmem:s23+$0x10200]  }
0x335: {  	v11 =	vld [tilespmem:s23+$0x10210]  }
0x336: {  	v5 =	vld [tilespmem:s23+$0x210]  }
0x337: {  	v10 =	vld [tilespmem:s23+$0x200];
	v7 =	vadd.f32 v8, v7  }
0x338: {  	v6 =	vld [tilespmem:s23+$0x10220]  }
0x339: {  	s24 =	sor.u32 $0x410, s0;
	v8 =	vld [tilespmem:s23+$0x250];
	[tilespmem:s3+$0x10200] =	vst v7  }
0x33a: {  	v7 =	vld [tilespmem:s24+$0x10200]  }
0x33b: {  	v5 =	vadd.f32 v5, v11;
	v18 =	vld [tilespmem:s24+$0x200]  }
0x33c: {  	v4 =	vld [tilespmem:s23+$0x220]  }
0x33d: {  	v60 =	vld [tilespmem:s23+$0x10300];
	[tilespmem:s23+$0x10210] =	vst v5;
	v5 =	vadd.f32 v55, v54  }
0x33e: {  	v61 =	vld [tilespmem:s23+$0x10310];
	v9 =	vadd.f32 v10, v9  }
0x33f: {  	v62 =	vld [tilespmem:s23+$0x310];
	[tilespmem:s23+$0x10230] =	vst v5;
	v5 =	vadd.f32 v8, v58  }
0x340: {  	v63 =	vld [tilespmem:s23+$0x10320];
	[tilespmem:s23+$0x10200] =	vst v9;
	v7 =	vadd.f32 v18, v7  }
0x341: {  	v10 =	vld [tilespmem:s23+$0x102E0];
	v4 =	vadd.f32 v4, v6;
	[tilespmem:s23+$0x10250] =	vst v5  }
0x342: {  	s25 =	sor.u32 $0x420, s0;
	v9 =	vld [tilespmem:s23+$0x2F0];
	v5 =	vadd.f32 v21, v20;
	[tilespmem:s24+$0x10200] =	vst v7  }
0x343: {  	[tilespmem:s23+$0x10220] =	vst v4;
	v4 =	vadd.f32 v57, v56;
	v7 =	vld [tilespmem:s25+$0x10200]  }
0x344: {  	[tilespmem:s23+$0x10270] =	vst v5;
	v5 =	vadd.f32 v24, v59;
	v25 =	vld [tilespmem:s25+$0x200]  }
0x345: {  	v11 =	vld [tilespmem:s23+$0x2E0];
	[tilespmem:s23+$0x10240] =	vst v4;
	v4 =	vadd.f32 v19, v17  }
0x346: {  	v6 =	vld [tilespmem:s23+$0x102F0];
	[tilespmem:s23+$0x10290] =	vst v5;
	v5 =	vadd.f32 v27, v26  }
0x347: {  	[tilespmem:s23+$0x10260] =	vst v4;
	v4 =	vadd.f32 v23, v22;
	v8 =	vld [tilespmem:s23+$0x300]  }
0x348: {  	v24 =	vld [tilespmem:s23+$0x320];
	[tilespmem:s23+$0x102A0] =	vst v5;
	v5 =	vadd.f32 v31, v30  }
0x349: {  	[tilespmem:s23+$0x10280] =	vst v4;
	v27 =	vld [tilespmem:s23+$0x330];
	v4 =	vadd.f32 v25, v7  }
0x34a: {  	v30 =	vld [tilespmem:s23+$0x10350];
	[tilespmem:s23+$0x102C0] =	vst v5  }
0x34b: {  	v5 =	vadd.f32 v11, v10;
	v10 =	vld [tilespmem:s23+$0x350];
	[tilespmem:s25+$0x10200] =	vst v4;
	v4 =	vadd.f32 v29, v28  }
0x34c: {  	v28 =	vld [tilespmem:s23+$0x10340]  }
0x34d: {  	v29 =	vld [tilespmem:s23+$0x340];
	[tilespmem:s23+$0x102B0] =	vst v4;
	v4 =	vadd.f32 v33, v32  }
0x34e: {  	v7 =	vld [tilespmem:s23+$0x10330];
	[tilespmem:s23+$0x102E0] =	vst v5;
	v5 =	vadd.f32 v8, v60  }
0x34f: {  	v8 =	vld [tilespmem:s23+$0x360];
	[tilespmem:s23+$0x102D0] =	vst v4;
	v4 =	vadd.f32 v9, v6  }
0x350: {  	[tilespmem:s23+$0x10300] =	vst v5;
	v5 =	vadd.f32 v24, v63;
	v6 =	vld [tilespmem:s23+$0x10360]  }
0x351: {  	v11 =	vld [tilespmem:s23+$0x370];
	[tilespmem:s23+$0x102F0] =	vst v4;
	v4 =	vadd.f32 v62, v61  }
0x352: {  	s26 =	sor.u32 $0x400, s1;
	[tilespmem:s23+$0x10320] =	vst v5;
	v9 =	vld [tilespmem:s23+$0x10370];
	v5 =	vadd.f32 v29, v28  }
0x353: {  	s8 =	sadd.s32 $0x80, s1;
	v31 =	vld [tilespmem:s26+$0x200];
	[tilespmem:s23+$0x10310] =	vst v4;
	v4 =	vadd.f32 v27, v7  }
0x354: {  	s4 =	sor.u32 $0x400, s8;
	[tilespmem:s23+$0x10340] =	vst v5;
	v7 =	vld [tilespmem:s26+$0x10200]  }
0x355: {  	v5 =	vadd.f32 v8, v6;
	v6 =	vld [tilespmem:s4+$0x200];
	[tilespmem:s23+$0x10330] =	vst v4;
	v4 =	vadd.f32 v10, v30  }
0x356: {  	v10 =	vld [tilespmem:s4+$0x10200]  }
0x357: {  	s6 =	sor.u32 $0x430, s0;
	[tilespmem:s23+$0x10350] =	vst v4;
	v4 =	vadd.f32 v11, v9  }
0x358: {  	s5 =	sadd.s32 $0x100, s1;
	v8 =	vld [tilespmem:s6+$0x10200];
	[tilespmem:s23+$0x10360] =	vst v5  }
0x359: {  	s7 =	sor.u32 $0x400, s5;
	v5 =	vld [tilespmem:s6+$0x200];
	[tilespmem:s23+$0x10370] =	vst v4;
	v4 =	vadd.f32 v31, v7  }
0x35a: {  	v7 =	vld [tilespmem:s7+$0x10200]  }
0x35b: {  	s28 =	sor.u32 $0x410, s1;
	v9 =	vld [tilespmem:s7+$0x200];
	[tilespmem:s26+$0x10200] =	vst v4;
	v4 =	vadd.f32 v6, v10  }
0x35c: {  	v6 =	vld [tilespmem:s28+$0x10200]  }
0x35d: {  	s29 =	sor.u32 $0x410, s8;
	v10 =	vld [tilespmem:s28+$0x200];
	[tilespmem:s4+$0x10200] =	vst v4  }
0x35e: {  	v4 =	vadd.f32 v5, v8;
	v5 =	vld [tilespmem:s29+$0x10200]  }
0x35f: {  	v8 =	vld [tilespmem:s29+$0x200]  }
0x360: {  	s30 =	sor.u32 $0x440, s0;
	[tilespmem:s6+$0x10200] =	vst v4;
	v4 =	vadd.f32 v9, v7  }
0x361: {  	v7 =	vld [tilespmem:s30+$0x10200]  }
0x362: {  	s31 =	sor.u32 $0x410, s5;
	v9 =	vld [tilespmem:s30+$0x200];
	[tilespmem:s7+$0x10200] =	vst v4;
	v4 =	vadd.f32 v10, v6  }
0x363: {  	v6 =	vld [tilespmem:s31+$0x10200]  }
0x364: {  	s9 =	sor.u32 $0x420, s1;
	v10 =	vld [tilespmem:s31+$0x200];
	[tilespmem:s28+$0x10200] =	vst v4;
	v4 =	vadd.f32 v8, v5  }
0x365: {  	v5 =	vld [tilespmem:s9+$0x10200]  }
0x366: {  	s10 =	sor.u32 $0x420, s8;
	v8 =	vld [tilespmem:s9+$0x200];
	[tilespmem:s29+$0x10200] =	vst v4  }
0x367: {  	v4 =	vadd.f32 v9, v7;
	v7 =	vld [tilespmem:s10+$0x10200]  }
0x368: {  	v9 =	vld [tilespmem:s10+$0x200]  }
0x369: {  	s11 =	sor.u32 $0x450, s0;
	[tilespmem:s30+$0x10200] =	vst v4;
	v4 =	vadd.f32 v10, v6  }
0x36a: {  	v6 =	vld [tilespmem:s11+$0x10200]  }
0x36b: {  	s12 =	sor.u32 $0x420, s5;
	v10 =	vld [tilespmem:s11+$0x200];
	[tilespmem:s31+$0x10200] =	vst v4;
	v4 =	vadd.f32 v8, v5  }
0x36c: {  	v5 =	vld [tilespmem:s12+$0x10200]  }
0x36d: {  	s13 =	sor.u32 $0x430, s1;
	v8 =	vld [tilespmem:s12+$0x200];
	[tilespmem:s9+$0x10200] =	vst v4;
	v4 =	vadd.f32 v9, v7  }
0x36e: {  	s21 =	simm.s32 $0x200;
	v7 =	vld [tilespmem:s13+$0x10200]  }
0x36f: {  	s22 =	simm.s32 $0x400;
	s14 =	sor.u32 $0x430, s8;
	s15 =	sor.u32 $0x460, s0;
	v9 =	vld [tilespmem:s13+$0x200];
	[tilespmem:s10+$0x10200] =	vst v4  }
0x370: {  	s4 =	sand.u32 $0x7800, s22;
	v4 =	vadd.f32 v10, v6;
	s10 =	sor.u32 $0x470, s0;
	s0 =	sand.u32 $0x200, s21;
	v6 =	vld [tilespmem:s14+$0x10200]  }
0x371: {  	v10 =	vld [tilespmem:s14+$0x200];
	s4 =	sor.u32 s0, s4  }
0x372: {  	v32 =	vld [tilespmem:s4+$0x10390]  }
0x373: {  	v33 =	vld [tilespmem:s4+$0x390]  }
0x374: {  	v34 =	vld [tilespmem:s4+$0x103A0]  }
0x375: {  	v35 =	vld [tilespmem:s4+$0x3A0]  }
0x376: {  	v36 =	vld [tilespmem:s4+$0x103B0]  }
0x377: {  	v37 =	vld [tilespmem:s4+$0x3B0]  }
0x378: {  	v38 =	vld [tilespmem:s4+$0x103C0]  }
0x379: {  	v39 =	vld [tilespmem:s4+$0x103D0]  }
0x37a: {  	v40 =	vld [tilespmem:s4+$0x3D0]  }
0x37b: {  	v41 =	vld [tilespmem:s4+$0x103E0]  }
0x37c: {  	v42 =	vld [tilespmem:s4+$0x3E0]  }
0x37d: {  	v43 =	vld [tilespmem:s4+$0x3F0]  }
0x37e: {  	v44 =	vld [tilespmem:s4+$0x3C0]  }
0x37f: {  	v17 =	vld [tilespmem:s4+$0x10200]  }
0x380: {  	v18 =	vld [tilespmem:s4+$0x200]  }
0x381: {  	v20 =	vld [tilespmem:s4+$0x10210]  }
0x382: {  	v14 =	vld [tilespmem:s4+$0x210]  }
0x383: {  	v50 =	vld [tilespmem:s4+$0x10230]  }
0x384: {  	v51 =	vld [tilespmem:s4+$0x230]  }
0x385: {  	v22 =	vld [tilespmem:s4+$0x10240]  }
0x386: {  	v52 =	vld [tilespmem:s4+$0x240]  }
0x387: {  	v53 =	vld [tilespmem:s4+$0x10250]  }
0x388: {  	v54 =	vld [tilespmem:s4+$0x250]  }
0x389: {  	v55 =	vld [tilespmem:s4+$0x10260]  }
0x38a: {  	v57 =	vld [tilespmem:s4+$0x260]  }
0x38b: {  	v58 =	vld [tilespmem:s4+$0x10270]  }
0x38c: {  	v59 =	vld [tilespmem:s4+$0x270]  }
0x38d: {  	v60 =	vld [tilespmem:s4+$0x10280]  }
0x38e: {  	v61 =	vld [tilespmem:s4+$0x280]  }
0x38f: {  	v62 =	vld [tilespmem:s4+$0x10290]  }
0x390: {  	v63 =	vld [tilespmem:s4+$0x290]  }
0x391: {  	[tilespmem:s11+$0x10200] =	vst v4;
	v4 =	vadd.f32 v8, v5;
	v31 =	vld [tilespmem:s4+$0x340]  }
0x392: {  	v5 =	vld [tilespmem:s15+$0x10200]  }
0x393: {  	s16 =	sor.u32 $0x430, s5;
	v8 =	vld [tilespmem:s15+$0x200];
	[tilespmem:s12+$0x10200] =	vst v4;
	v4 =	vadd.f32 v9, v7  }
0x394: {  	v7 =	vld [tilespmem:s16+$0x10200]  }
0x395: {  	s17 =	sor.u32 $0x440, s1;
	v9 =	vld [tilespmem:s16+$0x200];
	[tilespmem:s13+$0x10200] =	vst v4;
	v4 =	vadd.f32 v10, v6  }
0x396: {  	v6 =	vld [tilespmem:s17+$0x10200]  }
0x397: {  	s18 =	sor.u32 $0x440, s8;
	v10 =	vld [tilespmem:s17+$0x200];
	[tilespmem:s14+$0x10200] =	vst v4  }
0x398: {  	v4 =	vadd.f32 v8, v5;
	v8 =	vld [tilespmem:s18+$0x10200]  }
0x399: {  	v11 =	vld [tilespmem:s18+$0x200]  }
0x39a: {  	v15 =	vadd.f32 v35, v34;
	v34 =	vld [tilespmem:s4+$0x102A0]  }
0x39b: {  	v35 =	vld [tilespmem:s4+$0x2A0]  }
0x39c: {  	v45 =	vadd.f32 v37, v36;
	v36 =	vld [tilespmem:s4+$0x102B0];
	v7 =	vadd.f32 v9, v7  }
0x39d: {  	v9 =	vld [tilespmem:s4+$0x10380]  }
0x39e: {  	[tilespmem:s16+$0x10200] =	vst v7;
	v7 =	vadd.f32 v11, v8;
	v11 =	vld [tilespmem:s4+$0x380]  }
0x39f: {  	v37 =	vld [tilespmem:s4+$0x2B0]  }
0x3a0: {  	v48 =	vadd.f32 v44, v38;
	v38 =	vld [tilespmem:s4+$0x102C0]  }
0x3a1: {  	v13 =	vadd.f32 v33, v32;
	v46 =	vadd.f32 v40, v39;
	v39 =	vld [tilespmem:s4+$0x102D0]  }
0x3a2: {  	v47 =	vadd.f32 v42, v41;
	v41 =	vld [tilespmem:s4+$0x2D0]  }
0x3a3: {  	[tilespmem:s4+$0x10390] =	vst v13;
	v9 =	vadd.f32 v11, v9;
	v11 =	vld [tilespmem:s4+$0x103F0]  }
0x3a4: {  	v42 =	vld [tilespmem:s4+$0x102E0];
	[tilespmem:s4+$0x103A0] =	vst v15  }
0x3a5: {  	p1 =	por !p1, !p1;
	s0 =	simm.s32 $0x1;
	v53 =	vadd.f32 v54, v53;
	v54 =	vld [tilespmem:s4+$0x10310];
	[tilespmem:s4+$0x103B0] =	vst v45  }
0x3a6: {  	s0 =	simm.s32 @!p1 $0x0;
	v32 =	vld [tilespmem:s4+$0x10350];
	[tilespmem:s4+$0x103D0] =	vst v46  }
0x3a7: {  	s0 =	sshll.u32 s0, $0x9;
	v33 =	vld [tilespmem:s4+$0x350];
	[tilespmem:s4+$0x103E0] =	vst v47  }
0x3a8: {  	s0 =	sadd.s32 $0x400, s0;
	v13 =	vld [tilespmem:s4+$0x10220];
	[tilespmem:s4+$0x103C0] =	vst v48;
	v11 =	vadd.f32 v43, v11  }
0x3a9: {  	s24 =	sadd.s32 $0x180, s0;
	v45 =	vld [tilespmem:s4+$0x2C0];
	[tilespmem:s4+$0x10380] =	vst v9  }
0x3aa: {  	s9 =	sor.u32 $0x400, s24;
	v46 =	vld [tilespmem:s4+$0x2E0];
	[tilespmem:s4+$0x103F0] =	vst v11  }
0x3ab: {  	v15 =	vld [tilespmem:s9+$0x10200]  }
0x3ac: {  	v49 =	vld [tilespmem:s9+$0x200]  }
0x3ad: {  	v47 =	vld [tilespmem:s4+$0x102F0]  }
0x3ae: {  	v11 =	vld [tilespmem:s4+$0x220]  }
0x3af: {  	s19 =	sor.u32 $0x440, s5;
	v48 =	vld [tilespmem:s4+$0x2F0]  }
0x3b0: {  	v17 =	vadd.f32 v18, v17;
	v6 =	vadd.f32 v10, v6;
	v10 =	vld [tilespmem:s19+$0x10200]  }
0x3b1: {  	[tilespmem:s15+$0x10200] =	vst v4;
	v12 =	vld [tilespmem:s19+$0x200];
	v15 =	vadd.f32 v49, v15  }
0x3b2: {  	[tilespmem:s4+$0x10200] =	vst v17;
	v4 =	vld [tilespmem:s10+$0x10200]  }
0x3b3: {  	s25 =	sor.u32 $0x410, s24;
	v5 =	vld [tilespmem:s10+$0x200];
	v11 =	vadd.f32 v11, v13;
	[tilespmem:s9+$0x10200] =	vst v15  }
0x3b4: {  	[tilespmem:s17+$0x10200] =	vst v6;
	v15 =	vld [tilespmem:s25+$0x10200]  }
0x3b5: {  	s20 =	sor.u32 $0x450, s1;
	[tilespmem:s4+$0x10220] =	vst v11;
	v11 =	vadd.f32 v52, v22;
	v56 =	vld [tilespmem:s25+$0x200]  }
0x3b6: {  	v6 =	vld [tilespmem:s20+$0x10200];
	[tilespmem:s18+$0x10200] =	vst v7;
	v10 =	vadd.f32 v12, v10  }
0x3b7: {  	s23 =	sor.u32 $0x450, s8;
	v8 =	vld [tilespmem:s20+$0x200];
	[tilespmem:s4+$0x10240] =	vst v11;
	v11 =	vadd.f32 v57, v55  }
0x3b8: {  	v14 =	vadd.f32 v14, v20;
	v7 =	vld [tilespmem:s23+$0x10200];
	[tilespmem:s19+$0x10200] =	vst v10  }
0x3b9: {  	s31 =	sor.u32 $0x450, s5;
	v9 =	vld [tilespmem:s23+$0x200];
	[tilespmem:s4+$0x10260] =	vst v11;
	v11 =	vadd.f32 v61, v60  }
0x3ba: {  	[tilespmem:s4+$0x10210] =	vst v14;
	v12 =	vadd.f32 v46, v42;
	v46 =	vld [tilespmem:s31+$0x200];
	v15 =	vadd.f32 v56, v15  }
0x3bb: {  	v50 =	vadd.f32 v51, v50;
	v49 =	vld [tilespmem:s4+$0x10300];
	[tilespmem:s4+$0x10280] =	vst v11  }
0x3bc: {  	s26 =	sor.u32 $0x420, s24;
	v55 =	vld [tilespmem:s4+$0x310];
	v11 =	vadd.f32 v63, v62;
	[tilespmem:s25+$0x10200] =	vst v15  }
0x3bd: {  	[tilespmem:s4+$0x10230] =	vst v50;
	v15 =	vld [tilespmem:s26+$0x10200]  }
0x3be: {  	[tilespmem:s4+$0x10290] =	vst v11;
	v11 =	vadd.f32 v37, v36;
	v44 =	vld [tilespmem:s26+$0x200]  }
0x3bf: {  	[tilespmem:s4+$0x10250] =	vst v53;
	v29 =	vadd.f32 v45, v38;
	v57 =	vld [tilespmem:s4+$0x10320]  }
0x3c0: {  	v60 =	vld [tilespmem:s4+$0x10330];
	[tilespmem:s4+$0x102B0] =	vst v11;
	v11 =	vadd.f32 v41, v39  }
0x3c1: {  	[tilespmem:s4+$0x102C0] =	vst v29;
	v56 =	vadd.f32 v59, v58;
	v58 =	vld [tilespmem:s4+$0x320]  }
0x3c2: {  	v61 =	vld [tilespmem:s4+$0x330];
	[tilespmem:s4+$0x102D0] =	vst v11;
	v11 =	vadd.f32 v48, v47  }
0x3c3: {  	[tilespmem:s4+$0x102E0] =	vst v12;
	v63 =	vld [tilespmem:s4+$0x10340];
	v15 =	vadd.f32 v44, v15  }
0x3c4: {  	v62 =	vadd.f32 v35, v34;
	v34 =	vld [tilespmem:s4+$0x10360];
	[tilespmem:s4+$0x102F0] =	vst v11;
	v11 =	vadd.f32 v55, v54  }
0x3c5: {  	s28 =	sor.u32 $0x430, s24;
	v35 =	vld [tilespmem:s4+$0x360];
	[tilespmem:s26+$0x10200] =	vst v15  }
0x3c6: {  	[tilespmem:s4+$0x10310] =	vst v11;
	v11 =	vadd.f32 v58, v57;
	v15 =	vld [tilespmem:s28+$0x10200]  }
0x3c7: {  	[tilespmem:s4+$0x10270] =	vst v56;
	v40 =	vld [tilespmem:s28+$0x200]  }
0x3c8: {  	s13 =	sor.u32 $0x400, s0;
	v36 =	vld [tilespmem:s4+$0x10370];
	[tilespmem:s4+$0x10320] =	vst v11;
	v11 =	vadd.f32 v31, v63  }
0x3c9: {  	s7 =	sadd.s32 $0x80, s0;
	[tilespmem:s4+$0x102A0] =	vst v62;
	v41 =	vld [tilespmem:s13+$0x10200]  }
0x3ca: {  	s14 =	sor.u32 $0x400, s7;
	v42 =	vld [tilespmem:s13+$0x200];
	[tilespmem:s4+$0x10340] =	vst v11;
	v11 =	vadd.f32 v35, v34  }
0x3cb: {  	v6 =	vadd.f32 v8, v6;
	v44 =	vld [tilespmem:s14+$0x10200]  }
0x3cc: {  	[tilespmem:s4+$0x10360] =	vst v11;
	v11 =	vld [tilespmem:s14+$0x200];
	v10 =	vadd.f32 v40, v15  }
0x3cd: {  	[tilespmem:s20+$0x10200] =	vst v6;
	v6 =	vadd.f32 v9, v7;
	v37 =	vld [tilespmem:s4+$0x370]  }
0x3ce: {  	s19 =	sor.u32 $0x460, s1;
	v14 =	vadd.f32 v61, v60;
	[tilespmem:s28+$0x10200] =	vst v10;
	v10 =	vld [tilespmem:s4+$0x300]  }
0x3cf: {  	s29 =	sor.u32 $0x440, s24;
	[tilespmem:s23+$0x10200] =	vst v6;
	v6 =	vld [tilespmem:s19+$0x200];
	v39 =	vadd.f32 v33, v32  }
0x3d0: {  	[tilespmem:s4+$0x10330] =	vst v14;
	v12 =	vadd.f32 v42, v41;
	v51 =	vld [tilespmem:s29+$0x10200]  }
0x3d1: {  	s20 =	sor.u32 $0x460, s8;
	[tilespmem:s4+$0x10350] =	vst v39;
	v52 =	vld [tilespmem:s29+$0x200];
	v11 =	vadd.f32 v11, v44  }
0x3d2: {  	s16 =	sor.u32 $0x410, s0;
	v43 =	vadd.f32 v37, v36;
	v55 =	vld [tilespmem:s20+$0x200];
	[tilespmem:s13+$0x10200] =	vst v12  }
0x3d3: {  	[tilespmem:s14+$0x10200] =	vst v11;
	v11 =	vld [tilespmem:s16+$0x200];
	v10 =	vadd.f32 v10, v49  }
0x3d4: {  	s11 =	sadd.s32 $0x100, s0;
	s17 =	sor.u32 $0x410, s7;
	[tilespmem:s4+$0x10370] =	vst v43;
	v49 =	vld [tilespmem:s16+$0x10200]  }
0x3d5: {  	s15 =	sor.u32 $0x400, s11;
	v50 =	vld [tilespmem:s17+$0x10200];
	[tilespmem:s4+$0x10300] =	vst v10  }
0x3d6: {  	v59 =	vadd.f32 v52, v51;
	v16 =	vld [tilespmem:s15+$0x10200]  }
0x3d7: {  	v45 =	vld [tilespmem:s15+$0x200]  }
0x3d8: {  	s30 =	sor.u32 $0x450, s24;
	v8 =	vld [tilespmem:s17+$0x200];
	[tilespmem:s29+$0x10200] =	vst v59  }
0x3d9: {  	v28 =	vld [tilespmem:s30+$0x10200]  }
0x3da: {  	v30 =	vld [tilespmem:s30+$0x200];
	v9 =	vadd.f32 v11, v49  }
0x3db: {  	v11 =	vld [tilespmem:s19+$0x10200]  }
0x3dc: {  	s21 =	sor.u32 $0x420, s0;
	[tilespmem:s16+$0x10200] =	vst v9;
	v9 =	vld [tilespmem:s20+$0x10200];
	v15 =	vadd.f32 v45, v16  }
0x3dd: {  	v51 =	vld [tilespmem:s21+$0x10200]  }
0x3de: {  	s18 =	sor.u32 $0x410, s11;
	v52 =	vld [tilespmem:s21+$0x200];
	[tilespmem:s15+$0x10200] =	vst v15  }
0x3df: {  	v10 =	vadd.f32 v30, v28;
	v15 =	vld [tilespmem:s18+$0x10200]  }
0x3e0: {  	v7 =	vld [tilespmem:s18+$0x200]  }
0x3e1: {  	s12 =	sor.u32 $0x460, s24;
	v8 =	vadd.f32 v8, v50;
	[tilespmem:s30+$0x10200] =	vst v10;
	v10 =	vld [tilespmem:s31+$0x10200]  }
0x3e2: {  	v38 =	vld [tilespmem:s12+$0x10200]  }
0x3e3: {  	s22 =	sor.u32 $0x420, s7;
	[tilespmem:s17+$0x10200] =	vst v8;
	v6 =	vadd.f32 v6, v11;
	v40 =	vld [tilespmem:s12+$0x200]  }
0x3e4: {  	v8 =	vld [tilespmem:s22+$0x10200]  }
0x3e5: {  	s29 =	sor.u32 $0x470, s1;
	v53 =	vld [tilespmem:s22+$0x200];
	[tilespmem:s19+$0x10200] =	vst v6;
	v7 =	vadd.f32 v7, v15  }
0x3e6: {  	v6 =	vadd.f32 v55, v9;
	v59 =	vld [tilespmem:s29+$0x10200]  }
0x3e7: {  	s23 =	sor.u32 $0x420, s11;
	v60 =	vld [tilespmem:s29+$0x200];
	[tilespmem:s18+$0x10200] =	vst v7;
	v7 =	vadd.f32 v46, v10  }
0x3e8: {  	[tilespmem:s20+$0x10200] =	vst v6;
	v13 =	vadd.f32 v40, v38;
	v10 =	vld [tilespmem:s23+$0x10200]  }
0x3e9: {  	s8 =	sor.u32 $0x470, s8;
	v54 =	vld [tilespmem:s23+$0x200];
	[tilespmem:s31+$0x10200] =	vst v7;
	v7 =	vadd.f32 v52, v51  }
0x3ea: {  	s4 =	sor.u32 $0x470, s24;
	v63 =	vld [tilespmem:s8+$0x200];
	[tilespmem:s12+$0x10200] =	vst v13  }
0x3eb: {  	s25 =	sor.u32 $0x430, s0;
	v47 =	vld [tilespmem:s4+$0x10200];
	[tilespmem:s21+$0x10200] =	vst v7;
	v7 =	vadd.f32 v53, v8  }
0x3ec: {  	v57 =	vld [tilespmem:s25+$0x10200]  }
0x3ed: {  	s26 =	sor.u32 $0x430, s7;
	[tilespmem:s22+$0x10200] =	vst v7;
	v7 =	vld [tilespmem:s25+$0x200]  }
0x3ee: {  	v10 =	vadd.f32 v54, v10;
	v58 =	vld [tilespmem:s26+$0x10200]  }
0x3ef: {  	v11 =	vld [tilespmem:s26+$0x200]  }
0x3f0: {  	s28 =	sor.u32 $0x430, s11;
	v48 =	vld [tilespmem:s4+$0x200];
	[tilespmem:s23+$0x10200] =	vst v10  }
0x3f1: {  	v10 =	vld [tilespmem:s28+$0x10200]  }
0x3f2: {  	s24 =	sor.u32 $0x460, s5;
	v9 =	vld [tilespmem:s28+$0x200];
	v7 =	vadd.f32 v7, v57  }
0x3f3: {  	v56 =	vld [tilespmem:s24+$0x10200]  }
0x3f4: {  	s30 =	sor.u32 $0x440, s0;
	v8 =	vld [tilespmem:s24+$0x200];
	v6 =	vadd.f32 v11, v58;
	[tilespmem:s25+$0x10200] =	vst v7  }
0x3f5: {  	v7 =	vld [tilespmem:s30+$0x10200]  }
0x3f6: {  	s31 =	sor.u32 $0x440, s7;
	v61 =	vld [tilespmem:s30+$0x200];
	[tilespmem:s26+$0x10200] =	vst v6  }
0x3f7: {  	v6 =	vadd.f32 v9, v10;
	v9 =	vld [tilespmem:s31+$0x10200]  }
0x3f8: {  	v10 =	vld [tilespmem:s31+$0x200]  }
0x3f9: {  	s21 =	sor.u32 $0x440, s11;
	v11 =	vld [tilespmem:s8+$0x10200];
	[tilespmem:s28+$0x10200] =	vst v6;
	v6 =	vadd.f32 v8, v56  }
0x3fa: {  	v4 =	vadd.f32 v5, v4;
	v8 =	vld [tilespmem:s21+$0x10200]  }
0x3fb: {  	s3 =	sor.u32 $0x470, s5;
	v62 =	vld [tilespmem:s21+$0x200];
	[tilespmem:s24+$0x10200] =	vst v6;
	v6 =	vadd.f32 v61, v7  }
0x3fc: {  	[tilespmem:s10+$0x10200] =	vst v4;
	v4 =	vadd.f32 v48, v47;
	v5 =	vld [tilespmem:s3+$0x10200]  }
0x3fd: {  	s10 =	sor.u32 $0x460, s11;
	s13 =	sor.u32 $0x450, s11;
	s19 =	sor.u32 $0x450, s0;
	v9 =	vadd.f32 v10, v9;
	[tilespmem:s30+$0x10200] =	vst v6;
	v6 =	vld [tilespmem:s3+$0x200]  }
0x3fe: {  	s14 =	simm.s32 $0x4;
	s5 =	sor.u32 $0x460, s7;
	s1 =	sor.u32 $0x470, s0;
	[tilespmem:s4+$0x10200] =	vst v4;
	v4 =	vadd.f32 v60, v59;
	v7 =	vld [tilespmem:s19+$0x10200]  }
0x3ff: {  	s17 =	simm.s32 $0x800;
	s15 =	simm.s32 $0x400;
	s18 =	sor.u32 $0x450, s7;
	v10 =	vld [tilespmem:s19+$0x200];
	[tilespmem:s31+$0x10200] =	vst v9  }
0x400: {  	s12 =	sor.u32 $0x460, s0;
	s22 =	sor.u32 $0x470, s7;
	s4 =	sor.u32 $0x470, s11;
	[tilespmem:s29+$0x10200] =	vst v4;
	v4 =	vadd.f32 v62, v8;
	v8 =	vadd.f32 v63, v11;
	v9 =	vld [tilespmem:s18+$0x10200]  }
.LBB2_8:
0x401: {  	_ = 	snop  }
0x402: {  	s0 =	sand.u32 $0x7800, s17;
	s2 =	sand.u32 $0x200, s15;
	v11 =	vld [tilespmem:s18+$0x200];
	[tilespmem:s21+$0x10200] =	vst v4  }
0x403: {  	s11 =	sor.u32 s2, s0;
	v4 =	vld [tilespmem:s13+$0x10200]  }
0x404: {  	[tilespmem:s8+$0x10200] =	vst v8;
	v8 =	vld [tilespmem:s11+$0x380]  }
0x405: {  	v12 =	vld [tilespmem:s11+$0x3B0]  }
0x406: {  	v13 =	vld [tilespmem:s11+$0x103C0]  }
0x407: {  	v14 =	vld [tilespmem:s11+$0x103D0]  }
0x408: {  	v15 =	vld [tilespmem:s11+$0x3D0]  }
0x409: {  	v16 =	vld [tilespmem:s11+$0x103E0]  }
0x40a: {  	v17 =	vld [tilespmem:s11+$0x3E0]  }
0x40b: {  	v5 =	vadd.f32 v6, v5;
	v6 =	vld [tilespmem:s11+$0x10380]  }
0x40c: {  	v7 =	vadd.f32 v10, v7;
	v10 =	vld [tilespmem:s11+$0x390]  }
0x40d: {  	[tilespmem:s3+$0x10200] =	vst v5;
	v5 =	vld [tilespmem:s11+$0x10390]  }
0x40e: {  	[tilespmem:s19+$0x10200] =	vst v7;
	v7 =	vadd.f32 v11, v9;
	v9 =	vld [tilespmem:s11+$0x103A0]  }
0x40f: {  	v11 =	vld [tilespmem:s11+$0x3A0]  }
0x410: {  	[tilespmem:s18+$0x10200] =	vst v7;
	v7 =	vld [tilespmem:s11+$0x103B0]  }
0x411: {  	v54 =	vld [tilespmem:s11+$0x10210]  }
0x412: {  	v6 =	vadd.f32 v8, v6;
	v8 =	vld [tilespmem:s11+$0x103F0]  }
0x413: {  	v5 =	vadd.f32 v10, v5;
	v10 =	vld [tilespmem:s11+$0x3F0]  }
0x414: {  	[tilespmem:s11+$0x10380] =	vst v6;
	v6 =	vadd.f32 v11, v9;
	v9 =	vld [tilespmem:s11+$0x3C0]  }
0x415: {  	v11 =	vld [tilespmem:s11+$0x10200];
	[tilespmem:s11+$0x10390] =	vst v5;
	v5 =	vadd.f32 v12, v7  }
0x416: {  	p1 =	por !p1, !p1;
	s0 =	simm.s32 $0x1;
	v7 =	vld [tilespmem:s11+$0x200];
	[tilespmem:s11+$0x103A0] =	vst v6;
	v6 =	vadd.f32 v15, v14  }
0x417: {  	s0 =	simm.s32 @!p1 $0x0;
	v55 =	vld [tilespmem:s11+$0x210];
	[tilespmem:s11+$0x103B0] =	vst v5  }
0x418: {  	s0 =	sshll.u32 s0, $0x9;
	v5 =	vadd.f32 v17, v16;
	[tilespmem:s11+$0x103D0] =	vst v6;
	v6 =	vadd.f32 v10, v8;
	v8 =	vld [tilespmem:s11+$0x10220]  }
0x419: {  	s9 =	smov.u32 s4;
	s4 =	sadd.s32 s0, s17;
	v10 =	vld [tilespmem:s11+$0x10230]  }
0x41a: {  	s24 =	sadd.s32 $0x180, s4;
	v9 =	vadd.f32 v9, v13;
	[tilespmem:s11+$0x103E0] =	vst v5;
	v5 =	vld [tilespmem:s11+$0x220]  }
0x41b: {  	[dreg:$0x5] =	wrdreg s9;
	s9 =	sor.u32 $0x400, s24;
	[tilespmem:s11+$0x103F0] =	vst v6;
	v6 =	vadd.f32 v7, v11;
	v11 =	vld [tilespmem:s11+$0x230]  }
0x41c: {  	[tilespmem:s11+$0x103C0] =	vst v9;
	v7 =	vld [tilespmem:s9+$0x10200]  }
0x41d: {  	v9 =	vld [tilespmem:s9+$0x200]  }
0x41e: {  	s8 =	smov.u32 s22;
	s22 =	sadd.s32 $0x80, s4;
	[tilespmem:s11+$0x10200] =	vst v6;
	v6 =	vadd.f32 v55, v54  }
0x41f: {  	[dreg:$0x7] =	wrdreg s8;
	s8 =	sadd.s32 $0x100, s4;
	s16 =	sor.u32 $0x440, s22  }
0x420: {  	[dreg:$0xd] =	wrdreg s16;
	s16 =	sor.u32 $0x450, s8;
	[tilespmem:s11+$0x10210] =	vst v6;
	v6 =	vld [tilespmem:s11+$0x10240]  }
0x421: {  	[dreg:$0x13] =	wrdreg s16;
	s16 =	sor.u32 $0x460, s4;
	v5 =	vadd.f32 v5, v8;
	v8 =	vld [tilespmem:s11+$0x240]  }
0x422: {  	[dreg:$0x11] =	wrdreg s16;
	s16 =	sor.u32 $0x460, s22;
	v10 =	vadd.f32 v11, v10;
	v11 =	vld [tilespmem:s11+$0x10260];
	v7 =	vadd.f32 v9, v7  }
0x423: {  	[dreg:$0xf] =	wrdreg s16;
	s16 =	sor.u32 $0x460, s8;
	[tilespmem:s11+$0x10220] =	vst v5;
	v5 =	vld [tilespmem:s11+$0x10250]  }
0x424: {  	[dreg:$0xc] =	wrdreg s16;
	s16 =	sor.u32 $0x410, s24;
	v9 =	vld [tilespmem:s11+$0x250];
	[tilespmem:s9+$0x10200] =	vst v7  }
0x425: {  	v7 =	vld [tilespmem:s16+$0x10200]  }
0x426: {  	v6 =	vadd.f32 v8, v6;
	v8 =	vld [tilespmem:s16+$0x200]  }
0x427: {  	[tilespmem:s11+$0x10230] =	vst v10;
	v10 =	vld [tilespmem:s11+$0x260]  }
0x428: {  	v56 =	vld [tilespmem:s11+$0x280]  }
0x429: {  	[tilespmem:s11+$0x10240] =	vst v6;
	v5 =	vadd.f32 v9, v5;
	v6 =	vld [tilespmem:s11+$0x10270]  }
0x42a: {  	v9 =	vld [tilespmem:s11+$0x270]  }
0x42b: {  	[tilespmem:s11+$0x10250] =	vst v5;
	v5 =	vld [tilespmem:s11+$0x10280];
	v7 =	vadd.f32 v8, v7  }
0x42c: {  	v8 =	vadd.f32 v10, v11;
	v10 =	vld [tilespmem:s11+$0x10290]  }
0x42d: {  	s9 =	sor.u32 $0x420, s24;
	v11 =	vld [tilespmem:s11+$0x290];
	[tilespmem:s16+$0x10200] =	vst v7  }
0x42e: {  	v7 =	vld [tilespmem:s9+$0x10200]  }
0x42f: {  	[tilespmem:s11+$0x10260] =	vst v8;
	v6 =	vadd.f32 v9, v6;
	v8 =	vld [tilespmem:s9+$0x200]  }
0x430: {  	v9 =	vld [tilespmem:s11+$0x2A0];
	v5 =	vadd.f32 v56, v5  }
0x431: {  	[tilespmem:s11+$0x10270] =	vst v6;
	v6 =	vld [tilespmem:s11+$0x102A0]  }
0x432: {  	[tilespmem:s11+$0x10280] =	vst v5;
	v5 =	vadd.f32 v11, v10;
	v10 =	vld [tilespmem:s11+$0x102B0]  }
0x433: {  	v11 =	vld [tilespmem:s11+$0x2B0]  }
0x434: {  	v57 =	vld [tilespmem:s11+$0x2F0];
	v7 =	vadd.f32 v8, v7  }
0x435: {  	[tilespmem:s11+$0x10290] =	vst v5;
	v5 =	vld [tilespmem:s11+$0x102C0]  }
0x436: {  	s16 =	sor.u32 $0x430, s24;
	v8 =	vld [tilespmem:s11+$0x2C0];
	v6 =	vadd.f32 v9, v6;
	[tilespmem:s9+$0x10200] =	vst v7  }
0x437: {  	v7 =	vld [tilespmem:s16+$0x10200]  }
0x438: {  	[tilespmem:s11+$0x102A0] =	vst v6;
	v6 =	vadd.f32 v11, v10;
	v10 =	vld [tilespmem:s16+$0x200]  }
0x439: {  	v9 =	vld [tilespmem:s11+$0x102D0]  }
0x43a: {  	v11 =	vld [tilespmem:s11+$0x2D0]  }
0x43b: {  	[tilespmem:s11+$0x102B0] =	vst v6;
	v5 =	vadd.f32 v8, v5;
	v6 =	vld [tilespmem:s11+$0x102E0]  }
0x43c: {  	v8 =	vld [tilespmem:s11+$0x2E0]  }
0x43d: {  	[tilespmem:s11+$0x102C0] =	vst v5;
	v5 =	vld [tilespmem:s11+$0x102F0];
	v7 =	vadd.f32 v10, v7  }
0x43e: {  	v10 =	vld [tilespmem:s11+$0x10300]  }
0x43f: {  	s9 =	sor.u32 $0x440, s24;
	v9 =	vadd.f32 v11, v9;
	v11 =	vld [tilespmem:s11+$0x300];
	[tilespmem:s16+$0x10200] =	vst v7  }
0x440: {  	v7 =	vld [tilespmem:s9+$0x10200]  }
0x441: {  	v6 =	vadd.f32 v8, v6;
	v8 =	vld [tilespmem:s9+$0x200]  }
0x442: {  	[tilespmem:s11+$0x102D0] =	vst v9;
	v9 =	vld [tilespmem:s11+$0x310];
	v5 =	vadd.f32 v57, v5  }
0x443: {  	[tilespmem:s11+$0x102E0] =	vst v6;
	v6 =	vld [tilespmem:s11+$0x10310]  }
0x444: {  	[tilespmem:s11+$0x102F0] =	vst v5;
	v5 =	vadd.f32 v11, v10;
	v10 =	vld [tilespmem:s11+$0x10320]  }
0x445: {  	v11 =	vld [tilespmem:s11+$0x320]  }
0x446: {  	v58 =	vld [tilespmem:s11+$0x360];
	v7 =	vadd.f32 v8, v7  }
0x447: {  	[tilespmem:s11+$0x10300] =	vst v5;
	v5 =	vld [tilespmem:s11+$0x10330]  }
0x448: {  	s16 =	sor.u32 $0x450, s24;
	v8 =	vld [tilespmem:s11+$0x330];
	v6 =	vadd.f32 v9, v6;
	[tilespmem:s9+$0x10200] =	vst v7  }
0x449: {  	v7 =	vld [tilespmem:s16+$0x10200]  }
0x44a: {  	[tilespmem:s11+$0x10310] =	vst v6;
	v6 =	vadd.f32 v11, v10;
	v10 =	vld [tilespmem:s16+$0x200]  }
0x44b: {  	v9 =	vld [tilespmem:s11+$0x10340]  }
0x44c: {  	v11 =	vld [tilespmem:s11+$0x340]  }
0x44d: {  	[tilespmem:s11+$0x10320] =	vst v6;
	v5 =	vadd.f32 v8, v5;
	v6 =	vld [tilespmem:s11+$0x10350]  }
0x44e: {  	v8 =	vld [tilespmem:s11+$0x350]  }
0x44f: {  	[tilespmem:s11+$0x10330] =	vst v5;
	v5 =	vld [tilespmem:s11+$0x10360];
	v7 =	vadd.f32 v10, v7  }
0x450: {  	v10 =	vld [tilespmem:s11+$0x10370]  }
0x451: {  	s9 =	sor.u32 $0x460, s24;
	v9 =	vadd.f32 v11, v9;
	v11 =	vld [tilespmem:s11+$0x370];
	[tilespmem:s16+$0x10200] =	vst v7  }
0x452: {  	v7 =	vld [tilespmem:s9+$0x10200]  }
0x453: {  	s30 =	sor.u32 $0x400, s4;
	v6 =	vadd.f32 v8, v6;
	v8 =	vld [tilespmem:s9+$0x200]  }
0x454: {  	[tilespmem:s11+$0x10340] =	vst v9;
	v9 =	vld [tilespmem:s30+$0x10200];
	v5 =	vadd.f32 v58, v5  }
0x455: {  	s20 =	sor.u32 $0x400, s22;
	[tilespmem:s11+$0x10350] =	vst v6;
	v6 =	vld [tilespmem:s30+$0x200]  }
0x456: {  	v59 =	vld [tilespmem:s20+$0x10200];
	[tilespmem:s11+$0x10360] =	vst v5;
	v5 =	vadd.f32 v11, v10  }
0x457: {  	s0 =	sor.u32 $0x400, s8;
	v10 =	vld [tilespmem:s20+$0x200]  }
0x458: {  	[tilespmem:s11+$0x10370] =	vst v5;
	v5 =	vld [tilespmem:s0+$0x10200];
	v7 =	vadd.f32 v8, v7  }
0x459: {  	v8 =	vld [tilespmem:s0+$0x200]  }
0x45a: {  	s16 =	sor.u32 $0x470, s24;
	v6 =	vadd.f32 v6, v9;
	[tilespmem:s9+$0x10200] =	vst v7;
	v7 =	vld [tilespmem:s13+$0x200]  }
0x45b: {  	v9 =	vld [tilespmem:s16+$0x10200]  }
0x45c: {  	s29 =	sor.u32 $0x410, s4;
	[tilespmem:s30+$0x10200] =	vst v6;
	v6 =	vadd.f32 v10, v59;
	v10 =	vld [tilespmem:s16+$0x200]  }
0x45d: {  	v11 =	vld [tilespmem:s29+$0x10200]  }
0x45e: {  	s31 =	sor.u32 $0x410, s22;
	v60 =	vld [tilespmem:s29+$0x200];
	[tilespmem:s20+$0x10200] =	vst v6;
	v5 =	vadd.f32 v8, v5  }
0x45f: {  	v6 =	vld [tilespmem:s31+$0x10200];
	v4 =	vadd.f32 v7, v4  }
0x460: {  	s28 =	sor.u32 $0x410, s8;
	v7 =	vld [tilespmem:s31+$0x200];
	[tilespmem:s0+$0x10200] =	vst v5  }
0x461: {  	v5 =	vld [tilespmem:s28+$0x10200];
	[tilespmem:s13+$0x10200] =	vst v4  }
0x462: {  	v8 =	vadd.f32 v10, v9;
	v4 =	vld [tilespmem:s28+$0x200]  }
0x463: {  	v10 =	vld [tilespmem:s12+$0x200];
	v9 =	vadd.f32 v60, v11  }
0x464: {  	[tilespmem:s16+$0x10200] =	vst v8;
	v8 =	vld [tilespmem:s12+$0x10200]  }
0x465: {  	s2 =	sor.u32 $0x420, s4;
	[tilespmem:s29+$0x10200] =	vst v9;
	v6 =	vadd.f32 v7, v6;
	v7 =	vld [tilespmem:s5+$0x10200]  }
0x466: {  	v9 =	vld [tilespmem:s2+$0x10200]  }
0x467: {  	s26 =	sor.u32 $0x420, s22;
	v11 =	vld [tilespmem:s2+$0x200];
	[tilespmem:s31+$0x10200] =	vst v6;
	v4 =	vadd.f32 v4, v5  }
0x468: {  	v5 =	vld [tilespmem:s26+$0x10200]  }
0x469: {  	s25 =	sor.u32 $0x420, s8;
	v6 =	vld [tilespmem:s26+$0x200];
	[tilespmem:s28+$0x10200] =	vst v4  }
0x46a: {  	v4 =	vadd.f32 v10, v8;
	v8 =	vld [tilespmem:s25+$0x10200]  }
0x46b: {  	v10 =	vld [tilespmem:s25+$0x200]  }
0x46c: {  	[tilespmem:s12+$0x10200] =	vst v4;
	v4 =	vadd.f32 v11, v9;
	v9 =	vld [tilespmem:s5+$0x200]  }
0x46d: {  	v11 =	vld [tilespmem:s10+$0x10200]  }
0x46e: {  	s3 =	sor.u32 $0x430, s4;
	[tilespmem:s2+$0x10200] =	vst v4;
	v4 =	vadd.f32 v6, v5;
	v5 =	vld [tilespmem:s10+$0x200]  }
0x46f: {  	v6 =	vld [tilespmem:s3+$0x10200]  }
0x470: {  	s7 =	sor.u32 $0x430, s22;
	v61 =	vld [tilespmem:s3+$0x200];
	[tilespmem:s26+$0x10200] =	vst v4;
	v4 =	vadd.f32 v10, v8  }
0x471: {  	v8 =	vld [tilespmem:s7+$0x10200]  }
0x472: {  	s6 =	sor.u32 $0x430, s8;
	v7 =	vadd.f32 v9, v7;
	v9 =	vld [tilespmem:s7+$0x200];
	[tilespmem:s25+$0x10200] =	vst v4  }
0x473: {  	v4 =	vld [tilespmem:s6+$0x10200]  }
0x474: {  	s23 =	sor.u32 $0x440, s4;
	s19 =	sor.u32 $0x450, s4;
	s4 =	sor.u32 $0x470, s4;
	[tilespmem:s5+$0x10200] =	vst v7;
	v5 =	vadd.f32 v5, v11;
	v7 =	vld [tilespmem:s6+$0x200]  }
0x475: {  	[dreg:$0x9] =	wrdreg s4;
	v10 =	vld [tilespmem:s1+$0x10200];
	v6 =	vadd.f32 v61, v6  }
0x476: {  	s21 =	sor.u32 $0x440, s8;
	s4 =	sor.u32 $0x470, s8;
	s8 =	rddreg [dreg:$0x7];
	[tilespmem:s10+$0x10200] =	vst v5;
	v5 =	vld [tilespmem:s1+$0x200]  }
0x477: {  	[tilespmem:s3+$0x10200] =	vst v6;
	v6 =	vadd.f32 v9, v8;
	v8 =	vld [tilespmem:s8+$0x10200]  }
0x478: {  	v9 =	vld [tilespmem:s23+$0x10200]  }
0x479: {  	s29 =	rddreg [dreg:$0xd];
	v11 =	vld [tilespmem:s23+$0x200];
	[tilespmem:s7+$0x10200] =	vst v6;
	v4 =	vadd.f32 v7, v4  }
0x47a: {  	v6 =	vld [tilespmem:s29+$0x10200]  }
0x47b: {  	v7 =	vld [tilespmem:s29+$0x200];
	[tilespmem:s6+$0x10200] =	vst v4  }
0x47c: {  	v4 =	vadd.f32 v5, v10;
	v62 =	vld [tilespmem:s21+$0x10200]  }
0x47d: {  	s14 =	sadd.s32 $0x4, s14;
	s24 =	rddreg [dreg:$0x11];
	v63 =	vld [tilespmem:s21+$0x200]  }
0x47e: {  	p2 =	slt.u32 s14, $0x7C;
	s3 =	rddreg [dreg:$0x5];
	[tilespmem:s1+$0x10200] =	vst v4;
	v4 =	vadd.f32 v11, v9;
	v11 =	vld [tilespmem:s8+$0x200]  }
.Ltmp2:
0x47f: {  	s15 =	sadd.s32 $0x200, s15;
	s20 =	rddreg [dreg:$0x13];
	v5 =	vld [tilespmem:s3+$0x10200];
	(pc) =	sbr.rel @p2 .LBB2_8-.Ltmp2, $4  }
0x480: {  	s17 =	sadd.s32 $0x400, s17;
	s18 =	sor.u32 $0x450, s22;
	s31 =	rddreg [dreg:$0x9];
	[tilespmem:s23+$0x10200] =	vst v4;
	v4 =	vadd.f32 v7, v6;
	v6 =	vld [tilespmem:s3+$0x200]  }
0x481: {  	s22 =	sor.u32 $0x470, s22;
	s30 =	smov.u32 s29;
	s28 =	rddreg [dreg:$0xc];
	v7 =	vld [tilespmem:s19+$0x10200]  }
0x482: {  	s13 =	smov.u32 s20;
	s12 =	smov.u32 s24;
	s26 =	rddreg [dreg:$0xf];
	v10 =	vld [tilespmem:s19+$0x200];
	[tilespmem:s30+$0x10200] =	vst v4  }
0x483: {  	s5 =	smov.u32 s26;
	s10 =	smov.u32 s28;
	s1 =	smov.u32 s31;
	v4 =	vadd.f32 v63, v62;
	v9 =	vld [tilespmem:s18+$0x10200];
	v8 =	vadd.f32 v11, v8  }
0x484: {  	_ = 	snop  }
0x485: {  	v11 =	vld [tilespmem:s18+$0x200];
	[tilespmem:s21+$0x10200] =	vst v4  }
0x486: {  	v4 =	vld [tilespmem:s13+$0x10200]  }
0x487: {  	v12 =	vld [tilespmem:s13+$0x200]  }
0x488: {  	v7 =	vadd.f32 v10, v7;
	_ =	sdelay $0x1  }
0x489: {  	[tilespmem:s19+$0x10200] =	vst v7;
	v53 =	vadd.f32 v11, v9  }
0x48a: {  	v54 =	vld [tilespmem:s12+$0x10200]  }
0x48b: {  	v55 =	vld [tilespmem:s12+$0x200];
	[tilespmem:s18+$0x10200] =	vst v53;
	v4 =	vadd.f32 v12, v4  }
0x48c: {  	v56 =	vld [tilespmem:s5+$0x10200]  }
0x48d: {  	[tilespmem:s13+$0x10200] =	vst v4;
	v4 =	vld [tilespmem:s5+$0x200]  }
0x48e: {  	v57 =	vld [tilespmem:s10+$0x10200]  }
0x48f: {  	v58 =	vld [tilespmem:s10+$0x200]  }
0x490: {  	v7 =	vadd.f32 v55, v54;
	_ =	sdelay $0x1  }
0x491: {  	[tilespmem:s12+$0x10200] =	vst v7;
	v4 =	vadd.f32 v4, v56  }
0x492: {  	v7 =	vld [tilespmem:s1+$0x10200]  }
0x493: {  	v59 =	vld [tilespmem:s1+$0x200];
	[tilespmem:s5+$0x10200] =	vst v4;
	v4 =	vadd.f32 v58, v57  }
0x494: {  	v60 =	vld [tilespmem:s22+$0x10200]  }
0x495: {  	[tilespmem:s10+$0x10200] =	vst v4;
	v4 =	vld [tilespmem:s22+$0x200]  }
0x496: {  	v61 =	vld [tilespmem:s4+$0x10200]  }
0x497: {  	v62 =	vld [tilespmem:s4+$0x200];
	_ =	sdelay $0x1  }
0x498: {  	v5 =	vadd.f32 v6, v5  }
0x499: {  	[tilespmem:s8+$0x10200] =	vst v8;
	v63 =	vadd.f32 v59, v7  }
0x49a: {  	[tilespmem:s3+$0x10200] =	vst v5;
	v4 =	vadd.f32 v4, v60  }
0x49b: {  	[tilespmem:s1+$0x10200] =	vst v63;
	v5 =	vadd.f32 v62, v61  }
0x49c: {  	[tilespmem:s22+$0x10200] =	vst v4  }
0x49d: {  	s0 =	sld [smem:$0x7FC];
	[tilespmem:s4+$0x10200] =	vst v5  }
0x49e: {  	s2 =	sld [smem:$0x7FA];
	_ =	sdelay $0x2  }
0x49f: {  	s2 =	sadd.s32 $0x1, s2  }
0x4a0: {  	p1 =	sne.s32 s2, $0x10  }
.Ltmp3:
0x4a1: {  	s1 =	sld [smem:$0x7FD];
	(pc) =	sbr.rel @p1 .LBB2_3-.Ltmp3, $4  }
0x4a2: {  	_ = 	snop  }
0x4a3: {  	s0 =	sshll.u32 s0, $0xD  }
0x4a4: {  	s31 =	simm.s32 $0x0;
	s4 =	simm.s32 $0x10200;
	s0 =	sadd.s32 s1, s0  }
0x4a5: {  	[hbm4b:s0+s31] =	stream.linear.scatter [tilespmem:s4], [sflag:$0x4], $0x8000, $0x38;
	[tilespmem:$0x18200] =	vst v63  }
0x4a6: {  	s0 =	simm.s32 $0x3  }
0x4a7: {  	_ =	swait.ge [sflag:s0], $0x8000  }
.Ltmp4:
0x4a8: {  	[sflag:s0] =	ssyncset.done $0x0;
	(pc) =	sbr.rel @p0 .LBB2_2-.Ltmp4, $4  }
0x4a9: {  	s31 =	simm.s32 $0x4;
	[sflag:s0] =	ssyncadd.s32 $0xFFFF8000  }
0x4aa: {  	_ =	swait.ge [sflag:s31], $0x8000  }
0x4ab: {  	[sflag:s31] =	ssyncset.done $0x0  }
0x4ac: {  	s1 =	simm.s32 $0x1;
	p1 =	por $0x0, $0x0;
	[sflag:s31] =	ssyncadd.s32 $0xFFFF8000  }
0x4ad: {  	s1 =	rddreg [dreg:$0x1e]  }
0x4ae: {  	s0 =	rddreg [dreg:$0x1a];
	s1 =	sadd.s32 $0x1, s1  }
0x4af: {  	p0 =	sne.s32 s1, s0  }
.Ltmp5:
0x4b0: {  	_ = 	snop;
	(pc) =	sbr.rel @p0 .LBB2_1-.Ltmp5, $1  }
0x4b1: {  	_ =	sdelay $0x3  }
0x4b2: {  	_ =	sfence.sel $0x180000  }
0x4b3: {  	[bflag:$0x0] =	sbarrier.arrive $0xFFFF  }
0x4b4: {  	_ =	strace $0x9000004A  }
0x4b5: {  	s0 =	stileid.u32;
	[bflag:$0x2] =	sbarrier.arrive $0xFFFF  }
0x4b6: {  	p0 =	sne.s32 s0, $0x0;
	s0 =	rddreg [dreg:$0x3]  }
0x4b7: {  	s0 =	sadd.s32 @!p0 $0x100000, s0  }
0x4b8: {  	[sflag:s0] =	ssyncadd.tile.s32 @!p0 $0x1;
	_ =	shalt  }
.Lfunc_end2:
_tile_overlayer_lowered:
.L_overlay_start_2:
0x4b9: {  	(tag) =	ssettag $0x2  }
0x4ba: {  	s0 =	rddreg [dreg:$0x0];
	s2 =	stileid.u32  }
0x4bb: {  	s1 =	rddreg [dreg:$0x1];
	p0 =	sne.s32 s2, $0x0  }
0x4bc: {  	s3 =	rddreg [dreg:$0x2];
	[bflag:$0x3] =	sbarrier.arrive $0xFFFF;
	s2 =	simm.s32 @!p0 $0x1C05  }
0x4bd: {  	[timem:s3], [sflag:s2] =	dma.local @!p0 [hbm:s0], s1  }
0x4be: {  	s0 =	simm.s32 @!p0 $0x5  }
0x4bf: {  	_ =	swait.ge @!p0 [sflag:s0], s1  }
0x4c0: {  	s1 =	ssub.s32 @!p0 $0x0, s1;
	[sflag:s0] =	ssyncset.done @!p0 $0x0  }
0x4c1: {  	[sflag:s0] =	ssyncadd.s32 @!p0 s1  }
0x4c2: {  	[bflag:$0x3] =	sbarrier.arrive $0xFFFF  }
0x4c3: {  	_ =	shalt  }

</sc_bundles>
